<compile_context>
chip_gen: v7x
topology: tpu7x:2x2x1
jax: 0.10.2.dev20260603
libtpu: 0.0.44.dev20260713+nightly
codegen_flags: <defaults>
</compile_context>

<pallas_src>
import functools

import jax
import jax.numpy as jnp
from jax import lax
from jax.experimental import pallas as pl
from jax.experimental.pallas import tpu as pltpu
from jax.experimental.pallas import tpu_sc as plsc

VOCAB = 1000000
DIM = 32
NC = 2
NS = 16
NW = NC * NS
LANES = 16

BC = 16


def _make_gather(nb: int, nl: int):
  per_w_b = nb // NW
  n_chunks = per_w_b // BC
  chunk = BC * nl
  assert nb % (NW * BC) == 0 and n_chunks % 3 == 2

  mesh = plsc.VectorSubcoreMesh(
      core_axis_name="c", subcore_axis_name="s", num_cores=NC, num_subcores=NS
  )

  @functools.partial(
      pl.kernel,
      out_type=jax.ShapeDtypeStruct((nl, DIM, nb), jnp.float32),
      mesh=mesh,
      scratch_types=[
          [pltpu.VMEM((BC, nl), jnp.int32) for _ in range(3)],
          [pltpu.VMEM((chunk,), jnp.int32) for _ in range(3)],
          [pltpu.VMEM((chunk, DIM), jnp.float32) for _ in range(3)],
          pltpu.VMEM((nl, DIM, BC), jnp.float32),
          [pltpu.SemaphoreType.DMA for _ in range(3)],
          pltpu.SemaphoreType.DMA,
      ],
      compiler_params=pltpu.CompilerParams(
          use_tc_tiling_on_sc=False, needs_layout_passes=False
      ),
  )
  def gather_kernel(table_hbm, idx_hbm, out_hbm, idxbs, idxls, gs, t_v, sgs, sw):
    wid = lax.axis_index("s") * NC + lax.axis_index("c")
    bbase = wid * per_w_b
    lane = lax.iota(jnp.int32, LANES)

    def stage_and_fire(b, k):
      b0 = bbase + k * BC
      pltpu.sync_copy(idx_hbm.at[pl.ds(b0, BC), :], idxbs[b])

      def l_body(l, carry):
        cols = jnp.full((LANES,), 0, jnp.int32) + l
        idxls[b][pl.ds(l * BC, BC)] = plsc.load_gather(idxbs[b], [lane, cols])
        return carry

      lax.fori_loop(0, nl, l_body, 0)
      pltpu.async_copy(table_hbm.at[idxls[b]], gs[b], sgs[b])

    def wb_window(k):
      return out_hbm.at[:, :, pl.ds(bbase + k * BC, BC)]

    def transpose_chunk(b):
      def l_body(l, carry):
        lsplat = jnp.full((LANES,), 0, jnp.int32) + l
        for c in range(BC):
          csplat = jnp.full((LANES,), c, jnp.int32)
          for h in range(DIM // LANES):
            v = gs[b][l * BC + c, pl.ds(h * LANES, LANES)]
            plsc.store_scatter(t_v, [lsplat, lane + h * LANES, csplat], v)
        return carry

      lax.fori_loop(0, nl, l_body, 0)

    for b in range(2):
      stage_and_fire(b, b)

    def body(s, carry):
      for b in range(3):
        k = s * 3 + b

        @pl.when(k + 2 < n_chunks)
        def _():
          stage_and_fire((b + 2) % 3, k + 2)

        pltpu.make_async_copy(table_hbm.at[idxls[b]], gs[b], sgs[b]).wait()

        @pl.when(k >= 1)
        def _():
          pltpu.make_async_copy(t_v, wb_window(0), sw).wait()

        transpose_chunk(b)
        pltpu.async_copy(t_v, wb_window(k), sw)

      return carry

    lax.fori_loop(0, n_chunks // 3, body, 0)

    for r in range(n_chunks % 3):
      k = n_chunks - (n_chunks % 3) + r
      b = k % 3
      pltpu.make_async_copy(table_hbm.at[idxls[b]], gs[b], sgs[b]).wait()
      pltpu.make_async_copy(t_v, wb_window(0), sw).wait()
      transpose_chunk(b)
      pltpu.async_copy(t_v, wb_window(k), sw)

    pltpu.make_async_copy(t_v, wb_window(0), sw).wait()

  return gather_kernel


@jax.jit
def kernel(table, input_):
  nb, nl = input_.shape
  out = _make_gather(nb, nl)(table, input_)
  return jnp.transpose(out, (2, 0, 1))

# --- scband reference (transcript-rebuilt; emitter-appended) ---
"""Pipeline reference for scband-embedding-layer-41300405518791 (READ-ONLY COPY).

The authoritative reference and input builder live on the scoring server;
editing this copy changes nothing except your own understanding.
"""

import jax, jax.numpy as jnp
import numpy as np

VOCAB = 1000000
DIM = 32
B = 16384
L = 50
PAD_ID = 0


def setup_inputs(seed: int = 0) -> dict:
    key = jax.random.key(seed)
    k_tab, k_idx = jax.random.split(key)
    # nn.Embedding weight: uniform_(-0.25, 0.25), then row-wise L2 normalization
    table = jax.random.uniform(k_tab, (VOCAB, DIM), minval=-0.25, maxval=0.25, dtype=jnp.float32)
    norms = jnp.linalg.norm(table, ord=2, axis=1, keepdims=True)
    table = table / norms
    indices = jax.random.randint(k_idx, (B, L), 0, VOCAB, dtype=jnp.int32)
    return {"table": table, "input_": indices}


def reference(table, input_):
    # EmbeddingLayer.forward: plain embedding lookup
    return jnp.take(table, input_, axis=0)

if __name__ == "__main__":
    import jax
    _d = setup_inputs()
    print(jax.jit(kernel)(*tuple(_d.values())))

</pallas_src>

<mosaic_0001>
#map = affine_map<(d0, d1) -> (0, 0)>
#map1 = affine_map<(d0, d1) -> (0, 0, 0)>
module attributes {stable_mosaic.version = 14 : i64} {
  func.func @gather_kernel(%arg0: i32, %arg1: i32, %arg2: memref<1000000x32xf32, #tpu.memory_space<hbm>>, %arg3: memref<16384x50xi32, #tpu.memory_space<hbm>>, %arg4: memref<50x32x16384xf32, #tpu.memory_space<hbm>>, %arg5: memref<16x50xi32, #tpu.memory_space<vmem>>, %arg6: memref<16x50xi32, #tpu.memory_space<vmem>>, %arg7: memref<16x50xi32, #tpu.memory_space<vmem>>, %arg8: memref<800xi32, #tpu.memory_space<vmem>>, %arg9: memref<800xi32, #tpu.memory_space<vmem>>, %arg10: memref<800xi32, #tpu.memory_space<vmem>>, %arg11: memref<800x32xf32, #tpu.memory_space<vmem>>, %arg12: memref<800x32xf32, #tpu.memory_space<vmem>>, %arg13: memref<800x32xf32, #tpu.memory_space<vmem>>, %arg14: memref<50x32x16xf32, #tpu.memory_space<vmem>>, %arg15: memref<!tpu.dma_semaphore, #tpu.memory_space<semaphore_mem>>, %arg16: memref<!tpu.dma_semaphore, #tpu.memory_space<semaphore_mem>>, %arg17: memref<!tpu.dma_semaphore, #tpu.memory_space<semaphore_mem>>, %arg18: memref<!tpu.dma_semaphore, #tpu.memory_space<semaphore_mem>>) attributes {dimension_semantics = [#tpu.dimension_semantics<core_parallel>, #tpu.dimension_semantics<subcore_parallel>], iteration_bounds = array<i64: 2, 16>, scalar_prefetch = 0 : i64, scratch_operands = 14 : i64, tpu.core_type = #tpu.core_type<sc_vector_subcore>, window_params = [{transform_indices = #map}, {transform_indices = #map}, {transform_indices = #map1}]} {
    %mul3A = arith.constant 2 : i32
    %mul3A_0 = arith.muli %arg1, %mul3A : i32
    %add3A = arith.addi %mul3A_0, %arg0 : i32
    %mul3A_1 = arith.constant 512 : i32
    %mul3A_2 = arith.muli %add3A, %mul3A_1 : i32
    %iota3A = tpu.iota {dimensions = array<i32: 0>} : vector<16xi32>
    %add3A_3 = arith.constant 0 : i32
    %add3A_4 = arith.addi %mul3A_2, %add3A_3 : i32
    "tpu.region"() ({
      %run_scoped3A = tpu.sem_alloc : memref<!tpu.dma_semaphore, #tpu.memory_space<semaphore_mem>>
      %dma_start3A_86 = arith.constant 0 : i32
      %dma_start3A_87 = tpu.memref_slice %arg3[%add3A_4, %dma_start3A_86] : memref<16384x50xi32, #tpu.memory_space<hbm>> -> memref<16x50xi32, #tpu.memory_space<hbm>>
      %dma_start3A_88 = arith.constant 0 : i32
      %dma_start3A_89 = tpu.memref_slice %arg3[%add3A_4, %dma_start3A_88] : memref<16384x50xi32, #tpu.memory_space<hbm>> -> memref<16x50xi32, #tpu.memory_space<hbm>>
      tpu.enqueue_dma source(%dma_start3A_89 : memref<16x50xi32, #tpu.memory_space<hbm>>) target(%arg5 : memref<16x50xi32, #tpu.memory_space<vmem>>) target_semaphore(%run_scoped3A : memref<!tpu.dma_semaphore, #tpu.memory_space<semaphore_mem>>)
      %dma_wait3A_90 = arith.constant 0 : i32
      %dma_wait3A_91 = tpu.memref_slice %arg3[%add3A_4, %dma_wait3A_90] : memref<16384x50xi32, #tpu.memory_space<hbm>> -> memref<16x50xi32, #tpu.memory_space<hbm>>
      %dma_wait3A_92 = arith.constant 0 : i32
      %dma_wait3A_93 = tpu.memref_slice %arg3[%add3A_4, %dma_wait3A_92] : memref<16384x50xi32, #tpu.memory_space<hbm>> -> memref<16x50xi32, #tpu.memory_space<hbm>>
      tpu.wait_dma2 semaphore(%run_scoped3A : memref<!tpu.dma_semaphore, #tpu.memory_space<semaphore_mem>>) src(%dma_wait3A_93 : memref<16x50xi32, #tpu.memory_space<hbm>>) dst(%arg5 : memref<16x50xi32, #tpu.memory_space<vmem>>)
      tpu.yield
    }) : () -> ()
    %scan3A = arith.constant 0 : i32
    %scan3A_5 = arith.constant 0 : i32
    %scan3A_6 = arith.constant 50 : i32
    %scan3A_7 = arith.addi %scan3A_5, %scan3A_6 : i32
    %scan3A_8 = arith.constant 1 : i32
    scf.for %scan3A_86 = %scan3A_5 to %scan3A_7 step %scan3A_8  : i32 {
      %broadcast_in_dim3A = arith.constant 0 : i32
      %broadcast_in_dim3A_87 = vector.broadcast %broadcast_in_dim3A : i32 to vector<16xi32>
      %add3A_88 = vector.broadcast %scan3A_86 : i32 to vector<16xi32>
      %add3A_89 = arith.addi %broadcast_in_dim3A_87, %add3A_88 : vector<16xi32>
      %gather3A = tpu.vector_load_idx %arg5[%iota3A, %add3A_89] : memref<16x50xi32, #tpu.memory_space<vmem>>[vector<16xi32>, vector<16xi32>], vector<16xi32>,
      %mul3A_90 = arith.constant 16 : i32
      %mul3A_91 = arith.muli %scan3A_86, %mul3A_90 : i32
      %swap3A = arith.index_cast %mul3A_91 : i32 to index
      %swap3A_92 = tpu.vector_load %arg8[%swap3A] {strides = array<i32>} : memref<800xi32, #tpu.memory_space<vmem>>, vector<16xi32>,
      tpu.vector_store %arg8[%swap3A], %gather3A {strides = array<i32>} : memref<800xi32, #tpu.memory_space<vmem>>, vector<16xi32>,
    }
    %scan3A_9 = arith.constant 50 : i32
    %dma_start3A = arith.constant 0 : i32
    %dma_start3A_10 = arith.constant 0 : i32
    %dma_start3A_11 = tpu.memref_slice %arg2[%dma_start3A, %dma_start3A_10] : memref<1000000x32xf32, #tpu.memory_space<hbm>> -> memref<1000000x32xf32, #tpu.memory_space<hbm>>
    tpu.enqueue_indirect_dma source(%dma_start3A_11 : memref<1000000x32xf32, #tpu.memory_space<hbm>>) target(%arg11 : memref<800x32xf32, #tpu.memory_space<vmem>>) offsets(%arg8 : memref<800xi32, #tpu.memory_space<vmem>>) semaphore(%arg15 : memref<!tpu.dma_semaphore, #tpu.memory_space<semaphore_mem>>)
    %add3A_12 = arith.constant 16 : i32
    %add3A_13 = arith.addi %mul3A_2, %add3A_12 : i32
    "tpu.region"() ({
      %run_scoped3A = tpu.sem_alloc : memref<!tpu.dma_semaphore, #tpu.memory_space<semaphore_mem>>
      %dma_start3A_86 = arith.constant 0 : i32
      %dma_start3A_87 = tpu.memref_slice %arg3[%add3A_13, %dma_start3A_86] : memref<16384x50xi32, #tpu.memory_space<hbm>> -> memref<16x50xi32, #tpu.memory_space<hbm>>
      %dma_start3A_88 = arith.constant 0 : i32
      %dma_start3A_89 = tpu.memref_slice %arg3[%add3A_13, %dma_start3A_88] : memref<16384x50xi32, #tpu.memory_space<hbm>> -> memref<16x50xi32, #tpu.memory_space<hbm>>
      tpu.enqueue_dma source(%dma_start3A_89 : memref<16x50xi32, #tpu.memory_space<hbm>>) target(%arg6 : memref<16x50xi32, #tpu.memory_space<vmem>>) target_semaphore(%run_scoped3A : memref<!tpu.dma_semaphore, #tpu.memory_space<semaphore_mem>>)
      %dma_wait3A_90 = arith.constant 0 : i32
      %dma_wait3A_91 = tpu.memref_slice %arg3[%add3A_13, %dma_wait3A_90] : memref<16384x50xi32, #tpu.memory_space<hbm>> -> memref<16x50xi32, #tpu.memory_space<hbm>>
      %dma_wait3A_92 = arith.constant 0 : i32
      %dma_wait3A_93 = tpu.memref_slice %arg3[%add3A_13, %dma_wait3A_92] : memref<16384x50xi32, #tpu.memory_space<hbm>> -> memref<16x50xi32, #tpu.memory_space<hbm>>
      tpu.wait_dma2 semaphore(%run_scoped3A : memref<!tpu.dma_semaphore, #tpu.memory_space<semaphore_mem>>) src(%dma_wait3A_93 : memref<16x50xi32, #tpu.memory_space<hbm>>) dst(%arg6 : memref<16x50xi32, #tpu.memory_space<vmem>>)
      tpu.yield
    }) : () -> ()
    %scan3A_14 = arith.constant 0 : i32
    %scan3A_15 = arith.constant 0 : i32
    %scan3A_16 = arith.constant 50 : i32
    %scan3A_17 = arith.addi %scan3A_15, %scan3A_16 : i32
    %scan3A_18 = arith.constant 1 : i32
    scf.for %scan3A_86 = %scan3A_15 to %scan3A_17 step %scan3A_18  : i32 {
      %broadcast_in_dim3A = arith.constant 0 : i32
      %broadcast_in_dim3A_87 = vector.broadcast %broadcast_in_dim3A : i32 to vector<16xi32>
      %add3A_88 = vector.broadcast %scan3A_86 : i32 to vector<16xi32>
      %add3A_89 = arith.addi %broadcast_in_dim3A_87, %add3A_88 : vector<16xi32>
      %gather3A = tpu.vector_load_idx %arg6[%iota3A, %add3A_89] : memref<16x50xi32, #tpu.memory_space<vmem>>[vector<16xi32>, vector<16xi32>], vector<16xi32>,
      %mul3A_90 = arith.constant 16 : i32
      %mul3A_91 = arith.muli %scan3A_86, %mul3A_90 : i32
      %swap3A = arith.index_cast %mul3A_91 : i32 to index
      %swap3A_92 = tpu.vector_load %arg9[%swap3A] {strides = array<i32>} : memref<800xi32, #tpu.memory_space<vmem>>, vector<16xi32>,
      tpu.vector_store %arg9[%swap3A], %gather3A {strides = array<i32>} : memref<800xi32, #tpu.memory_space<vmem>>, vector<16xi32>,
    }
    %scan3A_19 = arith.constant 50 : i32
    %dma_start3A_20 = arith.constant 0 : i32
    %dma_start3A_21 = arith.constant 0 : i32
    %dma_start3A_22 = tpu.memref_slice %arg2[%dma_start3A_20, %dma_start3A_21] : memref<1000000x32xf32, #tpu.memory_space<hbm>> -> memref<1000000x32xf32, #tpu.memory_space<hbm>>
    tpu.enqueue_indirect_dma source(%dma_start3A_22 : memref<1000000x32xf32, #tpu.memory_space<hbm>>) target(%arg12 : memref<800x32xf32, #tpu.memory_space<vmem>>) offsets(%arg9 : memref<800xi32, #tpu.memory_space<vmem>>) semaphore(%arg16 : memref<!tpu.dma_semaphore, #tpu.memory_space<semaphore_mem>>)
    %scan3A_23 = arith.constant 0 : i32
    %scan3A_24 = arith.constant 0 : i32
    %scan3A_25 = arith.constant 10 : i32
    %scan3A_26 = arith.addi %scan3A_24, %scan3A_25 : i32
    %scan3A_27 = arith.constant 1 : i32
    scf.for %scan3A_86 = %scan3A_24 to %scan3A_26 step %scan3A_27  : i32 {
      %mul3A_87 = arith.constant 3 : i32
      %mul3A_88 = arith.muli %scan3A_86, %mul3A_87 : i32
      %add3A_89 = arith.constant 0 : i32
      %add3A_90 = arith.addi %mul3A_88, %add3A_89 : i32
      %add3A_91 = arith.constant 2 : i32
      %add3A_92 = arith.addi %add3A_90, %add3A_91 : i32
      %lt3A = arith.constant 32 : i32
      %lt3A_93 = arith.cmpi slt, %add3A_92, %lt3A : i32
      %convert_element_type3A = arith.extui %lt3A_93 : i1 to i32
      %cond3A = arith.constant 0 : i32
      %cond3A_94 = arith.cmpi ne, %convert_element_type3A, %cond3A : i32
      scf.if %cond3A_94 {
        %add3A_185 = arith.constant 2 : i32
        %add3A_186 = arith.addi %add3A_90, %add3A_185 : i32
        %mul3A_187 = arith.constant 16 : i32
        %mul3A_188 = arith.muli %add3A_186, %mul3A_187 : i32
        %add3A_189 = arith.addi %mul3A_2, %mul3A_188 : i32
        "tpu.region"() ({
          %run_scoped3A = tpu.sem_alloc : memref<!tpu.dma_semaphore, #tpu.memory_space<semaphore_mem>>
          %dma_start3A_199 = arith.constant 0 : i32
          %dma_start3A_200 = tpu.memref_slice %arg3[%add3A_189, %dma_start3A_199] : memref<16384x50xi32, #tpu.memory_space<hbm>> -> memref<16x50xi32, #tpu.memory_space<hbm>>
          %dma_start3A_201 = arith.constant 0 : i32
          %dma_start3A_202 = tpu.memref_slice %arg3[%add3A_189, %dma_start3A_201] : memref<16384x50xi32, #tpu.memory_space<hbm>> -> memref<16x50xi32, #tpu.memory_space<hbm>>
          tpu.enqueue_dma source(%dma_start3A_202 : memref<16x50xi32, #tpu.memory_space<hbm>>) target(%arg7 : memref<16x50xi32, #tpu.memory_space<vmem>>) target_semaphore(%run_scoped3A : memref<!tpu.dma_semaphore, #tpu.memory_space<semaphore_mem>>)
          %dma_wait3A_203 = arith.constant 0 : i32
          %dma_wait3A_204 = tpu.memref_slice %arg3[%add3A_189, %dma_wait3A_203] : memref<16384x50xi32, #tpu.memory_space<hbm>> -> memref<16x50xi32, #tpu.memory_space<hbm>>
          %dma_wait3A_205 = arith.constant 0 : i32
          %dma_wait3A_206 = tpu.memref_slice %arg3[%add3A_189, %dma_wait3A_205] : memref<16384x50xi32, #tpu.memory_space<hbm>> -> memref<16x50xi32, #tpu.memory_space<hbm>>
          tpu.wait_dma2 semaphore(%run_scoped3A : memref<!tpu.dma_semaphore, #tpu.memory_space<semaphore_mem>>) src(%dma_wait3A_206 : memref<16x50xi32, #tpu.memory_space<hbm>>) dst(%arg7 : memref<16x50xi32, #tpu.memory_space<vmem>>)
          tpu.yield
        }) : () -> ()
        %scan3A_190 = arith.constant 0 : i32
        %scan3A_191 = arith.constant 0 : i32
        %scan3A_192 = arith.constant 50 : i32
        %scan3A_193 = arith.addi %scan3A_191, %scan3A_192 : i32
        %scan3A_194 = arith.constant 1 : i32
        scf.for %scan3A_199 = %scan3A_191 to %scan3A_193 step %scan3A_194  : i32 {
          %broadcast_in_dim3A = arith.constant 0 : i32
          %broadcast_in_dim3A_200 = vector.broadcast %broadcast_in_dim3A : i32 to vector<16xi32>
          %add3A_201 = vector.broadcast %scan3A_199 : i32 to vector<16xi32>
          %add3A_202 = arith.addi %broadcast_in_dim3A_200, %add3A_201 : vector<16xi32>
          %gather3A = tpu.vector_load_idx %arg7[%iota3A, %add3A_202] : memref<16x50xi32, #tpu.memory_space<vmem>>[vector<16xi32>, vector<16xi32>], vector<16xi32>,
          %mul3A_203 = arith.constant 16 : i32
          %mul3A_204 = arith.muli %scan3A_199, %mul3A_203 : i32
          %swap3A = arith.index_cast %mul3A_204 : i32 to index
          %swap3A_205 = tpu.vector_load %arg10[%swap3A] {strides = array<i32>} : memref<800xi32, #tpu.memory_space<vmem>>, vector<16xi32>,
          tpu.vector_store %arg10[%swap3A], %gather3A {strides = array<i32>} : memref<800xi32, #tpu.memory_space<vmem>>, vector<16xi32>,
        }
        %scan3A_195 = arith.constant 50 : i32
        %dma_start3A_196 = arith.constant 0 : i32
        %dma_start3A_197 = arith.constant 0 : i32
        %dma_start3A_198 = tpu.memref_slice %arg2[%dma_start3A_196, %dma_start3A_197] : memref<1000000x32xf32, #tpu.memory_space<hbm>> -> memref<1000000x32xf32, #tpu.memory_space<hbm>>
        tpu.enqueue_indirect_dma source(%dma_start3A_198 : memref<1000000x32xf32, #tpu.memory_space<hbm>>) target(%arg13 : memref<800x32xf32, #tpu.memory_space<vmem>>) offsets(%arg10 : memref<800xi32, #tpu.memory_space<vmem>>) semaphore(%arg17 : memref<!tpu.dma_semaphore, #tpu.memory_space<semaphore_mem>>)
      } else {
      }
      %dma_wait3A_95 = arith.constant 0 : i32
      %dma_wait3A_96 = arith.constant 0 : i32
      %dma_wait3A_97 = tpu.memref_slice %arg2[%dma_wait3A_95, %dma_wait3A_96] : memref<1000000x32xf32, #tpu.memory_space<hbm>> -> memref<1000000x32xf32, #tpu.memory_space<hbm>>
      tpu.wait_indirect_dma semaphore(%arg15 : memref<!tpu.dma_semaphore, #tpu.memory_space<semaphore_mem>>) src(%dma_wait3A_97 : memref<1000000x32xf32, #tpu.memory_space<hbm>>) dst(%arg11 : memref<800x32xf32, #tpu.memory_space<vmem>>)
      %ge3A = arith.constant 1 : i32
      %ge3A_98 = arith.cmpi sge, %add3A_90, %ge3A : i32
      %convert_element_type3A_99 = arith.extui %ge3A_98 : i1 to i32
      %cond3A_100 = arith.constant 0 : i32
      %cond3A_101 = arith.cmpi ne, %convert_element_type3A_99, %cond3A_100 : i32
      scf.if %cond3A_101 {
        %add3A_185 = arith.constant 0 : i32
        %add3A_186 = arith.addi %mul3A_2, %add3A_185 : i32
        %dma_wait3A_187 = arith.constant 0 : i32
        %dma_wait3A_188 = arith.constant 0 : i32
        %dma_wait3A_189 = tpu.memref_slice %arg4[%dma_wait3A_187, %dma_wait3A_188, %add3A_186] : memref<50x32x16384xf32, #tpu.memory_space<hbm>> -> memref<50x32x16xf32, #tpu.memory_space<hbm>>
        %dma_wait3A_190 = arith.constant 0 : i32
        %dma_wait3A_191 = arith.constant 0 : i32
        %dma_wait3A_192 = tpu.memref_slice %arg4[%dma_wait3A_190, %dma_wait3A_191, %add3A_186] : memref<50x32x16384xf32, #tpu.memory_space<hbm>> -> memref<50x32x16xf32, #tpu.memory_space<hbm>>
        tpu.wait_dma2 semaphore(%arg18 : memref<!tpu.dma_semaphore, #tpu.memory_space<semaphore_mem>>) src(%arg14 : memref<50x32x16xf32, #tpu.memory_space<vmem>>) dst(%dma_wait3A_192 : memref<50x32x16xf32, #tpu.memory_space<hbm>>)
      } else {
      }
      %scan3A_102 = arith.constant 0 : i32
      %scan3A_103 = arith.constant 0 : i32
      %scan3A_104 = arith.constant 50 : i32
      %scan3A_105 = arith.addi %scan3A_103, %scan3A_104 : i32
      %scan3A_106 = arith.constant 1 : i32
      scf.for %scan3A_185 = %scan3A_103 to %scan3A_105 step %scan3A_106  : i32 {
        %broadcast_in_dim3A = arith.constant 0 : i32
        %broadcast_in_dim3A_186 = vector.broadcast %broadcast_in_dim3A : i32 to vector<16xi32>
        %add3A_187 = vector.broadcast %scan3A_185 : i32 to vector<16xi32>
        %add3A_188 = arith.addi %broadcast_in_dim3A_186, %add3A_187 : vector<16xi32>
        %broadcast_in_dim3A_189 = arith.constant 0 : i32
        %broadcast_in_dim3A_190 = vector.broadcast %broadcast_in_dim3A_189 : i32 to vector<16xi32>
        %mul3A_191 = arith.constant 16 : i32
        %mul3A_192 = arith.muli %scan3A_185, %mul3A_191 : i32
        %add3A_193 = arith.constant 0 : i32
        %add3A_194 = arith.addi %mul3A_192, %add3A_193 : i32
        %get3A = arith.index_cast %add3A_194 : i32 to index
        %get3A_195 = arith.constant 0 : index
        %get3A_196 = tpu.vector_load %arg11[%get3A, %get3A_195] {strides = array<i32>} : memref<800x32xf32, #tpu.memory_space<vmem>>, vector<16xf32>,
        %add3A_197 = arith.constant 0 : i32
        %add3A_198 = vector.broadcast %add3A_197 : i32 to vector<16xi32>
        %add3A_199 = arith.addi %iota3A, %add3A_198 : vector<16xi32>
        tpu.vector_store_idx %arg14[%add3A_188, %add3A_199, %broadcast_in_dim3A_190], %get3A_196 : memref<50x32x16xf32, #tpu.memory_space<vmem>>[vector<16xi32>, vector<16xi32>, vector<16xi32>], vector<16xf32>,
        %mul3A_200 = arith.constant 16 : i32
        %mul3A_201 = arith.muli %scan3A_185, %mul3A_200 : i32
        %add3A_202 = arith.constant 0 : i32
        %add3A_203 = arith.addi %mul3A_201, %add3A_202 : i32
        %get3A_204 = arith.index_cast %add3A_203 : i32 to index
        %get3A_205 = arith.constant 16 : index
        %get3A_206 = tpu.vector_load %arg11[%get3A_204, %get3A_205] {strides = array<i32>} : memref<800x32xf32, #tpu.memory_space<vmem>>, vector<16xf32>,
        %add3A_207 = arith.constant 16 : i32
        %add3A_208 = vector.broadcast %add3A_207 : i32 to vector<16xi32>
        %add3A_209 = arith.addi %iota3A, %add3A_208 : vector<16xi32>
        tpu.vector_store_idx %arg14[%add3A_188, %add3A_209, %broadcast_in_dim3A_190], %get3A_206 : memref<50x32x16xf32, #tpu.memory_space<vmem>>[vector<16xi32>, vector<16xi32>, vector<16xi32>], vector<16xf32>,
        %broadcast_in_dim3A_210 = arith.constant 1 : i32
        %broadcast_in_dim3A_211 = vector.broadcast %broadcast_in_dim3A_210 : i32 to vector<16xi32>
        %mul3A_212 = arith.constant 16 : i32
        %mul3A_213 = arith.muli %scan3A_185, %mul3A_212 : i32
        %add3A_214 = arith.constant 1 : i32
        %add3A_215 = arith.addi %mul3A_213, %add3A_214 : i32
        %get3A_216 = arith.index_cast %add3A_215 : i32 to index
        %get3A_217 = arith.constant 0 : index
        %get3A_218 = tpu.vector_load %arg11[%get3A_216, %get3A_217] {strides = array<i32>} : memref<800x32xf32, #tpu.memory_space<vmem>>, vector<16xf32>,
        %add3A_219 = arith.constant 0 : i32
        %add3A_220 = vector.broadcast %add3A_219 : i32 to vector<16xi32>
        %add3A_221 = arith.addi %iota3A, %add3A_220 : vector<16xi32>
        tpu.vector_store_idx %arg14[%add3A_188, %add3A_221, %broadcast_in_dim3A_211], %get3A_218 : memref<50x32x16xf32, #tpu.memory_space<vmem>>[vector<16xi32>, vector<16xi32>, vector<16xi32>], vector<16xf32>,
        %mul3A_222 = arith.constant 16 : i32
        %mul3A_223 = arith.muli %scan3A_185, %mul3A_222 : i32
        %add3A_224 = arith.constant 1 : i32
        %add3A_225 = arith.addi %mul3A_223, %add3A_224 : i32
        %get3A_226 = arith.index_cast %add3A_225 : i32 to index
        %get3A_227 = arith.constant 16 : index
        %get3A_228 = tpu.vector_load %arg11[%get3A_226, %get3A_227] {strides = array<i32>} : memref<800x32xf32, #tpu.memory_space<vmem>>, vector<16xf32>,
        %add3A_229 = arith.constant 16 : i32
        %add3A_230 = vector.broadcast %add3A_229 : i32 to vector<16xi32>
        %add3A_231 = arith.addi %iota3A, %add3A_230 : vector<16xi32>
        tpu.vector_store_idx %arg14[%add3A_188, %add3A_231, %broadcast_in_dim3A_211], %get3A_228 : memref<50x32x16xf32, #tpu.memory_space<vmem>>[vector<16xi32>, vector<16xi32>, vector<16xi32>], vector<16xf32>,
        %broadcast_in_dim3A_232 = arith.constant 2 : i32
        %broadcast_in_dim3A_233 = vector.broadcast %broadcast_in_dim3A_232 : i32 to vector<16xi32>
        %mul3A_234 = arith.constant 16 : i32
        %mul3A_235 = arith.muli %scan3A_185, %mul3A_234 : i32
        %add3A_236 = arith.constant 2 : i32
        %add3A_237 = arith.addi %mul3A_235, %add3A_236 : i32
        %get3A_238 = arith.index_cast %add3A_237 : i32 to index
        %get3A_239 = arith.constant 0 : index
        %get3A_240 = tpu.vector_load %arg11[%get3A_238, %get3A_239] {strides = array<i32>} : memref<800x32xf32, #tpu.memory_space<vmem>>, vector<16xf32>,
        %add3A_241 = arith.constant 0 : i32
        %add3A_242 = vector.broadcast %add3A_241 : i32 to vector<16xi32>
        %add3A_243 = arith.addi %iota3A, %add3A_242 : vector<16xi32>
        tpu.vector_store_idx %arg14[%add3A_188, %add3A_243, %broadcast_in_dim3A_233], %get3A_240 : memref<50x32x16xf32, #tpu.memory_space<vmem>>[vector<16xi32>, vector<16xi32>, vector<16xi32>], vector<16xf32>,
        %mul3A_244 = arith.constant 16 : i32
        %mul3A_245 = arith.muli %scan3A_185, %mul3A_244 : i32
        %add3A_246 = arith.constant 2 : i32
        %add3A_247 = arith.addi %mul3A_245, %add3A_246 : i32
        %get3A_248 = arith.index_cast %add3A_247 : i32 to index
        %get3A_249 = arith.constant 16 : index
        %get3A_250 = tpu.vector_load %arg11[%get3A_248, %get3A_249] {strides = array<i32>} : memref<800x32xf32, #tpu.memory_space<vmem>>, vector<16xf32>,
        %add3A_251 = arith.constant 16 : i32
        %add3A_252 = vector.broadcast %add3A_251 : i32 to vector<16xi32>
        %add3A_253 = arith.addi %iota3A, %add3A_252 : vector<16xi32>
        tpu.vector_store_idx %arg14[%add3A_188, %add3A_253, %broadcast_in_dim3A_233], %get3A_250 : memref<50x32x16xf32, #tpu.memory_space<vmem>>[vector<16xi32>, vector<16xi32>, vector<16xi32>], vector<16xf32>,
        %broadcast_in_dim3A_254 = arith.constant 3 : i32
        %broadcast_in_dim3A_255 = vector.broadcast %broadcast_in_dim3A_254 : i32 to vector<16xi32>
        %mul3A_256 = arith.constant 16 : i32
        %mul3A_257 = arith.muli %scan3A_185, %mul3A_256 : i32
        %add3A_258 = arith.constant 3 : i32
        %add3A_259 = arith.addi %mul3A_257, %add3A_258 : i32
        %get3A_260 = arith.index_cast %add3A_259 : i32 to index
        %get3A_261 = arith.constant 0 : index
        %get3A_262 = tpu.vector_load %arg11[%get3A_260, %get3A_261] {strides = array<i32>} : memref<800x32xf32, #tpu.memory_space<vmem>>, vector<16xf32>,
        %add3A_263 = arith.constant 0 : i32
        %add3A_264 = vector.broadcast %add3A_263 : i32 to vector<16xi32>
        %add3A_265 = arith.addi %iota3A, %add3A_264 : vector<16xi32>
        tpu.vector_store_idx %arg14[%add3A_188, %add3A_265, %broadcast_in_dim3A_255], %get3A_262 : memref<50x32x16xf32, #tpu.memory_space<vmem>>[vector<16xi32>, vector<16xi32>, vector<16xi32>], vector<16xf32>,
        %mul3A_266 = arith.constant 16 : i32
        %mul3A_267 = arith.muli %scan3A_185, %mul3A_266 : i32
        %add3A_268 = arith.constant 3 : i32
        %add3A_269 = arith.addi %mul3A_267, %add3A_268 : i32
        %get3A_270 = arith.index_cast %add3A_269 : i32 to index
        %get3A_271 = arith.constant 16 : index
        %get3A_272 = tpu.vector_load %arg11[%get3A_270, %get3A_271] {strides = array<i32>} : memref<800x32xf32, #tpu.memory_space<vmem>>, vector<16xf32>,
        %add3A_273 = arith.constant 16 : i32
        %add3A_274 = vector.broadcast %add3A_273 : i32 to vector<16xi32>
        %add3A_275 = arith.addi %iota3A, %add3A_274 : vector<16xi32>
        tpu.vector_store_idx %arg14[%add3A_188, %add3A_275, %broadcast_in_dim3A_255], %get3A_272 : memref<50x32x16xf32, #tpu.memory_space<vmem>>[vector<16xi32>, vector<16xi32>, vector<16xi32>], vector<16xf32>,
        %broadcast_in_dim3A_276 = arith.constant 4 : i32
        %broadcast_in_dim3A_277 = vector.broadcast %broadcast_in_dim3A_276 : i32 to vector<16xi32>
        %mul3A_278 = arith.constant 16 : i32
        %mul3A_279 = arith.muli %scan3A_185, %mul3A_278 : i32
        %add3A_280 = arith.constant 4 : i32
        %add3A_281 = arith.addi %mul3A_279, %add3A_280 : i32
        %get3A_282 = arith.index_cast %add3A_281 : i32 to index
        %get3A_283 = arith.constant 0 : index
        %get3A_284 = tpu.vector_load %arg11[%get3A_282, %get3A_283] {strides = array<i32>} : memref<800x32xf32, #tpu.memory_space<vmem>>, vector<16xf32>,
        %add3A_285 = arith.constant 0 : i32
        %add3A_286 = vector.broadcast %add3A_285 : i32 to vector<16xi32>
        %add3A_287 = arith.addi %iota3A, %add3A_286 : vector<16xi32>
        tpu.vector_store_idx %arg14[%add3A_188, %add3A_287, %broadcast_in_dim3A_277], %get3A_284 : memref<50x32x16xf32, #tpu.memory_space<vmem>>[vector<16xi32>, vector<16xi32>, vector<16xi32>], vector<16xf32>,
        %mul3A_288 = arith.constant 16 : i32
        %mul3A_289 = arith.muli %scan3A_185, %mul3A_288 : i32
        %add3A_290 = arith.constant 4 : i32
        %add3A_291 = arith.addi %mul3A_289, %add3A_290 : i32
        %get3A_292 = arith.index_cast %add3A_291 : i32 to index
        %get3A_293 = arith.constant 16 : index
        %get3A_294 = tpu.vector_load %arg11[%get3A_292, %get3A_293] {strides = array<i32>} : memref<800x32xf32, #tpu.memory_space<vmem>>, vector<16xf32>,
        %add3A_295 = arith.constant 16 : i32
        %add3A_296 = vector.broadcast %add3A_295 : i32 to vector<16xi32>
        %add3A_297 = arith.addi %iota3A, %add3A_296 : vector<16xi32>
        tpu.vector_store_idx %arg14[%add3A_188, %add3A_297, %broadcast_in_dim3A_277], %get3A_294 : memref<50x32x16xf32, #tpu.memory_space<vmem>>[vector<16xi32>, vector<16xi32>, vector<16xi32>], vector<16xf32>,
        %broadcast_in_dim3A_298 = arith.constant 5 : i32
        %broadcast_in_dim3A_299 = vector.broadcast %broadcast_in_dim3A_298 : i32 to vector<16xi32>
        %mul3A_300 = arith.constant 16 : i32
        %mul3A_301 = arith.muli %scan3A_185, %mul3A_300 : i32
        %add3A_302 = arith.constant 5 : i32
        %add3A_303 = arith.addi %mul3A_301, %add3A_302 : i32
        %get3A_304 = arith.index_cast %add3A_303 : i32 to index
        %get3A_305 = arith.constant 0 : index
        %get3A_306 = tpu.vector_load %arg11[%get3A_304, %get3A_305] {strides = array<i32>} : memref<800x32xf32, #tpu.memory_space<vmem>>, vector<16xf32>,
        %add3A_307 = arith.constant 0 : i32
        %add3A_308 = vector.broadcast %add3A_307 : i32 to vector<16xi32>
        %add3A_309 = arith.addi %iota3A, %add3A_308 : vector<16xi32>
        tpu.vector_store_idx %arg14[%add3A_188, %add3A_309, %broadcast_in_dim3A_299], %get3A_306 : memref<50x32x16xf32, #tpu.memory_space<vmem>>[vector<16xi32>, vector<16xi32>, vector<16xi32>], vector<16xf32>,
        %mul3A_310 = arith.constant 16 : i32
        %mul3A_311 = arith.muli %scan3A_185, %mul3A_310 : i32
        %add3A_312 = arith.constant 5 : i32
        %add3A_313 = arith.addi %mul3A_311, %add3A_312 : i32
        %get3A_314 = arith.index_cast %add3A_313 : i32 to index
        %get3A_315 = arith.constant 16 : index
        %get3A_316 = tpu.vector_load %arg11[%get3A_314, %get3A_315] {strides = array<i32>} : memref<800x32xf32, #tpu.memory_space<vmem>>, vector<16xf32>,
        %add3A_317 = arith.constant 16 : i32
        %add3A_318 = vector.broadcast %add3A_317 : i32 to vector<16xi32>
        %add3A_319 = arith.addi %iota3A, %add3A_318 : vector<16xi32>
        tpu.vector_store_idx %arg14[%add3A_188, %add3A_319, %broadcast_in_dim3A_299], %get3A_316 : memref<50x32x16xf32, #tpu.memory_space<vmem>>[vector<16xi32>, vector<16xi32>, vector<16xi32>], vector<16xf32>,
        %broadcast_in_dim3A_320 = arith.constant 6 : i32
        %broadcast_in_dim3A_321 = vector.broadcast %broadcast_in_dim3A_320 : i32 to vector<16xi32>
        %mul3A_322 = arith.constant 16 : i32
        %mul3A_323 = arith.muli %scan3A_185, %mul3A_322 : i32
        %add3A_324 = arith.constant 6 : i32
        %add3A_325 = arith.addi %mul3A_323, %add3A_324 : i32
        %get3A_326 = arith.index_cast %add3A_325 : i32 to index
        %get3A_327 = arith.constant 0 : index
        %get3A_328 = tpu.vector_load %arg11[%get3A_326, %get3A_327] {strides = array<i32>} : memref<800x32xf32, #tpu.memory_space<vmem>>, vector<16xf32>,
        %add3A_329 = arith.constant 0 : i32
        %add3A_330 = vector.broadcast %add3A_329 : i32 to vector<16xi32>
        %add3A_331 = arith.addi %iota3A, %add3A_330 : vector<16xi32>
        tpu.vector_store_idx %arg14[%add3A_188, %add3A_331, %broadcast_in_dim3A_321], %get3A_328 : memref<50x32x16xf32, #tpu.memory_space<vmem>>[vector<16xi32>, vector<16xi32>, vector<16xi32>], vector<16xf32>,
        %mul3A_332 = arith.constant 16 : i32
        %mul3A_333 = arith.muli %scan3A_185, %mul3A_332 : i32
        %add3A_334 = arith.constant 6 : i32
        %add3A_335 = arith.addi %mul3A_333, %add3A_334 : i32
        %get3A_336 = arith.index_cast %add3A_335 : i32 to index
        %get3A_337 = arith.constant 16 : index
        %get3A_338 = tpu.vector_load %arg11[%get3A_336, %get3A_337] {strides = array<i32>} : memref<800x32xf32, #tpu.memory_space<vmem>>, vector<16xf32>,
        %add3A_339 = arith.constant 16 : i32
        %add3A_340 = vector.broadcast %add3A_339 : i32 to vector<16xi32>
        %add3A_341 = arith.addi %iota3A, %add3A_340 : vector<16xi32>
        tpu.vector_store_idx %arg14[%add3A_188, %add3A_341, %broadcast_in_dim3A_321], %get3A_338 : memref<50x32x16xf32, #tpu.memory_space<vmem>>[vector<16xi32>, vector<16xi32>, vector<16xi32>], vector<16xf32>,
        %broadcast_in_dim3A_342 = arith.constant 7 : i32
        %broadcast_in_dim3A_343 = vector.broadcast %broadcast_in_dim3A_342 : i32 to vector<16xi32>
        %mul3A_344 = arith.constant 16 : i32
        %mul3A_345 = arith.muli %scan3A_185, %mul3A_344 : i32
        %add3A_346 = arith.constant 7 : i32
        %add3A_347 = arith.addi %mul3A_345, %add3A_346 : i32
        %get3A_348 = arith.index_cast %add3A_347 : i32 to index
        %get3A_349 = arith.constant 0 : index
        %get3A_350 = tpu.vector_load %arg11[%get3A_348, %get3A_349] {strides = array<i32>} : memref<800x32xf32, #tpu.memory_space<vmem>>, vector<16xf32>,
        %add3A_351 = arith.constant 0 : i32
        %add3A_352 = vector.broadcast %add3A_351 : i32 to vector<16xi32>
        %add3A_353 = arith.addi %iota3A, %add3A_352 : vector<16xi32>
        tpu.vector_store_idx %arg14[%add3A_188, %add3A_353, %broadcast_in_dim3A_343], %get3A_350 : memref<50x32x16xf32, #tpu.memory_space<vmem>>[vector<16xi32>, vector<16xi32>, vector<16xi32>], vector<16xf32>,
        %mul3A_354 = arith.constant 16 : i32
        %mul3A_355 = arith.muli %scan3A_185, %mul3A_354 : i32
        %add3A_356 = arith.constant 7 : i32
        %add3A_357 = arith.addi %mul3A_355, %add3A_356 : i32
        %get3A_358 = arith.index_cast %add3A_357 : i32 to index
        %get3A_359 = arith.constant 16 : index
        %get3A_360 = tpu.vector_load %arg11[%get3A_358, %get3A_359] {strides = array<i32>} : memref<800x32xf32, #tpu.memory_space<vmem>>, vector<16xf32>,
        %add3A_361 = arith.constant 16 : i32
        %add3A_362 = vector.broadcast %add3A_361 : i32 to vector<16xi32>
        %add3A_363 = arith.addi %iota3A, %add3A_362 : vector<16xi32>
        tpu.vector_store_idx %arg14[%add3A_188, %add3A_363, %broadcast_in_dim3A_343], %get3A_360 : memref<50x32x16xf32, #tpu.memory_space<vmem>>[vector<16xi32>, vector<16xi32>, vector<16xi32>], vector<16xf32>,
        %broadcast_in_dim3A_364 = arith.constant 8 : i32
        %broadcast_in_dim3A_365 = vector.broadcast %broadcast_in_dim3A_364 : i32 to vector<16xi32>
        %mul3A_366 = arith.constant 16 : i32
        %mul3A_367 = arith.muli %scan3A_185, %mul3A_366 : i32
        %add3A_368 = arith.constant 8 : i32
        %add3A_369 = arith.addi %mul3A_367, %add3A_368 : i32
        %get3A_370 = arith.index_cast %add3A_369 : i32 to index
        %get3A_371 = arith.constant 0 : index
        %get3A_372 = tpu.vector_load %arg11[%get3A_370, %get3A_371] {strides = array<i32>} : memref<800x32xf32, #tpu.memory_space<vmem>>, vector<16xf32>,
        %add3A_373 = arith.constant 0 : i32
        %add3A_374 = vector.broadcast %add3A_373 : i32 to vector<16xi32>
        %add3A_375 = arith.addi %iota3A, %add3A_374 : vector<16xi32>
        tpu.vector_store_idx %arg14[%add3A_188, %add3A_375, %broadcast_in_dim3A_365], %get3A_372 : memref<50x32x16xf32, #tpu.memory_space<vmem>>[vector<16xi32>, vector<16xi32>, vector<16xi32>], vector<16xf32>,
        %mul3A_376 = arith.constant 16 : i32
        %mul3A_377 = arith.muli %scan3A_185, %mul3A_376 : i32
        %add3A_378 = arith.constant 8 : i32
        %add3A_379 = arith.addi %mul3A_377, %add3A_378 : i32
        %get3A_380 = arith.index_cast %add3A_379 : i32 to index
        %get3A_381 = arith.constant 16 : index
        %get3A_382 = tpu.vector_load %arg11[%get3A_380, %get3A_381] {strides = array<i32>} : memref<800x32xf32, #tpu.memory_space<vmem>>, vector<16xf32>,
        %add3A_383 = arith.constant 16 : i32
        %add3A_384 = vector.broadcast %add3A_383 : i32 to vector<16xi32>
        %add3A_385 = arith.addi %iota3A, %add3A_384 : vector<16xi32>
        tpu.vector_store_idx %arg14[%add3A_188, %add3A_385, %broadcast_in_dim3A_365], %get3A_382 : memref<50x32x16xf32, #tpu.memory_space<vmem>>[vector<16xi32>, vector<16xi32>, vector<16xi32>], vector<16xf32>,
        %broadcast_in_dim3A_386 = arith.constant 9 : i32
        %broadcast_in_dim3A_387 = vector.broadcast %broadcast_in_dim3A_386 : i32 to vector<16xi32>
        %mul3A_388 = arith.constant 16 : i32
        %mul3A_389 = arith.muli %scan3A_185, %mul3A_388 : i32
        %add3A_390 = arith.constant 9 : i32
        %add3A_391 = arith.addi %mul3A_389, %add3A_390 : i32
        %get3A_392 = arith.index_cast %add3A_391 : i32 to index
        %get3A_393 = arith.constant 0 : index
        %get3A_394 = tpu.vector_load %arg11[%get3A_392, %get3A_393] {strides = array<i32>} : memref<800x32xf32, #tpu.memory_space<vmem>>, vector<16xf32>,
        %add3A_395 = arith.constant 0 : i32
        %add3A_396 = vector.broadcast %add3A_395 : i32 to vector<16xi32>
        %add3A_397 = arith.addi %iota3A, %add3A_396 : vector<16xi32>
        tpu.vector_store_idx %arg14[%add3A_188, %add3A_397, %broadcast_in_dim3A_387], %get3A_394 : memref<50x32x16xf32, #tpu.memory_space<vmem>>[vector<16xi32>, vector<16xi32>, vector<16xi32>], vector<16xf32>,
        %mul3A_398 = arith.constant 16 : i32
        %mul3A_399 = arith.muli %scan3A_185, %mul3A_398 : i32
        %add3A_400 = arith.constant 9 : i32
        %add3A_401 = arith.addi %mul3A_399, %add3A_400 : i32
        %get3A_402 = arith.index_cast %add3A_401 : i32 to index
        %get3A_403 = arith.constant 16 : index
        %get3A_404 = tpu.vector_load %arg11[%get3A_402, %get3A_403] {strides = array<i32>} : memref<800x32xf32, #tpu.memory_space<vmem>>, vector<16xf32>,
        %add3A_405 = arith.constant 16 : i32
        %add3A_406 = vector.broadcast %add3A_405 : i32 to vector<16xi32>
        %add3A_407 = arith.addi %iota3A, %add3A_406 : vector<16xi32>
        tpu.vector_store_idx %arg14[%add3A_188, %add3A_407, %broadcast_in_dim3A_387], %get3A_404 : memref<50x32x16xf32, #tpu.memory_space<vmem>>[vector<16xi32>, vector<16xi32>, vector<16xi32>], vector<16xf32>,
        %broadcast_in_dim3A_408 = arith.constant 10 : i32
        %broadcast_in_dim3A_409 = vector.broadcast %broadcast_in_dim3A_408 : i32 to vector<16xi32>
        %mul3A_410 = arith.constant 16 : i32
        %mul3A_411 = arith.muli %scan3A_185, %mul3A_410 : i32
        %add3A_412 = arith.constant 10 : i32
        %add3A_413 = arith.addi %mul3A_411, %add3A_412 : i32
        %get3A_414 = arith.index_cast %add3A_413 : i32 to index
        %get3A_415 = arith.constant 0 : index
        %get3A_416 = tpu.vector_load %arg11[%get3A_414, %get3A_415] {strides = array<i32>} : memref<800x32xf32, #tpu.memory_space<vmem>>, vector<16xf32>,
        %add3A_417 = arith.constant 0 : i32
        %add3A_418 = vector.broadcast %add3A_417 : i32 to vector<16xi32>
        %add3A_419 = arith.addi %iota3A, %add3A_418 : vector<16xi32>
        tpu.vector_store_idx %arg14[%add3A_188, %add3A_419, %broadcast_in_dim3A_409], %get3A_416 : memref<50x32x16xf32, #tpu.memory_space<vmem>>[vector<16xi32>, vector<16xi32>, vector<16xi32>], vector<16xf32>,
        %mul3A_420 = arith.constant 16 : i32
        %mul3A_421 = arith.muli %scan3A_185, %mul3A_420 : i32
        %add3A_422 = arith.constant 10 : i32
        %add3A_423 = arith.addi %mul3A_421, %add3A_422 : i32
        %get3A_424 = arith.index_cast %add3A_423 : i32 to index
        %get3A_425 = arith.constant 16 : index
        %get3A_426 = tpu.vector_load %arg11[%get3A_424, %get3A_425] {strides = array<i32>} : memref<800x32xf32, #tpu.memory_space<vmem>>, vector<16xf32>,
        %add3A_427 = arith.constant 16 : i32
        %add3A_428 = vector.broadcast %add3A_427 : i32 to vector<16xi32>
        %add3A_429 = arith.addi %iota3A, %add3A_428 : vector<16xi32>
        tpu.vector_store_idx %arg14[%add3A_188, %add3A_429, %broadcast_in_dim3A_409], %get3A_426 : memref<50x32x16xf32, #tpu.memory_space<vmem>>[vector<16xi32>, vector<16xi32>, vector<16xi32>], vector<16xf32>,
        %broadcast_in_dim3A_430 = arith.constant 11 : i32
        %broadcast_in_dim3A_431 = vector.broadcast %broadcast_in_dim3A_430 : i32 to vector<16xi32>
        %mul3A_432 = arith.constant 16 : i32
        %mul3A_433 = arith.muli %scan3A_185, %mul3A_432 : i32
        %add3A_434 = arith.constant 11 : i32
        %add3A_435 = arith.addi %mul3A_433, %add3A_434 : i32
        %get3A_436 = arith.index_cast %add3A_435 : i32 to index
        %get3A_437 = arith.constant 0 : index
        %get3A_438 = tpu.vector_load %arg11[%get3A_436, %get3A_437] {strides = array<i32>} : memref<800x32xf32, #tpu.memory_space<vmem>>, vector<16xf32>,
        %add3A_439 = arith.constant 0 : i32
        %add3A_440 = vector.broadcast %add3A_439 : i32 to vector<16xi32>
        %add3A_441 = arith.addi %iota3A, %add3A_440 : vector<16xi32>
        tpu.vector_store_idx %arg14[%add3A_188, %add3A_441, %broadcast_in_dim3A_431], %get3A_438 : memref<50x32x16xf32, #tpu.memory_space<vmem>>[vector<16xi32>, vector<16xi32>, vector<16xi32>], vector<16xf32>,
        %mul3A_442 = arith.constant 16 : i32
        %mul3A_443 = arith.muli %scan3A_185, %mul3A_442 : i32
        %add3A_444 = arith.constant 11 : i32
        %add3A_445 = arith.addi %mul3A_443, %add3A_444 : i32
        %get3A_446 = arith.index_cast %add3A_445 : i32 to index
        %get3A_447 = arith.constant 16 : index
        %get3A_448 = tpu.vector_load %arg11[%get3A_446, %get3A_447] {strides = array<i32>} : memref<800x32xf32, #tpu.memory_space<vmem>>, vector<16xf32>,
        %add3A_449 = arith.constant 16 : i32
        %add3A_450 = vector.broadcast %add3A_449 : i32 to vector<16xi32>
        %add3A_451 = arith.addi %iota3A, %add3A_450 : vector<16xi32>
        tpu.vector_store_idx %arg14[%add3A_188, %add3A_451, %broadcast_in_dim3A_431], %get3A_448 : memref<50x32x16xf32, #tpu.memory_space<vmem>>[vector<16xi32>, vector<16xi32>, vector<16xi32>], vector<16xf32>,
        %broadcast_in_dim3A_452 = arith.constant 12 : i32
        %broadcast_in_dim3A_453 = vector.broadcast %broadcast_in_dim3A_452 : i32 to vector<16xi32>
        %mul3A_454 = arith.constant 16 : i32
        %mul3A_455 = arith.muli %scan3A_185, %mul3A_454 : i32
        %add3A_456 = arith.constant 12 : i32
        %add3A_457 = arith.addi %mul3A_455, %add3A_456 : i32
        %get3A_458 = arith.index_cast %add3A_457 : i32 to index
        %get3A_459 = arith.constant 0 : index
        %get3A_460 = tpu.vector_load %arg11[%get3A_458, %get3A_459] {strides = array<i32>} : memref<800x32xf32, #tpu.memory_space<vmem>>, vector<16xf32>,
        %add3A_461 = arith.constant 0 : i32
        %add3A_462 = vector.broadcast %add3A_461 : i32 to vector<16xi32>
        %add3A_463 = arith.addi %iota3A, %add3A_462 : vector<16xi32>
        tpu.vector_store_idx %arg14[%add3A_188, %add3A_463, %broadcast_in_dim3A_453], %get3A_460 : memref<50x32x16xf32, #tpu.memory_space<vmem>>[vector<16xi32>, vector<16xi32>, vector<16xi32>], vector<16xf32>,
        %mul3A_464 = arith.constant 16 : i32
        %mul3A_465 = arith.muli %scan3A_185, %mul3A_464 : i32
        %add3A_466 = arith.constant 12 : i32
        %add3A_467 = arith.addi %mul3A_465, %add3A_466 : i32
        %get3A_468 = arith.index_cast %add3A_467 : i32 to index
        %get3A_469 = arith.constant 16 : index
        %get3A_470 = tpu.vector_load %arg11[%get3A_468, %get3A_469] {strides = array<i32>} : memref<800x32xf32, #tpu.memory_space<vmem>>, vector<16xf32>,
        %add3A_471 = arith.constant 16 : i32
        %add3A_472 = vector.broadcast %add3A_471 : i32 to vector<16xi32>
        %add3A_473 = arith.addi %iota3A, %add3A_472 : vector<16xi32>
        tpu.vector_store_idx %arg14[%add3A_188, %add3A_473, %broadcast_in_dim3A_453], %get3A_470 : memref<50x32x16xf32, #tpu.memory_space<vmem>>[vector<16xi32>, vector<16xi32>, vector<16xi32>], vector<16xf32>,
        %broadcast_in_dim3A_474 = arith.constant 13 : i32
        %broadcast_in_dim3A_475 = vector.broadcast %broadcast_in_dim3A_474 : i32 to vector<16xi32>
        %mul3A_476 = arith.constant 16 : i32
        %mul3A_477 = arith.muli %scan3A_185, %mul3A_476 : i32
        %add3A_478 = arith.constant 13 : i32
        %add3A_479 = arith.addi %mul3A_477, %add3A_478 : i32
        %get3A_480 = arith.index_cast %add3A_479 : i32 to index
        %get3A_481 = arith.constant 0 : index
        %get3A_482 = tpu.vector_load %arg11[%get3A_480, %get3A_481] {strides = array<i32>} : memref<800x32xf32, #tpu.memory_space<vmem>>, vector<16xf32>,
        %add3A_483 = arith.constant 0 : i32
        %add3A_484 = vector.broadcast %add3A_483 : i32 to vector<16xi32>
        %add3A_485 = arith.addi %iota3A, %add3A_484 : vector<16xi32>
        tpu.vector_store_idx %arg14[%add3A_188, %add3A_485, %broadcast_in_dim3A_475], %get3A_482 : memref<50x32x16xf32, #tpu.memory_space<vmem>>[vector<16xi32>, vector<16xi32>, vector<16xi32>], vector<16xf32>,
        %mul3A_486 = arith.constant 16 : i32
        %mul3A_487 = arith.muli %scan3A_185, %mul3A_486 : i32
        %add3A_488 = arith.constant 13 : i32
        %add3A_489 = arith.addi %mul3A_487, %add3A_488 : i32
        %get3A_490 = arith.index_cast %add3A_489 : i32 to index
        %get3A_491 = arith.constant 16 : index
        %get3A_492 = tpu.vector_load %arg11[%get3A_490, %get3A_491] {strides = array<i32>} : memref<800x32xf32, #tpu.memory_space<vmem>>, vector<16xf32>,
        %add3A_493 = arith.constant 16 : i32
        %add3A_494 = vector.broadcast %add3A_493 : i32 to vector<16xi32>
        %add3A_495 = arith.addi %iota3A, %add3A_494 : vector<16xi32>
        tpu.vector_store_idx %arg14[%add3A_188, %add3A_495, %broadcast_in_dim3A_475], %get3A_492 : memref<50x32x16xf32, #tpu.memory_space<vmem>>[vector<16xi32>, vector<16xi32>, vector<16xi32>], vector<16xf32>,
        %broadcast_in_dim3A_496 = arith.constant 14 : i32
        %broadcast_in_dim3A_497 = vector.broadcast %broadcast_in_dim3A_496 : i32 to vector<16xi32>
        %mul3A_498 = arith.constant 16 : i32
        %mul3A_499 = arith.muli %scan3A_185, %mul3A_498 : i32
        %add3A_500 = arith.constant 14 : i32
        %add3A_501 = arith.addi %mul3A_499, %add3A_500 : i32
        %get3A_502 = arith.index_cast %add3A_501 : i32 to index
        %get3A_503 = arith.constant 0 : index
        %get3A_504 = tpu.vector_load %arg11[%get3A_502, %get3A_503] {strides = array<i32>} : memref<800x32xf32, #tpu.memory_space<vmem>>, vector<16xf32>,
        %add3A_505 = arith.constant 0 : i32
        %add3A_506 = vector.broadcast %add3A_505 : i32 to vector<16xi32>
        %add3A_507 = arith.addi %iota3A, %add3A_506 : vector<16xi32>
        tpu.vector_store_idx %arg14[%add3A_188, %add3A_507, %broadcast_in_dim3A_497], %get3A_504 : memref<50x32x16xf32, #tpu.memory_space<vmem>>[vector<16xi32>, vector<16xi32>, vector<16xi32>], vector<16xf32>,
        %mul3A_508 = arith.constant 16 : i32
        %mul3A_509 = arith.muli %scan3A_185, %mul3A_508 : i32
        %add3A_510 = arith.constant 14 : i32
        %add3A_511 = arith.addi %mul3A_509, %add3A_510 : i32
        %get3A_512 = arith.index_cast %add3A_511 : i32 to index
        %get3A_513 = arith.constant 16 : index
        %get3A_514 = tpu.vector_load %arg11[%get3A_512, %get3A_513] {strides = array<i32>} : memref<800x32xf32, #tpu.memory_space<vmem>>, vector<16xf32>,
        %add3A_515 = arith.constant 16 : i32
        %add3A_516 = vector.broadcast %add3A_515 : i32 to vector<16xi32>
        %add3A_517 = arith.addi %iota3A, %add3A_516 : vector<16xi32>
        tpu.vector_store_idx %arg14[%add3A_188, %add3A_517, %broadcast_in_dim3A_497], %get3A_514 : memref<50x32x16xf32, #tpu.memory_space<vmem>>[vector<16xi32>, vector<16xi32>, vector<16xi32>], vector<16xf32>,
        %broadcast_in_dim3A_518 = arith.constant 15 : i32
        %broadcast_in_dim3A_519 = vector.broadcast %broadcast_in_dim3A_518 : i32 to vector<16xi32>
        %mul3A_520 = arith.constant 16 : i32
        %mul3A_521 = arith.muli %scan3A_185, %mul3A_520 : i32
        %add3A_522 = arith.constant 15 : i32
        %add3A_523 = arith.addi %mul3A_521, %add3A_522 : i32
        %get3A_524 = arith.index_cast %add3A_523 : i32 to index
        %get3A_525 = arith.constant 0 : index
        %get3A_526 = tpu.vector_load %arg11[%get3A_524, %get3A_525] {strides = array<i32>} : memref<800x32xf32, #tpu.memory_space<vmem>>, vector<16xf32>,
        %add3A_527 = arith.constant 0 : i32
        %add3A_528 = vector.broadcast %add3A_527 : i32 to vector<16xi32>
        %add3A_529 = arith.addi %iota3A, %add3A_528 : vector<16xi32>
        tpu.vector_store_idx %arg14[%add3A_188, %add3A_529, %broadcast_in_dim3A_519], %get3A_526 : memref<50x32x16xf32, #tpu.memory_space<vmem>>[vector<16xi32>, vector<16xi32>, vector<16xi32>], vector<16xf32>,
        %mul3A_530 = arith.constant 16 : i32
        %mul3A_531 = arith.muli %scan3A_185, %mul3A_530 : i32
        %add3A_532 = arith.constant 15 : i32
        %add3A_533 = arith.addi %mul3A_531, %add3A_532 : i32
        %get3A_534 = arith.index_cast %add3A_533 : i32 to index
        %get3A_535 = arith.constant 16 : index
        %get3A_536 = tpu.vector_load %arg11[%get3A_534, %get3A_535] {strides = array<i32>} : memref<800x32xf32, #tpu.memory_space<vmem>>, vector<16xf32>,
        %add3A_537 = arith.constant 16 : i32
        %add3A_538 = vector.broadcast %add3A_537 : i32 to vector<16xi32>
        %add3A_539 = arith.addi %iota3A, %add3A_538 : vector<16xi32>
        tpu.vector_store_idx %arg14[%add3A_188, %add3A_539, %broadcast_in_dim3A_519], %get3A_536 : memref<50x32x16xf32, #tpu.memory_space<vmem>>[vector<16xi32>, vector<16xi32>, vector<16xi32>], vector<16xf32>,
      }
      %scan3A_107 = arith.constant 50 : i32
      %mul3A_108 = arith.constant 16 : i32
      %mul3A_109 = arith.muli %add3A_90, %mul3A_108 : i32
      %add3A_110 = arith.addi %mul3A_2, %mul3A_109 : i32
      %dma_start3A_111 = arith.constant 0 : i32
      %dma_start3A_112 = arith.constant 0 : i32
      %dma_start3A_113 = tpu.memref_slice %arg4[%dma_start3A_111, %dma_start3A_112, %add3A_110] : memref<50x32x16384xf32, #tpu.memory_space<hbm>> -> memref<50x32x16xf32, #tpu.memory_space<hbm>>
      %dma_start3A_114 = arith.constant 0 : i32
      %dma_start3A_115 = arith.constant 0 : i32
      %dma_start3A_116 = tpu.memref_slice %arg4[%dma_start3A_114, %dma_start3A_115, %add3A_110] : memref<50x32x16384xf32, #tpu.memory_space<hbm>> -> memref<50x32x16xf32, #tpu.memory_space<hbm>>
      tpu.enqueue_dma source(%arg14 : memref<50x32x16xf32, #tpu.memory_space<vmem>>) target(%dma_start3A_116 : memref<50x32x16xf32, #tpu.memory_space<hbm>>) target_semaphore(%arg18 : memref<!tpu.dma_semaphore, #tpu.memory_space<semaphore_mem>>)
      %mul3A_117 = arith.constant 3 : i32
      %mul3A_118 = arith.muli %scan3A_86, %mul3A_117 : i32
      %add3A_119 = arith.constant 1 : i32
      %add3A_120 = arith.addi %mul3A_118, %add3A_119 : i32
      %add3A_121 = arith.constant 2 : i32
      %add3A_122 = arith.addi %add3A_120, %add3A_121 : i32
      %lt3A_123 = arith.constant 32 : i32
      %lt3A_124 = arith.cmpi slt, %add3A_122, %lt3A_123 : i32
      %convert_element_type3A_125 = arith.extui %lt3A_124 : i1 to i32
      %cond3A_126 = arith.constant 0 : i32
      %cond3A_127 = arith.cmpi ne, %convert_element_type3A_125, %cond3A_126 : i32
      scf.if %cond3A_127 {
        %add3A_185 = arith.constant 2 : i32
        %add3A_186 = arith.addi %add3A_120, %add3A_185 : i32
        %mul3A_187 = arith.constant 16 : i32
        %mul3A_188 = arith.muli %add3A_186, %mul3A_187 : i32
        %add3A_189 = arith.addi %mul3A_2, %mul3A_188 : i32
        "tpu.region"() ({
          %run_scoped3A = tpu.sem_alloc : memref<!tpu.dma_semaphore, #tpu.memory_space<semaphore_mem>>
          %dma_start3A_199 = arith.constant 0 : i32
          %dma_start3A_200 = tpu.memref_slice %arg3[%add3A_189, %dma_start3A_199] : memref<16384x50xi32, #tpu.memory_space<hbm>> -> memref<16x50xi32, #tpu.memory_space<hbm>>
          %dma_start3A_201 = arith.constant 0 : i32
          %dma_start3A_202 = tpu.memref_slice %arg3[%add3A_189, %dma_start3A_201] : memref<16384x50xi32, #tpu.memory_space<hbm>> -> memref<16x50xi32, #tpu.memory_space<hbm>>
          tpu.enqueue_dma source(%dma_start3A_202 : memref<16x50xi32, #tpu.memory_space<hbm>>) target(%arg5 : memref<16x50xi32, #tpu.memory_space<vmem>>) target_semaphore(%run_scoped3A : memref<!tpu.dma_semaphore, #tpu.memory_space<semaphore_mem>>)
          %dma_wait3A_203 = arith.constant 0 : i32
          %dma_wait3A_204 = tpu.memref_slice %arg3[%add3A_189, %dma_wait3A_203] : memref<16384x50xi32, #tpu.memory_space<hbm>> -> memref<16x50xi32, #tpu.memory_space<hbm>>
          %dma_wait3A_205 = arith.constant 0 : i32
          %dma_wait3A_206 = tpu.memref_slice %arg3[%add3A_189, %dma_wait3A_205] : memref<16384x50xi32, #tpu.memory_space<hbm>> -> memref<16x50xi32, #tpu.memory_space<hbm>>
          tpu.wait_dma2 semaphore(%run_scoped3A : memref<!tpu.dma_semaphore, #tpu.memory_space<semaphore_mem>>) src(%dma_wait3A_206 : memref<16x50xi32, #tpu.memory_space<hbm>>) dst(%arg5 : memref<16x50xi32, #tpu.memory_space<vmem>>)
          tpu.yield
        }) : () -> ()
        %scan3A_190 = arith.constant 0 : i32
        %scan3A_191 = arith.constant 0 : i32
        %scan3A_192 = arith.constant 50 : i32
        %scan3A_193 = arith.addi %scan3A_191, %scan3A_192 : i32
        %scan3A_194 = arith.constant 1 : i32
        scf.for %scan3A_199 = %scan3A_191 to %scan3A_193 step %scan3A_194  : i32 {
          %broadcast_in_dim3A = arith.constant 0 : i32
          %broadcast_in_dim3A_200 = vector.broadcast %broadcast_in_dim3A : i32 to vector<16xi32>
          %add3A_201 = vector.broadcast %scan3A_199 : i32 to vector<16xi32>
          %add3A_202 = arith.addi %broadcast_in_dim3A_200, %add3A_201 : vector<16xi32>
          %gather3A = tpu.vector_load_idx %arg5[%iota3A, %add3A_202] : memref<16x50xi32, #tpu.memory_space<vmem>>[vector<16xi32>, vector<16xi32>], vector<16xi32>,
          %mul3A_203 = arith.constant 16 : i32
          %mul3A_204 = arith.muli %scan3A_199, %mul3A_203 : i32
          %swap3A = arith.index_cast %mul3A_204 : i32 to index
          %swap3A_205 = tpu.vector_load %arg8[%swap3A] {strides = array<i32>} : memref<800xi32, #tpu.memory_space<vmem>>, vector<16xi32>,
          tpu.vector_store %arg8[%swap3A], %gather3A {strides = array<i32>} : memref<800xi32, #tpu.memory_space<vmem>>, vector<16xi32>,
        }
        %scan3A_195 = arith.constant 50 : i32
        %dma_start3A_196 = arith.constant 0 : i32
        %dma_start3A_197 = arith.constant 0 : i32
        %dma_start3A_198 = tpu.memref_slice %arg2[%dma_start3A_196, %dma_start3A_197] : memref<1000000x32xf32, #tpu.memory_space<hbm>> -> memref<1000000x32xf32, #tpu.memory_space<hbm>>
        tpu.enqueue_indirect_dma source(%dma_start3A_198 : memref<1000000x32xf32, #tpu.memory_space<hbm>>) target(%arg11 : memref<800x32xf32, #tpu.memory_space<vmem>>) offsets(%arg8 : memref<800xi32, #tpu.memory_space<vmem>>) semaphore(%arg15 : memref<!tpu.dma_semaphore, #tpu.memory_space<semaphore_mem>>)
      } else {
      }
      %dma_wait3A_128 = arith.constant 0 : i32
      %dma_wait3A_129 = arith.constant 0 : i32
      %dma_wait3A_130 = tpu.memref_slice %arg2[%dma_wait3A_128, %dma_wait3A_129] : memref<1000000x32xf32, #tpu.memory_space<hbm>> -> memref<1000000x32xf32, #tpu.memory_space<hbm>>
      tpu.wait_indirect_dma semaphore(%arg16 : memref<!tpu.dma_semaphore, #tpu.memory_space<semaphore_mem>>) src(%dma_wait3A_130 : memref<1000000x32xf32, #tpu.memory_space<hbm>>) dst(%arg12 : memref<800x32xf32, #tpu.memory_space<vmem>>)
      %ge3A_131 = arith.constant 1 : i32
      %ge3A_132 = arith.cmpi sge, %add3A_120, %ge3A_131 : i32
      %convert_element_type3A_133 = arith.extui %ge3A_132 : i1 to i32
      %cond3A_134 = arith.constant 0 : i32
      %cond3A_135 = arith.cmpi ne, %convert_element_type3A_133, %cond3A_134 : i32
      scf.if %cond3A_135 {
        %add3A_185 = arith.constant 0 : i32
        %add3A_186 = arith.addi %mul3A_2, %add3A_185 : i32
        %dma_wait3A_187 = arith.constant 0 : i32
        %dma_wait3A_188 = arith.constant 0 : i32
        %dma_wait3A_189 = tpu.memref_slice %arg4[%dma_wait3A_187, %dma_wait3A_188, %add3A_186] : memref<50x32x16384xf32, #tpu.memory_space<hbm>> -> memref<50x32x16xf32, #tpu.memory_space<hbm>>
        %dma_wait3A_190 = arith.constant 0 : i32
        %dma_wait3A_191 = arith.constant 0 : i32
        %dma_wait3A_192 = tpu.memref_slice %arg4[%dma_wait3A_190, %dma_wait3A_191, %add3A_186] : memref<50x32x16384xf32, #tpu.memory_space<hbm>> -> memref<50x32x16xf32, #tpu.memory_space<hbm>>
        tpu.wait_dma2 semaphore(%arg18 : memref<!tpu.dma_semaphore, #tpu.memory_space<semaphore_mem>>) src(%arg14 : memref<50x32x16xf32, #tpu.memory_space<vmem>>) dst(%dma_wait3A_192 : memref<50x32x16xf32, #tpu.memory_space<hbm>>)
      } else {
      }
      %scan3A_136 = arith.constant 0 : i32
      %scan3A_137 = arith.constant 0 : i32
      %scan3A_138 = arith.constant 50 : i32
      %scan3A_139 = arith.addi %scan3A_137, %scan3A_138 : i32
      %scan3A_140 = arith.constant 1 : i32
      scf.for %scan3A_185 = %scan3A_137 to %scan3A_139 step %scan3A_140  : i32 {
        %broadcast_in_dim3A = arith.constant 0 : i32
        %broadcast_in_dim3A_186 = vector.broadcast %broadcast_in_dim3A : i32 to vector<16xi32>
        %add3A_187 = vector.broadcast %scan3A_185 : i32 to vector<16xi32>
        %add3A_188 = arith.addi %broadcast_in_dim3A_186, %add3A_187 : vector<16xi32>
        %broadcast_in_dim3A_189 = arith.constant 0 : i32
        %broadcast_in_dim3A_190 = vector.broadcast %broadcast_in_dim3A_189 : i32 to vector<16xi32>
        %mul3A_191 = arith.constant 16 : i32
        %mul3A_192 = arith.muli %scan3A_185, %mul3A_191 : i32
        %add3A_193 = arith.constant 0 : i32
        %add3A_194 = arith.addi %mul3A_192, %add3A_193 : i32
        %get3A = arith.index_cast %add3A_194 : i32 to index
        %get3A_195 = arith.constant 0 : index
        %get3A_196 = tpu.vector_load %arg12[%get3A, %get3A_195] {strides = array<i32>} : memref<800x32xf32, #tpu.memory_space<vmem>>, vector<16xf32>,
        %add3A_197 = arith.constant 0 : i32
        %add3A_198 = vector.broadcast %add3A_197 : i32 to vector<16xi32>
        %add3A_199 = arith.addi %iota3A, %add3A_198 : vector<16xi32>
        tpu.vector_store_idx %arg14[%add3A_188, %add3A_199, %broadcast_in_dim3A_190], %get3A_196 : memref<50x32x16xf32, #tpu.memory_space<vmem>>[vector<16xi32>, vector<16xi32>, vector<16xi32>], vector<16xf32>,
        %mul3A_200 = arith.constant 16 : i32
        %mul3A_201 = arith.muli %scan3A_185, %mul3A_200 : i32
        %add3A_202 = arith.constant 0 : i32
        %add3A_203 = arith.addi %mul3A_201, %add3A_202 : i32
        %get3A_204 = arith.index_cast %add3A_203 : i32 to index
        %get3A_205 = arith.constant 16 : index
        %get3A_206 = tpu.vector_load %arg12[%get3A_204, %get3A_205] {strides = array<i32>} : memref<800x32xf32, #tpu.memory_space<vmem>>, vector<16xf32>,
        %add3A_207 = arith.constant 16 : i32
        %add3A_208 = vector.broadcast %add3A_207 : i32 to vector<16xi32>
        %add3A_209 = arith.addi %iota3A, %add3A_208 : vector<16xi32>
        tpu.vector_store_idx %arg14[%add3A_188, %add3A_209, %broadcast_in_dim3A_190], %get3A_206 : memref<50x32x16xf32, #tpu.memory_space<vmem>>[vector<16xi32>, vector<16xi32>, vector<16xi32>], vector<16xf32>,
        %broadcast_in_dim3A_210 = arith.constant 1 : i32
        %broadcast_in_dim3A_211 = vector.broadcast %broadcast_in_dim3A_210 : i32 to vector<16xi32>
        %mul3A_212 = arith.constant 16 : i32
        %mul3A_213 = arith.muli %scan3A_185, %mul3A_212 : i32
        %add3A_214 = arith.constant 1 : i32
        %add3A_215 = arith.addi %mul3A_213, %add3A_214 : i32
        %get3A_216 = arith.index_cast %add3A_215 : i32 to index
        %get3A_217 = arith.constant 0 : index
        %get3A_218 = tpu.vector_load %arg12[%get3A_216, %get3A_217] {strides = array<i32>} : memref<800x32xf32, #tpu.memory_space<vmem>>, vector<16xf32>,
        %add3A_219 = arith.constant 0 : i32
        %add3A_220 = vector.broadcast %add3A_219 : i32 to vector<16xi32>
        %add3A_221 = arith.addi %iota3A, %add3A_220 : vector<16xi32>
        tpu.vector_store_idx %arg14[%add3A_188, %add3A_221, %broadcast_in_dim3A_211], %get3A_218 : memref<50x32x16xf32, #tpu.memory_space<vmem>>[vector<16xi32>, vector<16xi32>, vector<16xi32>], vector<16xf32>,
        %mul3A_222 = arith.constant 16 : i32
        %mul3A_223 = arith.muli %scan3A_185, %mul3A_222 : i32
        %add3A_224 = arith.constant 1 : i32
        %add3A_225 = arith.addi %mul3A_223, %add3A_224 : i32
        %get3A_226 = arith.index_cast %add3A_225 : i32 to index
        %get3A_227 = arith.constant 16 : index
        %get3A_228 = tpu.vector_load %arg12[%get3A_226, %get3A_227] {strides = array<i32>} : memref<800x32xf32, #tpu.memory_space<vmem>>, vector<16xf32>,
        %add3A_229 = arith.constant 16 : i32
        %add3A_230 = vector.broadcast %add3A_229 : i32 to vector<16xi32>
        %add3A_231 = arith.addi %iota3A, %add3A_230 : vector<16xi32>
        tpu.vector_store_idx %arg14[%add3A_188, %add3A_231, %broadcast_in_dim3A_211], %get3A_228 : memref<50x32x16xf32, #tpu.memory_space<vmem>>[vector<16xi32>, vector<16xi32>, vector<16xi32>], vector<16xf32>,
        %broadcast_in_dim3A_232 = arith.constant 2 : i32
        %broadcast_in_dim3A_233 = vector.broadcast %broadcast_in_dim3A_232 : i32 to vector<16xi32>
        %mul3A_234 = arith.constant 16 : i32
        %mul3A_235 = arith.muli %scan3A_185, %mul3A_234 : i32
        %add3A_236 = arith.constant 2 : i32
        %add3A_237 = arith.addi %mul3A_235, %add3A_236 : i32
        %get3A_238 = arith.index_cast %add3A_237 : i32 to index
        %get3A_239 = arith.constant 0 : index
        %get3A_240 = tpu.vector_load %arg12[%get3A_238, %get3A_239] {strides = array<i32>} : memref<800x32xf32, #tpu.memory_space<vmem>>, vector<16xf32>,
        %add3A_241 = arith.constant 0 : i32
        %add3A_242 = vector.broadcast %add3A_241 : i32 to vector<16xi32>
        %add3A_243 = arith.addi %iota3A, %add3A_242 : vector<16xi32>
        tpu.vector_store_idx %arg14[%add3A_188, %add3A_243, %broadcast_in_dim3A_233], %get3A_240 : memref<50x32x16xf32, #tpu.memory_space<vmem>>[vector<16xi32>, vector<16xi32>, vector<16xi32>], vector<16xf32>,
        %mul3A_244 = arith.constant 16 : i32
        %mul3A_245 = arith.muli %scan3A_185, %mul3A_244 : i32
        %add3A_246 = arith.constant 2 : i32
        %add3A_247 = arith.addi %mul3A_245, %add3A_246 : i32
        %get3A_248 = arith.index_cast %add3A_247 : i32 to index
        %get3A_249 = arith.constant 16 : index
        %get3A_250 = tpu.vector_load %arg12[%get3A_248, %get3A_249] {strides = array<i32>} : memref<800x32xf32, #tpu.memory_space<vmem>>, vector<16xf32>,
        %add3A_251 = arith.constant 16 : i32
        %add3A_252 = vector.broadcast %add3A_251 : i32 to vector<16xi32>
        %add3A_253 = arith.addi %iota3A, %add3A_252 : vector<16xi32>
        tpu.vector_store_idx %arg14[%add3A_188, %add3A_253, %broadcast_in_dim3A_233], %get3A_250 : memref<50x32x16xf32, #tpu.memory_space<vmem>>[vector<16xi32>, vector<16xi32>, vector<16xi32>], vector<16xf32>,
        %broadcast_in_dim3A_254 = arith.constant 3 : i32
        %broadcast_in_dim3A_255 = vector.broadcast %broadcast_in_dim3A_254 : i32 to vector<16xi32>
        %mul3A_256 = arith.constant 16 : i32
        %mul3A_257 = arith.muli %scan3A_185, %mul3A_256 : i32
        %add3A_258 = arith.constant 3 : i32
        %add3A_259 = arith.addi %mul3A_257, %add3A_258 : i32
        %get3A_260 = arith.index_cast %add3A_259 : i32 to index
        %get3A_261 = arith.constant 0 : index
        %get3A_262 = tpu.vector_load %arg12[%get3A_260, %get3A_261] {strides = array<i32>} : memref<800x32xf32, #tpu.memory_space<vmem>>, vector<16xf32>,
        %add3A_263 = arith.constant 0 : i32
        %add3A_264 = vector.broadcast %add3A_263 : i32 to vector<16xi32>
        %add3A_265 = arith.addi %iota3A, %add3A_264 : vector<16xi32>
        tpu.vector_store_idx %arg14[%add3A_188, %add3A_265, %broadcast_in_dim3A_255], %get3A_262 : memref<50x32x16xf32, #tpu.memory_space<vmem>>[vector<16xi32>, vector<16xi32>, vector<16xi32>], vector<16xf32>,
        %mul3A_266 = arith.constant 16 : i32
        %mul3A_267 = arith.muli %scan3A_185, %mul3A_266 : i32
        %add3A_268 = arith.constant 3 : i32
        %add3A_269 = arith.addi %mul3A_267, %add3A_268 : i32
        %get3A_270 = arith.index_cast %add3A_269 : i32 to index
        %get3A_271 = arith.constant 16 : index
        %get3A_272 = tpu.vector_load %arg12[%get3A_270, %get3A_271] {strides = array<i32>} : memref<800x32xf32, #tpu.memory_space<vmem>>, vector<16xf32>,
        %add3A_273 = arith.constant 16 : i32
        %add3A_274 = vector.broadcast %add3A_273 : i32 to vector<16xi32>
        %add3A_275 = arith.addi %iota3A, %add3A_274 : vector<16xi32>
        tpu.vector_store_idx %arg14[%add3A_188, %add3A_275, %broadcast_in_dim3A_255], %get3A_272 : memref<50x32x16xf32, #tpu.memory_space<vmem>>[vector<16xi32>, vector<16xi32>, vector<16xi32>], vector<16xf32>,
        %broadcast_in_dim3A_276 = arith.constant 4 : i32
        %broadcast_in_dim3A_277 = vector.broadcast %broadcast_in_dim3A_276 : i32 to vector<16xi32>
        %mul3A_278 = arith.constant 16 : i32
        %mul3A_279 = arith.muli %scan3A_185, %mul3A_278 : i32
        %add3A_280 = arith.constant 4 : i32
        %add3A_281 = arith.addi %mul3A_279, %add3A_280 : i32
        %get3A_282 = arith.index_cast %add3A_281 : i32 to index
        %get3A_283 = arith.constant 0 : index
        %get3A_284 = tpu.vector_load %arg12[%get3A_282, %get3A_283] {strides = array<i32>} : memref<800x32xf32, #tpu.memory_space<vmem>>, vector<16xf32>,
        %add3A_285 = arith.constant 0 : i32
        %add3A_286 = vector.broadcast %add3A_285 : i32 to vector<16xi32>
        %add3A_287 = arith.addi %iota3A, %add3A_286 : vector<16xi32>
        tpu.vector_store_idx %arg14[%add3A_188, %add3A_287, %broadcast_in_dim3A_277], %get3A_284 : memref<50x32x16xf32, #tpu.memory_space<vmem>>[vector<16xi32>, vector<16xi32>, vector<16xi32>], vector<16xf32>,
        %mul3A_288 = arith.constant 16 : i32
        %mul3A_289 = arith.muli %scan3A_185, %mul3A_288 : i32
        %add3A_290 = arith.constant 4 : i32
        %add3A_291 = arith.addi %mul3A_289, %add3A_290 : i32
        %get3A_292 = arith.index_cast %add3A_291 : i32 to index
        %get3A_293 = arith.constant 16 : index
        %get3A_294 = tpu.vector_load %arg12[%get3A_292, %get3A_293] {strides = array<i32>} : memref<800x32xf32, #tpu.memory_space<vmem>>, vector<16xf32>,
        %add3A_295 = arith.constant 16 : i32
        %add3A_296 = vector.broadcast %add3A_295 : i32 to vector<16xi32>
        %add3A_297 = arith.addi %iota3A, %add3A_296 : vector<16xi32>
        tpu.vector_store_idx %arg14[%add3A_188, %add3A_297, %broadcast_in_dim3A_277], %get3A_294 : memref<50x32x16xf32, #tpu.memory_space<vmem>>[vector<16xi32>, vector<16xi32>, vector<16xi32>], vector<16xf32>,
        %broadcast_in_dim3A_298 = arith.constant 5 : i32
        %broadcast_in_dim3A_299 = vector.broadcast %broadcast_in_dim3A_298 : i32 to vector<16xi32>
        %mul3A_300 = arith.constant 16 : i32
        %mul3A_301 = arith.muli %scan3A_185, %mul3A_300 : i32
        %add3A_302 = arith.constant 5 : i32
        %add3A_303 = arith.addi %mul3A_301, %add3A_302 : i32
        %get3A_304 = arith.index_cast %add3A_303 : i32 to index
        %get3A_305 = arith.constant 0 : index
        %get3A_306 = tpu.vector_load %arg12[%get3A_304, %get3A_305] {strides = array<i32>} : memref<800x32xf32, #tpu.memory_space<vmem>>, vector<16xf32>,
        %add3A_307 = arith.constant 0 : i32
        %add3A_308 = vector.broadcast %add3A_307 : i32 to vector<16xi32>
        %add3A_309 = arith.addi %iota3A, %add3A_308 : vector<16xi32>
        tpu.vector_store_idx %arg14[%add3A_188, %add3A_309, %broadcast_in_dim3A_299], %get3A_306 : memref<50x32x16xf32, #tpu.memory_space<vmem>>[vector<16xi32>, vector<16xi32>, vector<16xi32>], vector<16xf32>,
        %mul3A_310 = arith.constant 16 : i32
        %mul3A_311 = arith.muli %scan3A_185, %mul3A_310 : i32
        %add3A_312 = arith.constant 5 : i32
        %add3A_313 = arith.addi %mul3A_311, %add3A_312 : i32
        %get3A_314 = arith.index_cast %add3A_313 : i32 to index
        %get3A_315 = arith.constant 16 : index
        %get3A_316 = tpu.vector_load %arg12[%get3A_314, %get3A_315] {strides = array<i32>} : memref<800x32xf32, #tpu.memory_space<vmem>>, vector<16xf32>,
        %add3A_317 = arith.constant 16 : i32
        %add3A_318 = vector.broadcast %add3A_317 : i32 to vector<16xi32>
        %add3A_319 = arith.addi %iota3A, %add3A_318 : vector<16xi32>
        tpu.vector_store_idx %arg14[%add3A_188, %add3A_319, %broadcast_in_dim3A_299], %get3A_316 : memref<50x32x16xf32, #tpu.memory_space<vmem>>[vector<16xi32>, vector<16xi32>, vector<16xi32>], vector<16xf32>,
        %broadcast_in_dim3A_320 = arith.constant 6 : i32
        %broadcast_in_dim3A_321 = vector.broadcast %broadcast_in_dim3A_320 : i32 to vector<16xi32>
        %mul3A_322 = arith.constant 16 : i32
        %mul3A_323 = arith.muli %scan3A_185, %mul3A_322 : i32
        %add3A_324 = arith.constant 6 : i32
        %add3A_325 = arith.addi %mul3A_323, %add3A_324 : i32
        %get3A_326 = arith.index_cast %add3A_325 : i32 to index
        %get3A_327 = arith.constant 0 : index
        %get3A_328 = tpu.vector_load %arg12[%get3A_326, %get3A_327] {strides = array<i32>} : memref<800x32xf32, #tpu.memory_space<vmem>>, vector<16xf32>,
        %add3A_329 = arith.constant 0 : i32
        %add3A_330 = vector.broadcast %add3A_329 : i32 to vector<16xi32>
        %add3A_331 = arith.addi %iota3A, %add3A_330 : vector<16xi32>
        tpu.vector_store_idx %arg14[%add3A_188, %add3A_331, %broadcast_in_dim3A_321], %get3A_328 : memref<50x32x16xf32, #tpu.memory_space<vmem>>[vector<16xi32>, vector<16xi32>, vector<16xi32>], vector<16xf32>,
        %mul3A_332 = arith.constant 16 : i32
        %mul3A_333 = arith.muli %scan3A_185, %mul3A_332 : i32
        %add3A_334 = arith.constant 6 : i32
        %add3A_335 = arith.addi %mul3A_333, %add3A_334 : i32
        %get3A_336 = arith.index_cast %add3A_335 : i32 to index
        %get3A_337 = arith.constant 16 : index
        %get3A_338 = tpu.vector_load %arg12[%get3A_336, %get3A_337] {strides = array<i32>} : memref<800x32xf32, #tpu.memory_space<vmem>>, vector<16xf32>,
        %add3A_339 = arith.constant 16 : i32
        %add3A_340 = vector.broadcast %add3A_339 : i32 to vector<16xi32>
        %add3A_341 = arith.addi %iota3A, %add3A_340 : vector<16xi32>
        tpu.vector_store_idx %arg14[%add3A_188, %add3A_341, %broadcast_in_dim3A_321], %get3A_338 : memref<50x32x16xf32, #tpu.memory_space<vmem>>[vector<16xi32>, vector<16xi32>, vector<16xi32>], vector<16xf32>,
        %broadcast_in_dim3A_342 = arith.constant 7 : i32
        %broadcast_in_dim3A_343 = vector.broadcast %broadcast_in_dim3A_342 : i32 to vector<16xi32>
        %mul3A_344 = arith.constant 16 : i32
        %mul3A_345 = arith.muli %scan3A_185, %mul3A_344 : i32
        %add3A_346 = arith.constant 7 : i32
        %add3A_347 = arith.addi %mul3A_345, %add3A_346 : i32
        %get3A_348 = arith.index_cast %add3A_347 : i32 to index
        %get3A_349 = arith.constant 0 : index
        %get3A_350 = tpu.vector_load %arg12[%get3A_348, %get3A_349] {strides = array<i32>} : memref<800x32xf32, #tpu.memory_space<vmem>>, vector<16xf32>,
        %add3A_351 = arith.constant 0 : i32
        %add3A_352 = vector.broadcast %add3A_351 : i32 to vector<16xi32>
        %add3A_353 = arith.addi %iota3A, %add3A_352 : vector<16xi32>
        tpu.vector_store_idx %arg14[%add3A_188, %add3A_353, %broadcast_in_dim3A_343], %get3A_350 : memref<50x32x16xf32, #tpu.memory_space<vmem>>[vector<16xi32>, vector<16xi32>, vector<16xi32>], vector<16xf32>,
        %mul3A_354 = arith.constant 16 : i32
        %mul3A_355 = arith.muli %scan3A_185, %mul3A_354 : i32
        %add3A_356 = arith.constant 7 : i32
        %add3A_357 = arith.addi %mul3A_355, %add3A_356 : i32
        %get3A_358 = arith.index_cast %add3A_357 : i32 to index
        %get3A_359 = arith.constant 16 : index
        %get3A_360 = tpu.vector_load %arg12[%get3A_358, %get3A_359] {strides = array<i32>} : memref<800x32xf32, #tpu.memory_space<vmem>>, vector<16xf32>,
        %add3A_361 = arith.constant 16 : i32
        %add3A_362 = vector.broadcast %add3A_361 : i32 to vector<16xi32>
        %add3A_363 = arith.addi %iota3A, %add3A_362 : vector<16xi32>
        tpu.vector_store_idx %arg14[%add3A_188, %add3A_363, %broadcast_in_dim3A_343], %get3A_360 : memref<50x32x16xf32, #tpu.memory_space<vmem>>[vector<16xi32>, vector<16xi32>, vector<16xi32>], vector<16xf32>,
        %broadcast_in_dim3A_364 = arith.constant 8 : i32
        %broadcast_in_dim3A_365 = vector.broadcast %broadcast_in_dim3A_364 : i32 to vector<16xi32>
        %mul3A_366 = arith.constant 16 : i32
        %mul3A_367 = arith.muli %scan3A_185, %mul3A_366 : i32
        %add3A_368 = arith.constant 8 : i32
        %add3A_369 = arith.addi %mul3A_367, %add3A_368 : i32
        %get3A_370 = arith.index_cast %add3A_369 : i32 to index
        %get3A_371 = arith.constant 0 : index
        %get3A_372 = tpu.vector_load %arg12[%get3A_370, %get3A_371] {strides = array<i32>} : memref<800x32xf32, #tpu.memory_space<vmem>>, vector<16xf32>,
        %add3A_373 = arith.constant 0 : i32
        %add3A_374 = vector.broadcast %add3A_373 : i32 to vector<16xi32>
        %add3A_375 = arith.addi %iota3A, %add3A_374 : vector<16xi32>
        tpu.vector_store_idx %arg14[%add3A_188, %add3A_375, %broadcast_in_dim3A_365], %get3A_372 : memref<50x32x16xf32, #tpu.memory_space<vmem>>[vector<16xi32>, vector<16xi32>, vector<16xi32>], vector<16xf32>,
        %mul3A_376 = arith.constant 16 : i32
        %mul3A_377 = arith.muli %scan3A_185, %mul3A_376 : i32
        %add3A_378 = arith.constant 8 : i32
        %add3A_379 = arith.addi %mul3A_377, %add3A_378 : i32
        %get3A_380 = arith.index_cast %add3A_379 : i32 to index
        %get3A_381 = arith.constant 16 : index
        %get3A_382 = tpu.vector_load %arg12[%get3A_380, %get3A_381] {strides = array<i32>} : memref<800x32xf32, #tpu.memory_space<vmem>>, vector<16xf32>,
        %add3A_383 = arith.constant 16 : i32
        %add3A_384 = vector.broadcast %add3A_383 : i32 to vector<16xi32>
        %add3A_385 = arith.addi %iota3A, %add3A_384 : vector<16xi32>
        tpu.vector_store_idx %arg14[%add3A_188, %add3A_385, %broadcast_in_dim3A_365], %get3A_382 : memref<50x32x16xf32, #tpu.memory_space<vmem>>[vector<16xi32>, vector<16xi32>, vector<16xi32>], vector<16xf32>,
        %broadcast_in_dim3A_386 = arith.constant 9 : i32
        %broadcast_in_dim3A_387 = vector.broadcast %broadcast_in_dim3A_386 : i32 to vector<16xi32>
        %mul3A_388 = arith.constant 16 : i32
        %mul3A_389 = arith.muli %scan3A_185, %mul3A_388 : i32
        %add3A_390 = arith.constant 9 : i32
        %add3A_391 = arith.addi %mul3A_389, %add3A_390 : i32
        %get3A_392 = arith.index_cast %add3A_391 : i32 to index
        %get3A_393 = arith.constant 0 : index
        %get3A_394 = tpu.vector_load %arg12[%get3A_392, %get3A_393] {strides = array<i32>} : memref<800x32xf32, #tpu.memory_space<vmem>>, vector<16xf32>,
        %add3A_395 = arith.constant 0 : i32
        %add3A_396 = vector.broadcast %add3A_395 : i32 to vector<16xi32>
        %add3A_397 = arith.addi %iota3A, %add3A_396 : vector<16xi32>
        tpu.vector_store_idx %arg14[%add3A_188, %add3A_397, %broadcast_in_dim3A_387], %get3A_394 : memref<50x32x16xf32, #tpu.memory_space<vmem>>[vector<16xi32>, vector<16xi32>, vector<16xi32>], vector<16xf32>,
        %mul3A_398 = arith.constant 16 : i32
        %mul3A_399 = arith.muli %scan3A_185, %mul3A_398 : i32
        %add3A_400 = arith.constant 9 : i32
        %add3A_401 = arith.addi %mul3A_399, %add3A_400 : i32
        %get3A_402 = arith.index_cast %add3A_401 : i32 to index
        %get3A_403 = arith.constant 16 : index
        %get3A_404 = tpu.vector_load %arg12[%get3A_402, %get3A_403] {strides = array<i32>} : memref<800x32xf32, #tpu.memory_space<vmem>>, vector<16xf32>,
        %add3A_405 = arith.constant 16 : i32
        %add3A_406 = vector.broadcast %add3A_405 : i32 to vector<16xi32>
        %add3A_407 = arith.addi %iota3A, %add3A_406 : vector<16xi32>
        tpu.vector_store_idx %arg14[%add3A_188, %add3A_407, %broadcast_in_dim3A_387], %get3A_404 : memref<50x32x16xf32, #tpu.memory_space<vmem>>[vector<16xi32>, vector<16xi32>, vector<16xi32>], vector<16xf32>,
        %broadcast_in_dim3A_408 = arith.constant 10 : i32
        %broadcast_in_dim3A_409 = vector.broadcast %broadcast_in_dim3A_408 : i32 to vector<16xi32>
        %mul3A_410 = arith.constant 16 : i32
        %mul3A_411 = arith.muli %scan3A_185, %mul3A_410 : i32
        %add3A_412 = arith.constant 10 : i32
        %add3A_413 = arith.addi %mul3A_411, %add3A_412 : i32
        %get3A_414 = arith.index_cast %add3A_413 : i32 to index
        %get3A_415 = arith.constant 0 : index
        %get3A_416 = tpu.vector_load %arg12[%get3A_414, %get3A_415] {strides = array<i32>} : memref<800x32xf32, #tpu.memory_space<vmem>>, vector<16xf32>,
        %add3A_417 = arith.constant 0 : i32
        %add3A_418 = vector.broadcast %add3A_417 : i32 to vector<16xi32>
        %add3A_419 = arith.addi %iota3A, %add3A_418 : vector<16xi32>
        tpu.vector_store_idx %arg14[%add3A_188, %add3A_419, %broadcast_in_dim3A_409], %get3A_416 : memref<50x32x16xf32, #tpu.memory_space<vmem>>[vector<16xi32>, vector<16xi32>, vector<16xi32>], vector<16xf32>,
        %mul3A_420 = arith.constant 16 : i32
        %mul3A_421 = arith.muli %scan3A_185, %mul3A_420 : i32
        %add3A_422 = arith.constant 10 : i32
        %add3A_423 = arith.addi %mul3A_421, %add3A_422 : i32
        %get3A_424 = arith.index_cast %add3A_423 : i32 to index
        %get3A_425 = arith.constant 16 : index
        %get3A_426 = tpu.vector_load %arg12[%get3A_424, %get3A_425] {strides = array<i32>} : memref<800x32xf32, #tpu.memory_space<vmem>>, vector<16xf32>,
        %add3A_427 = arith.constant 16 : i32
        %add3A_428 = vector.broadcast %add3A_427 : i32 to vector<16xi32>
        %add3A_429 = arith.addi %iota3A, %add3A_428 : vector<16xi32>
        tpu.vector_store_idx %arg14[%add3A_188, %add3A_429, %broadcast_in_dim3A_409], %get3A_426 : memref<50x32x16xf32, #tpu.memory_space<vmem>>[vector<16xi32>, vector<16xi32>, vector<16xi32>], vector<16xf32>,
        %broadcast_in_dim3A_430 = arith.constant 11 : i32
        %broadcast_in_dim3A_431 = vector.broadcast %broadcast_in_dim3A_430 : i32 to vector<16xi32>
        %mul3A_432 = arith.constant 16 : i32
        %mul3A_433 = arith.muli %scan3A_185, %mul3A_432 : i32
        %add3A_434 = arith.constant 11 : i32
        %add3A_435 = arith.addi %mul3A_433, %add3A_434 : i32
        %get3A_436 = arith.index_cast %add3A_435 : i32 to index
        %get3A_437 = arith.constant 0 : index
        %get3A_438 = tpu.vector_load %arg12[%get3A_436, %get3A_437] {strides = array<i32>} : memref<800x32xf32, #tpu.memory_space<vmem>>, vector<16xf32>,
        %add3A_439 = arith.constant 0 : i32
        %add3A_440 = vector.broadcast %add3A_439 : i32 to vector<16xi32>
        %add3A_441 = arith.addi %iota3A, %add3A_440 : vector<16xi32>
        tpu.vector_store_idx %arg14[%add3A_188, %add3A_441, %broadcast_in_dim3A_431], %get3A_438 : memref<50x32x16xf32, #tpu.memory_space<vmem>>[vector<16xi32>, vector<16xi32>, vector<16xi32>], vector<16xf32>,
        %mul3A_442 = arith.constant 16 : i32
        %mul3A_443 = arith.muli %scan3A_185, %mul3A_442 : i32
        %add3A_444 = arith.constant 11 : i32
        %add3A_445 = arith.addi %mul3A_443, %add3A_444 : i32
        %get3A_446 = arith.index_cast %add3A_445 : i32 to index
        %get3A_447 = arith.constant 16 : index
        %get3A_448 = tpu.vector_load %arg12[%get3A_446, %get3A_447] {strides = array<i32>} : memref<800x32xf32, #tpu.memory_space<vmem>>, vector<16xf32>,
        %add3A_449 = arith.constant 16 : i32
        %add3A_450 = vector.broadcast %add3A_449 : i32 to vector<16xi32>
        %add3A_451 = arith.addi %iota3A, %add3A_450 : vector<16xi32>
        tpu.vector_store_idx %arg14[%add3A_188, %add3A_451, %broadcast_in_dim3A_431], %get3A_448 : memref<50x32x16xf32, #tpu.memory_space<vmem>>[vector<16xi32>, vector<16xi32>, vector<16xi32>], vector<16xf32>,
        %broadcast_in_dim3A_452 = arith.constant 12 : i32
        %broadcast_in_dim3A_453 = vector.broadcast %broadcast_in_dim3A_452 : i32 to vector<16xi32>
        %mul3A_454 = arith.constant 16 : i32
        %mul3A_455 = arith.muli %scan3A_185, %mul3A_454 : i32
        %add3A_456 = arith.constant 12 : i32
        %add3A_457 = arith.addi %mul3A_455, %add3A_456 : i32
        %get3A_458 = arith.index_cast %add3A_457 : i32 to index
        %get3A_459 = arith.constant 0 : index
        %get3A_460 = tpu.vector_load %arg12[%get3A_458, %get3A_459] {strides = array<i32>} : memref<800x32xf32, #tpu.memory_space<vmem>>, vector<16xf32>,
        %add3A_461 = arith.constant 0 : i32
        %add3A_462 = vector.broadcast %add3A_461 : i32 to vector<16xi32>
        %add3A_463 = arith.addi %iota3A, %add3A_462 : vector<16xi32>
        tpu.vector_store_idx %arg14[%add3A_188, %add3A_463, %broadcast_in_dim3A_453], %get3A_460 : memref<50x32x16xf32, #tpu.memory_space<vmem>>[vector<16xi32>, vector<16xi32>, vector<16xi32>], vector<16xf32>,
        %mul3A_464 = arith.constant 16 : i32
        %mul3A_465 = arith.muli %scan3A_185, %mul3A_464 : i32
        %add3A_466 = arith.constant 12 : i32
        %add3A_467 = arith.addi %mul3A_465, %add3A_466 : i32
        %get3A_468 = arith.index_cast %add3A_467 : i32 to index
        %get3A_469 = arith.constant 16 : index
        %get3A_470 = tpu.vector_load %arg12[%get3A_468, %get3A_469] {strides = array<i32>} : memref<800x32xf32, #tpu.memory_space<vmem>>, vector<16xf32>,
        %add3A_471 = arith.constant 16 : i32
        %add3A_472 = vector.broadcast %add3A_471 : i32 to vector<16xi32>
        %add3A_473 = arith.addi %iota3A, %add3A_472 : vector<16xi32>
        tpu.vector_store_idx %arg14[%add3A_188, %add3A_473, %broadcast_in_dim3A_453], %get3A_470 : memref<50x32x16xf32, #tpu.memory_space<vmem>>[vector<16xi32>, vector<16xi32>, vector<16xi32>], vector<16xf32>,
        %broadcast_in_dim3A_474 = arith.constant 13 : i32
        %broadcast_in_dim3A_475 = vector.broadcast %broadcast_in_dim3A_474 : i32 to vector<16xi32>
        %mul3A_476 = arith.constant 16 : i32
        %mul3A_477 = arith.muli %scan3A_185, %mul3A_476 : i32
        %add3A_478 = arith.constant 13 : i32
        %add3A_479 = arith.addi %mul3A_477, %add3A_478 : i32
        %get3A_480 = arith.index_cast %add3A_479 : i32 to index
        %get3A_481 = arith.constant 0 : index
        %get3A_482 = tpu.vector_load %arg12[%get3A_480, %get3A_481] {strides = array<i32>} : memref<800x32xf32, #tpu.memory_space<vmem>>, vector<16xf32>,
        %add3A_483 = arith.constant 0 : i32
        %add3A_484 = vector.broadcast %add3A_483 : i32 to vector<16xi32>
        %add3A_485 = arith.addi %iota3A, %add3A_484 : vector<16xi32>
        tpu.vector_store_idx %arg14[%add3A_188, %add3A_485, %broadcast_in_dim3A_475], %get3A_482 : memref<50x32x16xf32, #tpu.memory_space<vmem>>[vector<16xi32>, vector<16xi32>, vector<16xi32>], vector<16xf32>,
        %mul3A_486 = arith.constant 16 : i32
        %mul3A_487 = arith.muli %scan3A_185, %mul3A_486 : i32
        %add3A_488 = arith.constant 13 : i32
        %add3A_489 = arith.addi %mul3A_487, %add3A_488 : i32
        %get3A_490 = arith.index_cast %add3A_489 : i32 to index
        %get3A_491 = arith.constant 16 : index
        %get3A_492 = tpu.vector_load %arg12[%get3A_490, %get3A_491] {strides = array<i32>} : memref<800x32xf32, #tpu.memory_space<vmem>>, vector<16xf32>,
        %add3A_493 = arith.constant 16 : i32
        %add3A_494 = vector.broadcast %add3A_493 : i32 to vector<16xi32>
        %add3A_495 = arith.addi %iota3A, %add3A_494 : vector<16xi32>
        tpu.vector_store_idx %arg14[%add3A_188, %add3A_495, %broadcast_in_dim3A_475], %get3A_492 : memref<50x32x16xf32, #tpu.memory_space<vmem>>[vector<16xi32>, vector<16xi32>, vector<16xi32>], vector<16xf32>,
        %broadcast_in_dim3A_496 = arith.constant 14 : i32
        %broadcast_in_dim3A_497 = vector.broadcast %broadcast_in_dim3A_496 : i32 to vector<16xi32>
        %mul3A_498 = arith.constant 16 : i32
        %mul3A_499 = arith.muli %scan3A_185, %mul3A_498 : i32
        %add3A_500 = arith.constant 14 : i32
        %add3A_501 = arith.addi %mul3A_499, %add3A_500 : i32
        %get3A_502 = arith.index_cast %add3A_501 : i32 to index
        %get3A_503 = arith.constant 0 : index
        %get3A_504 = tpu.vector_load %arg12[%get3A_502, %get3A_503] {strides = array<i32>} : memref<800x32xf32, #tpu.memory_space<vmem>>, vector<16xf32>,
        %add3A_505 = arith.constant 0 : i32
        %add3A_506 = vector.broadcast %add3A_505 : i32 to vector<16xi32>
        %add3A_507 = arith.addi %iota3A, %add3A_506 : vector<16xi32>
        tpu.vector_store_idx %arg14[%add3A_188, %add3A_507, %broadcast_in_dim3A_497], %get3A_504 : memref<50x32x16xf32, #tpu.memory_space<vmem>>[vector<16xi32>, vector<16xi32>, vector<16xi32>], vector<16xf32>,
        %mul3A_508 = arith.constant 16 : i32
        %mul3A_509 = arith.muli %scan3A_185, %mul3A_508 : i32
        %add3A_510 = arith.constant 14 : i32
        %add3A_511 = arith.addi %mul3A_509, %add3A_510 : i32
        %get3A_512 = arith.index_cast %add3A_511 : i32 to index
        %get3A_513 = arith.constant 16 : index
        %get3A_514 = tpu.vector_load %arg12[%get3A_512, %get3A_513] {strides = array<i32>} : memref<800x32xf32, #tpu.memory_space<vmem>>, vector<16xf32>,
        %add3A_515 = arith.constant 16 : i32
        %add3A_516 = vector.broadcast %add3A_515 : i32 to vector<16xi32>
        %add3A_517 = arith.addi %iota3A, %add3A_516 : vector<16xi32>
        tpu.vector_store_idx %arg14[%add3A_188, %add3A_517, %broadcast_in_dim3A_497], %get3A_514 : memref<50x32x16xf32, #tpu.memory_space<vmem>>[vector<16xi32>, vector<16xi32>, vector<16xi32>], vector<16xf32>,
        %broadcast_in_dim3A_518 = arith.constant 15 : i32
        %broadcast_in_dim3A_519 = vector.broadcast %broadcast_in_dim3A_518 : i32 to vector<16xi32>
        %mul3A_520 = arith.constant 16 : i32
        %mul3A_521 = arith.muli %scan3A_185, %mul3A_520 : i32
        %add3A_522 = arith.constant 15 : i32
        %add3A_523 = arith.addi %mul3A_521, %add3A_522 : i32
        %get3A_524 = arith.index_cast %add3A_523 : i32 to index
        %get3A_525 = arith.constant 0 : index
        %get3A_526 = tpu.vector_load %arg12[%get3A_524, %get3A_525] {strides = array<i32>} : memref<800x32xf32, #tpu.memory_space<vmem>>, vector<16xf32>,
        %add3A_527 = arith.constant 0 : i32
        %add3A_528 = vector.broadcast %add3A_527 : i32 to vector<16xi32>
        %add3A_529 = arith.addi %iota3A, %add3A_528 : vector<16xi32>
        tpu.vector_store_idx %arg14[%add3A_188, %add3A_529, %broadcast_in_dim3A_519], %get3A_526 : memref<50x32x16xf32, #tpu.memory_space<vmem>>[vector<16xi32>, vector<16xi32>, vector<16xi32>], vector<16xf32>,
        %mul3A_530 = arith.constant 16 : i32
        %mul3A_531 = arith.muli %scan3A_185, %mul3A_530 : i32
        %add3A_532 = arith.constant 15 : i32
        %add3A_533 = arith.addi %mul3A_531, %add3A_532 : i32
        %get3A_534 = arith.index_cast %add3A_533 : i32 to index
        %get3A_535 = arith.constant 16 : index
        %get3A_536 = tpu.vector_load %arg12[%get3A_534, %get3A_535] {strides = array<i32>} : memref<800x32xf32, #tpu.memory_space<vmem>>, vector<16xf32>,
        %add3A_537 = arith.constant 16 : i32
        %add3A_538 = vector.broadcast %add3A_537 : i32 to vector<16xi32>
        %add3A_539 = arith.addi %iota3A, %add3A_538 : vector<16xi32>
        tpu.vector_store_idx %arg14[%add3A_188, %add3A_539, %broadcast_in_dim3A_519], %get3A_536 : memref<50x32x16xf32, #tpu.memory_space<vmem>>[vector<16xi32>, vector<16xi32>, vector<16xi32>], vector<16xf32>,
      }
      %scan3A_141 = arith.constant 50 : i32
      %mul3A_142 = arith.constant 16 : i32
      %mul3A_143 = arith.muli %add3A_120, %mul3A_142 : i32
      %add3A_144 = arith.addi %mul3A_2, %mul3A_143 : i32
      %dma_start3A_145 = arith.constant 0 : i32
      %dma_start3A_146 = arith.constant 0 : i32
      %dma_start3A_147 = tpu.memref_slice %arg4[%dma_start3A_145, %dma_start3A_146, %add3A_144] : memref<50x32x16384xf32, #tpu.memory_space<hbm>> -> memref<50x32x16xf32, #tpu.memory_space<hbm>>
      %dma_start3A_148 = arith.constant 0 : i32
      %dma_start3A_149 = arith.constant 0 : i32
      %dma_start3A_150 = tpu.memref_slice %arg4[%dma_start3A_148, %dma_start3A_149, %add3A_144] : memref<50x32x16384xf32, #tpu.memory_space<hbm>> -> memref<50x32x16xf32, #tpu.memory_space<hbm>>
      tpu.enqueue_dma source(%arg14 : memref<50x32x16xf32, #tpu.memory_space<vmem>>) target(%dma_start3A_150 : memref<50x32x16xf32, #tpu.memory_space<hbm>>) target_semaphore(%arg18 : memref<!tpu.dma_semaphore, #tpu.memory_space<semaphore_mem>>)
      %mul3A_151 = arith.constant 3 : i32
      %mul3A_152 = arith.muli %scan3A_86, %mul3A_151 : i32
      %add3A_153 = arith.constant 2 : i32
      %add3A_154 = arith.addi %mul3A_152, %add3A_153 : i32
      %add3A_155 = arith.constant 2 : i32
      %add3A_156 = arith.addi %add3A_154, %add3A_155 : i32
      %lt3A_157 = arith.constant 32 : i32
      %lt3A_158 = arith.cmpi slt, %add3A_156, %lt3A_157 : i32
      %convert_element_type3A_159 = arith.extui %lt3A_158 : i1 to i32
      %cond3A_160 = arith.constant 0 : i32
      %cond3A_161 = arith.cmpi ne, %convert_element_type3A_159, %cond3A_160 : i32
      scf.if %cond3A_161 {
        %add3A_185 = arith.constant 2 : i32
        %add3A_186 = arith.addi %add3A_154, %add3A_185 : i32
        %mul3A_187 = arith.constant 16 : i32
        %mul3A_188 = arith.muli %add3A_186, %mul3A_187 : i32
        %add3A_189 = arith.addi %mul3A_2, %mul3A_188 : i32
        "tpu.region"() ({
          %run_scoped3A = tpu.sem_alloc : memref<!tpu.dma_semaphore, #tpu.memory_space<semaphore_mem>>
          %dma_start3A_199 = arith.constant 0 : i32
          %dma_start3A_200 = tpu.memref_slice %arg3[%add3A_189, %dma_start3A_199] : memref<16384x50xi32, #tpu.memory_space<hbm>> -> memref<16x50xi32, #tpu.memory_space<hbm>>
          %dma_start3A_201 = arith.constant 0 : i32
          %dma_start3A_202 = tpu.memref_slice %arg3[%add3A_189, %dma_start3A_201] : memref<16384x50xi32, #tpu.memory_space<hbm>> -> memref<16x50xi32, #tpu.memory_space<hbm>>
          tpu.enqueue_dma source(%dma_start3A_202 : memref<16x50xi32, #tpu.memory_space<hbm>>) target(%arg6 : memref<16x50xi32, #tpu.memory_space<vmem>>) target_semaphore(%run_scoped3A : memref<!tpu.dma_semaphore, #tpu.memory_space<semaphore_mem>>)
          %dma_wait3A_203 = arith.constant 0 : i32
          %dma_wait3A_204 = tpu.memref_slice %arg3[%add3A_189, %dma_wait3A_203] : memref<16384x50xi32, #tpu.memory_space<hbm>> -> memref<16x50xi32, #tpu.memory_space<hbm>>
          %dma_wait3A_205 = arith.constant 0 : i32
          %dma_wait3A_206 = tpu.memref_slice %arg3[%add3A_189, %dma_wait3A_205] : memref<16384x50xi32, #tpu.memory_space<hbm>> -> memref<16x50xi32, #tpu.memory_space<hbm>>
          tpu.wait_dma2 semaphore(%run_scoped3A : memref<!tpu.dma_semaphore, #tpu.memory_space<semaphore_mem>>) src(%dma_wait3A_206 : memref<16x50xi32, #tpu.memory_space<hbm>>) dst(%arg6 : memref<16x50xi32, #tpu.memory_space<vmem>>)
          tpu.yield
        }) : () -> ()
        %scan3A_190 = arith.constant 0 : i32
        %scan3A_191 = arith.constant 0 : i32
        %scan3A_192 = arith.constant 50 : i32
        %scan3A_193 = arith.addi %scan3A_191, %scan3A_192 : i32
        %scan3A_194 = arith.constant 1 : i32
        scf.for %scan3A_199 = %scan3A_191 to %scan3A_193 step %scan3A_194  : i32 {
          %broadcast_in_dim3A = arith.constant 0 : i32
          %broadcast_in_dim3A_200 = vector.broadcast %broadcast_in_dim3A : i32 to vector<16xi32>
          %add3A_201 = vector.broadcast %scan3A_199 : i32 to vector<16xi32>
          %add3A_202 = arith.addi %broadcast_in_dim3A_200, %add3A_201 : vector<16xi32>
          %gather3A = tpu.vector_load_idx %arg6[%iota3A, %add3A_202] : memref<16x50xi32, #tpu.memory_space<vmem>>[vector<16xi32>, vector<16xi32>], vector<16xi32>,
          %mul3A_203 = arith.constant 16 : i32
          %mul3A_204 = arith.muli %scan3A_199, %mul3A_203 : i32
          %swap3A = arith.index_cast %mul3A_204 : i32 to index
          %swap3A_205 = tpu.vector_load %arg9[%swap3A] {strides = array<i32>} : memref<800xi32, #tpu.memory_space<vmem>>, vector<16xi32>,
          tpu.vector_store %arg9[%swap3A], %gather3A {strides = array<i32>} : memref<800xi32, #tpu.memory_space<vmem>>, vector<16xi32>,
        }
        %scan3A_195 = arith.constant 50 : i32
        %dma_start3A_196 = arith.constant 0 : i32
        %dma_start3A_197 = arith.constant 0 : i32
        %dma_start3A_198 = tpu.memref_slice %arg2[%dma_start3A_196, %dma_start3A_197] : memref<1000000x32xf32, #tpu.memory_space<hbm>> -> memref<1000000x32xf32, #tpu.memory_space<hbm>>
        tpu.enqueue_indirect_dma source(%dma_start3A_198 : memref<1000000x32xf32, #tpu.memory_space<hbm>>) target(%arg12 : memref<800x32xf32, #tpu.memory_space<vmem>>) offsets(%arg9 : memref<800xi32, #tpu.memory_space<vmem>>) semaphore(%arg16 : memref<!tpu.dma_semaphore, #tpu.memory_space<semaphore_mem>>)
      } else {
      }
      %dma_wait3A_162 = arith.constant 0 : i32
      %dma_wait3A_163 = arith.constant 0 : i32
      %dma_wait3A_164 = tpu.memref_slice %arg2[%dma_wait3A_162, %dma_wait3A_163] : memref<1000000x32xf32, #tpu.memory_space<hbm>> -> memref<1000000x32xf32, #tpu.memory_space<hbm>>
      tpu.wait_indirect_dma semaphore(%arg17 : memref<!tpu.dma_semaphore, #tpu.memory_space<semaphore_mem>>) src(%dma_wait3A_164 : memref<1000000x32xf32, #tpu.memory_space<hbm>>) dst(%arg13 : memref<800x32xf32, #tpu.memory_space<vmem>>)
      %ge3A_165 = arith.constant 1 : i32
      %ge3A_166 = arith.cmpi sge, %add3A_154, %ge3A_165 : i32
      %convert_element_type3A_167 = arith.extui %ge3A_166 : i1 to i32
      %cond3A_168 = arith.constant 0 : i32
      %cond3A_169 = arith.cmpi ne, %convert_element_type3A_167, %cond3A_168 : i32
      scf.if %cond3A_169 {
        %add3A_185 = arith.constant 0 : i32
        %add3A_186 = arith.addi %mul3A_2, %add3A_185 : i32
        %dma_wait3A_187 = arith.constant 0 : i32
        %dma_wait3A_188 = arith.constant 0 : i32
        %dma_wait3A_189 = tpu.memref_slice %arg4[%dma_wait3A_187, %dma_wait3A_188, %add3A_186] : memref<50x32x16384xf32, #tpu.memory_space<hbm>> -> memref<50x32x16xf32, #tpu.memory_space<hbm>>
        %dma_wait3A_190 = arith.constant 0 : i32
        %dma_wait3A_191 = arith.constant 0 : i32
        %dma_wait3A_192 = tpu.memref_slice %arg4[%dma_wait3A_190, %dma_wait3A_191, %add3A_186] : memref<50x32x16384xf32, #tpu.memory_space<hbm>> -> memref<50x32x16xf32, #tpu.memory_space<hbm>>
        tpu.wait_dma2 semaphore(%arg18 : memref<!tpu.dma_semaphore, #tpu.memory_space<semaphore_mem>>) src(%arg14 : memref<50x32x16xf32, #tpu.memory_space<vmem>>) dst(%dma_wait3A_192 : memref<50x32x16xf32, #tpu.memory_space<hbm>>)
      } else {
      }
      %scan3A_170 = arith.constant 0 : i32
      %scan3A_171 = arith.constant 0 : i32
      %scan3A_172 = arith.constant 50 : i32
      %scan3A_173 = arith.addi %scan3A_171, %scan3A_172 : i32
      %scan3A_174 = arith.constant 1 : i32
      scf.for %scan3A_185 = %scan3A_171 to %scan3A_173 step %scan3A_174  : i32 {
        %broadcast_in_dim3A = arith.constant 0 : i32
        %broadcast_in_dim3A_186 = vector.broadcast %broadcast_in_dim3A : i32 to vector<16xi32>
        %add3A_187 = vector.broadcast %scan3A_185 : i32 to vector<16xi32>
        %add3A_188 = arith.addi %broadcast_in_dim3A_186, %add3A_187 : vector<16xi32>
        %broadcast_in_dim3A_189 = arith.constant 0 : i32
        %broadcast_in_dim3A_190 = vector.broadcast %broadcast_in_dim3A_189 : i32 to vector<16xi32>
        %mul3A_191 = arith.constant 16 : i32
        %mul3A_192 = arith.muli %scan3A_185, %mul3A_191 : i32
        %add3A_193 = arith.constant 0 : i32
        %add3A_194 = arith.addi %mul3A_192, %add3A_193 : i32
        %get3A = arith.index_cast %add3A_194 : i32 to index
        %get3A_195 = arith.constant 0 : index
        %get3A_196 = tpu.vector_load %arg13[%get3A, %get3A_195] {strides = array<i32>} : memref<800x32xf32, #tpu.memory_space<vmem>>, vector<16xf32>,
        %add3A_197 = arith.constant 0 : i32
        %add3A_198 = vector.broadcast %add3A_197 : i32 to vector<16xi32>
        %add3A_199 = arith.addi %iota3A, %add3A_198 : vector<16xi32>
        tpu.vector_store_idx %arg14[%add3A_188, %add3A_199, %broadcast_in_dim3A_190], %get3A_196 : memref<50x32x16xf32, #tpu.memory_space<vmem>>[vector<16xi32>, vector<16xi32>, vector<16xi32>], vector<16xf32>,
        %mul3A_200 = arith.constant 16 : i32
        %mul3A_201 = arith.muli %scan3A_185, %mul3A_200 : i32
        %add3A_202 = arith.constant 0 : i32
        %add3A_203 = arith.addi %mul3A_201, %add3A_202 : i32
        %get3A_204 = arith.index_cast %add3A_203 : i32 to index
        %get3A_205 = arith.constant 16 : index
        %get3A_206 = tpu.vector_load %arg13[%get3A_204, %get3A_205] {strides = array<i32>} : memref<800x32xf32, #tpu.memory_space<vmem>>, vector<16xf32>,
        %add3A_207 = arith.constant 16 : i32
        %add3A_208 = vector.broadcast %add3A_207 : i32 to vector<16xi32>
        %add3A_209 = arith.addi %iota3A, %add3A_208 : vector<16xi32>
        tpu.vector_store_idx %arg14[%add3A_188, %add3A_209, %broadcast_in_dim3A_190], %get3A_206 : memref<50x32x16xf32, #tpu.memory_space<vmem>>[vector<16xi32>, vector<16xi32>, vector<16xi32>], vector<16xf32>,
        %broadcast_in_dim3A_210 = arith.constant 1 : i32
        %broadcast_in_dim3A_211 = vector.broadcast %broadcast_in_dim3A_210 : i32 to vector<16xi32>
        %mul3A_212 = arith.constant 16 : i32
        %mul3A_213 = arith.muli %scan3A_185, %mul3A_212 : i32
        %add3A_214 = arith.constant 1 : i32
        %add3A_215 = arith.addi %mul3A_213, %add3A_214 : i32
        %get3A_216 = arith.index_cast %add3A_215 : i32 to index
        %get3A_217 = arith.constant 0 : index
        %get3A_218 = tpu.vector_load %arg13[%get3A_216, %get3A_217] {strides = array<i32>} : memref<800x32xf32, #tpu.memory_space<vmem>>, vector<16xf32>,
        %add3A_219 = arith.constant 0 : i32
        %add3A_220 = vector.broadcast %add3A_219 : i32 to vector<16xi32>
        %add3A_221 = arith.addi %iota3A, %add3A_220 : vector<16xi32>
        tpu.vector_store_idx %arg14[%add3A_188, %add3A_221, %broadcast_in_dim3A_211], %get3A_218 : memref<50x32x16xf32, #tpu.memory_space<vmem>>[vector<16xi32>, vector<16xi32>, vector<16xi32>], vector<16xf32>,
        %mul3A_222 = arith.constant 16 : i32
        %mul3A_223 = arith.muli %scan3A_185, %mul3A_222 : i32
        %add3A_224 = arith.constant 1 : i32
        %add3A_225 = arith.addi %mul3A_223, %add3A_224 : i32
        %get3A_226 = arith.index_cast %add3A_225 : i32 to index
        %get3A_227 = arith.constant 16 : index
        %get3A_228 = tpu.vector_load %arg13[%get3A_226, %get3A_227] {strides = array<i32>} : memref<800x32xf32, #tpu.memory_space<vmem>>, vector<16xf32>,
        %add3A_229 = arith.constant 16 : i32
        %add3A_230 = vector.broadcast %add3A_229 : i32 to vector<16xi32>
        %add3A_231 = arith.addi %iota3A, %add3A_230 : vector<16xi32>
        tpu.vector_store_idx %arg14[%add3A_188, %add3A_231, %broadcast_in_dim3A_211], %get3A_228 : memref<50x32x16xf32, #tpu.memory_space<vmem>>[vector<16xi32>, vector<16xi32>, vector<16xi32>], vector<16xf32>,
        %broadcast_in_dim3A_232 = arith.constant 2 : i32
        %broadcast_in_dim3A_233 = vector.broadcast %broadcast_in_dim3A_232 : i32 to vector<16xi32>
        %mul3A_234 = arith.constant 16 : i32
        %mul3A_235 = arith.muli %scan3A_185, %mul3A_234 : i32
        %add3A_236 = arith.constant 2 : i32
        %add3A_237 = arith.addi %mul3A_235, %add3A_236 : i32
        %get3A_238 = arith.index_cast %add3A_237 : i32 to index
        %get3A_239 = arith.constant 0 : index
        %get3A_240 = tpu.vector_load %arg13[%get3A_238, %get3A_239] {strides = array<i32>} : memref<800x32xf32, #tpu.memory_space<vmem>>, vector<16xf32>,
        %add3A_241 = arith.constant 0 : i32
        %add3A_242 = vector.broadcast %add3A_241 : i32 to vector<16xi32>
        %add3A_243 = arith.addi %iota3A, %add3A_242 : vector<16xi32>
        tpu.vector_store_idx %arg14[%add3A_188, %add3A_243, %broadcast_in_dim3A_233], %get3A_240 : memref<50x32x16xf32, #tpu.memory_space<vmem>>[vector<16xi32>, vector<16xi32>, vector<16xi32>], vector<16xf32>,
        %mul3A_244 = arith.constant 16 : i32
        %mul3A_245 = arith.muli %scan3A_185, %mul3A_244 : i32
        %add3A_246 = arith.constant 2 : i32
        %add3A_247 = arith.addi %mul3A_245, %add3A_246 : i32
        %get3A_248 = arith.index_cast %add3A_247 : i32 to index
        %get3A_249 = arith.constant 16 : index
        %get3A_250 = tpu.vector_load %arg13[%get3A_248, %get3A_249] {strides = array<i32>} : memref<800x32xf32, #tpu.memory_space<vmem>>, vector<16xf32>,
        %add3A_251 = arith.constant 16 : i32
        %add3A_252 = vector.broadcast %add3A_251 : i32 to vector<16xi32>
        %add3A_253 = arith.addi %iota3A, %add3A_252 : vector<16xi32>
        tpu.vector_store_idx %arg14[%add3A_188, %add3A_253, %broadcast_in_dim3A_233], %get3A_250 : memref<50x32x16xf32, #tpu.memory_space<vmem>>[vector<16xi32>, vector<16xi32>, vector<16xi32>], vector<16xf32>,
        %broadcast_in_dim3A_254 = arith.constant 3 : i32
        %broadcast_in_dim3A_255 = vector.broadcast %broadcast_in_dim3A_254 : i32 to vector<16xi32>
        %mul3A_256 = arith.constant 16 : i32
        %mul3A_257 = arith.muli %scan3A_185, %mul3A_256 : i32
        %add3A_258 = arith.constant 3 : i32
        %add3A_259 = arith.addi %mul3A_257, %add3A_258 : i32
        %get3A_260 = arith.index_cast %add3A_259 : i32 to index
        %get3A_261 = arith.constant 0 : index
        %get3A_262 = tpu.vector_load %arg13[%get3A_260, %get3A_261] {strides = array<i32>} : memref<800x32xf32, #tpu.memory_space<vmem>>, vector<16xf32>,
        %add3A_263 = arith.constant 0 : i32
        %add3A_264 = vector.broadcast %add3A_263 : i32 to vector<16xi32>
        %add3A_265 = arith.addi %iota3A, %add3A_264 : vector<16xi32>
        tpu.vector_store_idx %arg14[%add3A_188, %add3A_265, %broadcast_in_dim3A_255], %get3A_262 : memref<50x32x16xf32, #tpu.memory_space<vmem>>[vector<16xi32>, vector<16xi32>, vector<16xi32>], vector<16xf32>,
        %mul3A_266 = arith.constant 16 : i32
        %mul3A_267 = arith.muli %scan3A_185, %mul3A_266 : i32
        %add3A_268 = arith.constant 3 : i32
        %add3A_269 = arith.addi %mul3A_267, %add3A_268 : i32
        %get3A_270 = arith.index_cast %add3A_269 : i32 to index
        %get3A_271 = arith.constant 16 : index
        %get3A_272 = tpu.vector_load %arg13[%get3A_270, %get3A_271] {strides = array<i32>} : memref<800x32xf32, #tpu.memory_space<vmem>>, vector<16xf32>,
        %add3A_273 = arith.constant 16 : i32
        %add3A_274 = vector.broadcast %add3A_273 : i32 to vector<16xi32>
        %add3A_275 = arith.addi %iota3A, %add3A_274 : vector<16xi32>
        tpu.vector_store_idx %arg14[%add3A_188, %add3A_275, %broadcast_in_dim3A_255], %get3A_272 : memref<50x32x16xf32, #tpu.memory_space<vmem>>[vector<16xi32>, vector<16xi32>, vector<16xi32>], vector<16xf32>,
        %broadcast_in_dim3A_276 = arith.constant 4 : i32
        %broadcast_in_dim3A_277 = vector.broadcast %broadcast_in_dim3A_276 : i32 to vector<16xi32>
        %mul3A_278 = arith.constant 16 : i32
        %mul3A_279 = arith.muli %scan3A_185, %mul3A_278 : i32
        %add3A_280 = arith.constant 4 : i32
        %add3A_281 = arith.addi %mul3A_279, %add3A_280 : i32
        %get3A_282 = arith.index_cast %add3A_281 : i32 to index
        %get3A_283 = arith.constant 0 : index
        %get3A_284 = tpu.vector_load %arg13[%get3A_282, %get3A_283] {strides = array<i32>} : memref<800x32xf32, #tpu.memory_space<vmem>>, vector<16xf32>,
        %add3A_285 = arith.constant 0 : i32
        %add3A_286 = vector.broadcast %add3A_285 : i32 to vector<16xi32>
        %add3A_287 = arith.addi %iota3A, %add3A_286 : vector<16xi32>
        tpu.vector_store_idx %arg14[%add3A_188, %add3A_287, %broadcast_in_dim3A_277], %get3A_284 : memref<50x32x16xf32, #tpu.memory_space<vmem>>[vector<16xi32>, vector<16xi32>, vector<16xi32>], vector<16xf32>,
        %mul3A_288 = arith.constant 16 : i32
        %mul3A_289 = arith.muli %scan3A_185, %mul3A_288 : i32
        %add3A_290 = arith.constant 4 : i32
        %add3A_291 = arith.addi %mul3A_289, %add3A_290 : i32
        %get3A_292 = arith.index_cast %add3A_291 : i32 to index
        %get3A_293 = arith.constant 16 : index
        %get3A_294 = tpu.vector_load %arg13[%get3A_292, %get3A_293] {strides = array<i32>} : memref<800x32xf32, #tpu.memory_space<vmem>>, vector<16xf32>,
        %add3A_295 = arith.constant 16 : i32
        %add3A_296 = vector.broadcast %add3A_295 : i32 to vector<16xi32>
        %add3A_297 = arith.addi %iota3A, %add3A_296 : vector<16xi32>
        tpu.vector_store_idx %arg14[%add3A_188, %add3A_297, %broadcast_in_dim3A_277], %get3A_294 : memref<50x32x16xf32, #tpu.memory_space<vmem>>[vector<16xi32>, vector<16xi32>, vector<16xi32>], vector<16xf32>,
        %broadcast_in_dim3A_298 = arith.constant 5 : i32
        %broadcast_in_dim3A_299 = vector.broadcast %broadcast_in_dim3A_298 : i32 to vector<16xi32>
        %mul3A_300 = arith.constant 16 : i32
        %mul3A_301 = arith.muli %scan3A_185, %mul3A_300 : i32
        %add3A_302 = arith.constant 5 : i32
        %add3A_303 = arith.addi %mul3A_301, %add3A_302 : i32
        %get3A_304 = arith.index_cast %add3A_303 : i32 to index
        %get3A_305 = arith.constant 0 : index
        %get3A_306 = tpu.vector_load %arg13[%get3A_304, %get3A_305] {strides = array<i32>} : memref<800x32xf32, #tpu.memory_space<vmem>>, vector<16xf32>,
        %add3A_307 = arith.constant 0 : i32
        %add3A_308 = vector.broadcast %add3A_307 : i32 to vector<16xi32>
        %add3A_309 = arith.addi %iota3A, %add3A_308 : vector<16xi32>
        tpu.vector_store_idx %arg14[%add3A_188, %add3A_309, %broadcast_in_dim3A_299], %get3A_306 : memref<50x32x16xf32, #tpu.memory_space<vmem>>[vector<16xi32>, vector<16xi32>, vector<16xi32>], vector<16xf32>,
        %mul3A_310 = arith.constant 16 : i32
        %mul3A_311 = arith.muli %scan3A_185, %mul3A_310 : i32
        %add3A_312 = arith.constant 5 : i32
        %add3A_313 = arith.addi %mul3A_311, %add3A_312 : i32
        %get3A_314 = arith.index_cast %add3A_313 : i32 to index
        %get3A_315 = arith.constant 16 : index
        %get3A_316 = tpu.vector_load %arg13[%get3A_314, %get3A_315] {strides = array<i32>} : memref<800x32xf32, #tpu.memory_space<vmem>>, vector<16xf32>,
        %add3A_317 = arith.constant 16 : i32
        %add3A_318 = vector.broadcast %add3A_317 : i32 to vector<16xi32>
        %add3A_319 = arith.addi %iota3A, %add3A_318 : vector<16xi32>
        tpu.vector_store_idx %arg14[%add3A_188, %add3A_319, %broadcast_in_dim3A_299], %get3A_316 : memref<50x32x16xf32, #tpu.memory_space<vmem>>[vector<16xi32>, vector<16xi32>, vector<16xi32>], vector<16xf32>,
        %broadcast_in_dim3A_320 = arith.constant 6 : i32
        %broadcast_in_dim3A_321 = vector.broadcast %broadcast_in_dim3A_320 : i32 to vector<16xi32>
        %mul3A_322 = arith.constant 16 : i32
        %mul3A_323 = arith.muli %scan3A_185, %mul3A_322 : i32
        %add3A_324 = arith.constant 6 : i32
        %add3A_325 = arith.addi %mul3A_323, %add3A_324 : i32
        %get3A_326 = arith.index_cast %add3A_325 : i32 to index
        %get3A_327 = arith.constant 0 : index
        %get3A_328 = tpu.vector_load %arg13[%get3A_326, %get3A_327] {strides = array<i32>} : memref<800x32xf32, #tpu.memory_space<vmem>>, vector<16xf32>,
        %add3A_329 = arith.constant 0 : i32
        %add3A_330 = vector.broadcast %add3A_329 : i32 to vector<16xi32>
        %add3A_331 = arith.addi %iota3A, %add3A_330 : vector<16xi32>
        tpu.vector_store_idx %arg14[%add3A_188, %add3A_331, %broadcast_in_dim3A_321], %get3A_328 : memref<50x32x16xf32, #tpu.memory_space<vmem>>[vector<16xi32>, vector<16xi32>, vector<16xi32>], vector<16xf32>,
        %mul3A_332 = arith.constant 16 : i32
        %mul3A_333 = arith.muli %scan3A_185, %mul3A_332 : i32
        %add3A_334 = arith.constant 6 : i32
        %add3A_335 = arith.addi %mul3A_333, %add3A_334 : i32
        %get3A_336 = arith.index_cast %add3A_335 : i32 to index
        %get3A_337 = arith.constant 16 : index
        %get3A_338 = tpu.vector_load %arg13[%get3A_336, %get3A_337] {strides = array<i32>} : memref<800x32xf32, #tpu.memory_space<vmem>>, vector<16xf32>,
        %add3A_339 = arith.constant 16 : i32
        %add3A_340 = vector.broadcast %add3A_339 : i32 to vector<16xi32>
        %add3A_341 = arith.addi %iota3A, %add3A_340 : vector<16xi32>
        tpu.vector_store_idx %arg14[%add3A_188, %add3A_341, %broadcast_in_dim3A_321], %get3A_338 : memref<50x32x16xf32, #tpu.memory_space<vmem>>[vector<16xi32>, vector<16xi32>, vector<16xi32>], vector<16xf32>,
        %broadcast_in_dim3A_342 = arith.constant 7 : i32
        %broadcast_in_dim3A_343 = vector.broadcast %broadcast_in_dim3A_342 : i32 to vector<16xi32>
        %mul3A_344 = arith.constant 16 : i32
        %mul3A_345 = arith.muli %scan3A_185, %mul3A_344 : i32
        %add3A_346 = arith.constant 7 : i32
        %add3A_347 = arith.addi %mul3A_345, %add3A_346 : i32
        %get3A_348 = arith.index_cast %add3A_347 : i32 to index
        %get3A_349 = arith.constant 0 : index
        %get3A_350 = tpu.vector_load %arg13[%get3A_348, %get3A_349] {strides = array<i32>} : memref<800x32xf32, #tpu.memory_space<vmem>>, vector<16xf32>,
        %add3A_351 = arith.constant 0 : i32
        %add3A_352 = vector.broadcast %add3A_351 : i32 to vector<16xi32>
        %add3A_353 = arith.addi %iota3A, %add3A_352 : vector<16xi32>
        tpu.vector_store_idx %arg14[%add3A_188, %add3A_353, %broadcast_in_dim3A_343], %get3A_350 : memref<50x32x16xf32, #tpu.memory_space<vmem>>[vector<16xi32>, vector<16xi32>, vector<16xi32>], vector<16xf32>,
        %mul3A_354 = arith.constant 16 : i32
        %mul3A_355 = arith.muli %scan3A_185, %mul3A_354 : i32
        %add3A_356 = arith.constant 7 : i32
        %add3A_357 = arith.addi %mul3A_355, %add3A_356 : i32
        %get3A_358 = arith.index_cast %add3A_357 : i32 to index
        %get3A_359 = arith.constant 16 : index
        %get3A_360 = tpu.vector_load %arg13[%get3A_358, %get3A_359] {strides = array<i32>} : memref<800x32xf32, #tpu.memory_space<vmem>>, vector<16xf32>,
        %add3A_361 = arith.constant 16 : i32
        %add3A_362 = vector.broadcast %add3A_361 : i32 to vector<16xi32>
        %add3A_363 = arith.addi %iota3A, %add3A_362 : vector<16xi32>
        tpu.vector_store_idx %arg14[%add3A_188, %add3A_363, %broadcast_in_dim3A_343], %get3A_360 : memref<50x32x16xf32, #tpu.memory_space<vmem>>[vector<16xi32>, vector<16xi32>, vector<16xi32>], vector<16xf32>,
        %broadcast_in_dim3A_364 = arith.constant 8 : i32
        %broadcast_in_dim3A_365 = vector.broadcast %broadcast_in_dim3A_364 : i32 to vector<16xi32>
        %mul3A_366 = arith.constant 16 : i32
        %mul3A_367 = arith.muli %scan3A_185, %mul3A_366 : i32
        %add3A_368 = arith.constant 8 : i32
        %add3A_369 = arith.addi %mul3A_367, %add3A_368 : i32
        %get3A_370 = arith.index_cast %add3A_369 : i32 to index
        %get3A_371 = arith.constant 0 : index
        %get3A_372 = tpu.vector_load %arg13[%get3A_370, %get3A_371] {strides = array<i32>} : memref<800x32xf32, #tpu.memory_space<vmem>>, vector<16xf32>,
        %add3A_373 = arith.constant 0 : i32
        %add3A_374 = vector.broadcast %add3A_373 : i32 to vector<16xi32>
        %add3A_375 = arith.addi %iota3A, %add3A_374 : vector<16xi32>
        tpu.vector_store_idx %arg14[%add3A_188, %add3A_375, %broadcast_in_dim3A_365], %get3A_372 : memref<50x32x16xf32, #tpu.memory_space<vmem>>[vector<16xi32>, vector<16xi32>, vector<16xi32>], vector<16xf32>,
        %mul3A_376 = arith.constant 16 : i32
        %mul3A_377 = arith.muli %scan3A_185, %mul3A_376 : i32
        %add3A_378 = arith.constant 8 : i32
        %add3A_379 = arith.addi %mul3A_377, %add3A_378 : i32
        %get3A_380 = arith.index_cast %add3A_379 : i32 to index
        %get3A_381 = arith.constant 16 : index
        %get3A_382 = tpu.vector_load %arg13[%get3A_380, %get3A_381] {strides = array<i32>} : memref<800x32xf32, #tpu.memory_space<vmem>>, vector<16xf32>,
        %add3A_383 = arith.constant 16 : i32
        %add3A_384 = vector.broadcast %add3A_383 : i32 to vector<16xi32>
        %add3A_385 = arith.addi %iota3A, %add3A_384 : vector<16xi32>
        tpu.vector_store_idx %arg14[%add3A_188, %add3A_385, %broadcast_in_dim3A_365], %get3A_382 : memref<50x32x16xf32, #tpu.memory_space<vmem>>[vector<16xi32>, vector<16xi32>, vector<16xi32>], vector<16xf32>,
        %broadcast_in_dim3A_386 = arith.constant 9 : i32
        %broadcast_in_dim3A_387 = vector.broadcast %broadcast_in_dim3A_386 : i32 to vector<16xi32>
        %mul3A_388 = arith.constant 16 : i32
        %mul3A_389 = arith.muli %scan3A_185, %mul3A_388 : i32
        %add3A_390 = arith.constant 9 : i32
        %add3A_391 = arith.addi %mul3A_389, %add3A_390 : i32
        %get3A_392 = arith.index_cast %add3A_391 : i32 to index
        %get3A_393 = arith.constant 0 : index
        %get3A_394 = tpu.vector_load %arg13[%get3A_392, %get3A_393] {strides = array<i32>} : memref<800x32xf32, #tpu.memory_space<vmem>>, vector<16xf32>,
        %add3A_395 = arith.constant 0 : i32
        %add3A_396 = vector.broadcast %add3A_395 : i32 to vector<16xi32>
        %add3A_397 = arith.addi %iota3A, %add3A_396 : vector<16xi32>
        tpu.vector_store_idx %arg14[%add3A_188, %add3A_397, %broadcast_in_dim3A_387], %get3A_394 : memref<50x32x16xf32, #tpu.memory_space<vmem>>[vector<16xi32>, vector<16xi32>, vector<16xi32>], vector<16xf32>,
        %mul3A_398 = arith.constant 16 : i32
        %mul3A_399 = arith.muli %scan3A_185, %mul3A_398 : i32
        %add3A_400 = arith.constant 9 : i32
        %add3A_401 = arith.addi %mul3A_399, %add3A_400 : i32
        %get3A_402 = arith.index_cast %add3A_401 : i32 to index
        %get3A_403 = arith.constant 16 : index
        %get3A_404 = tpu.vector_load %arg13[%get3A_402, %get3A_403] {strides = array<i32>} : memref<800x32xf32, #tpu.memory_space<vmem>>, vector<16xf32>,
        %add3A_405 = arith.constant 16 : i32
        %add3A_406 = vector.broadcast %add3A_405 : i32 to vector<16xi32>
        %add3A_407 = arith.addi %iota3A, %add3A_406 : vector<16xi32>
        tpu.vector_store_idx %arg14[%add3A_188, %add3A_407, %broadcast_in_dim3A_387], %get3A_404 : memref<50x32x16xf32, #tpu.memory_space<vmem>>[vector<16xi32>, vector<16xi32>, vector<16xi32>], vector<16xf32>,
        %broadcast_in_dim3A_408 = arith.constant 10 : i32
        %broadcast_in_dim3A_409 = vector.broadcast %broadcast_in_dim3A_408 : i32 to vector<16xi32>
        %mul3A_410 = arith.constant 16 : i32
        %mul3A_411 = arith.muli %scan3A_185, %mul3A_410 : i32
        %add3A_412 = arith.constant 10 : i32
        %add3A_413 = arith.addi %mul3A_411, %add3A_412 : i32
        %get3A_414 = arith.index_cast %add3A_413 : i32 to index
        %get3A_415 = arith.constant 0 : index
        %get3A_416 = tpu.vector_load %arg13[%get3A_414, %get3A_415] {strides = array<i32>} : memref<800x32xf32, #tpu.memory_space<vmem>>, vector<16xf32>,
        %add3A_417 = arith.constant 0 : i32
        %add3A_418 = vector.broadcast %add3A_417 : i32 to vector<16xi32>
        %add3A_419 = arith.addi %iota3A, %add3A_418 : vector<16xi32>
        tpu.vector_store_idx %arg14[%add3A_188, %add3A_419, %broadcast_in_dim3A_409], %get3A_416 : memref<50x32x16xf32, #tpu.memory_space<vmem>>[vector<16xi32>, vector<16xi32>, vector<16xi32>], vector<16xf32>,
        %mul3A_420 = arith.constant 16 : i32
        %mul3A_421 = arith.muli %scan3A_185, %mul3A_420 : i32
        %add3A_422 = arith.constant 10 : i32
        %add3A_423 = arith.addi %mul3A_421, %add3A_422 : i32
        %get3A_424 = arith.index_cast %add3A_423 : i32 to index
        %get3A_425 = arith.constant 16 : index
        %get3A_426 = tpu.vector_load %arg13[%get3A_424, %get3A_425] {strides = array<i32>} : memref<800x32xf32, #tpu.memory_space<vmem>>, vector<16xf32>,
        %add3A_427 = arith.constant 16 : i32
        %add3A_428 = vector.broadcast %add3A_427 : i32 to vector<16xi32>
        %add3A_429 = arith.addi %iota3A, %add3A_428 : vector<16xi32>
        tpu.vector_store_idx %arg14[%add3A_188, %add3A_429, %broadcast_in_dim3A_409], %get3A_426 : memref<50x32x16xf32, #tpu.memory_space<vmem>>[vector<16xi32>, vector<16xi32>, vector<16xi32>], vector<16xf32>,
        %broadcast_in_dim3A_430 = arith.constant 11 : i32
        %broadcast_in_dim3A_431 = vector.broadcast %broadcast_in_dim3A_430 : i32 to vector<16xi32>
        %mul3A_432 = arith.constant 16 : i32
        %mul3A_433 = arith.muli %scan3A_185, %mul3A_432 : i32
        %add3A_434 = arith.constant 11 : i32
        %add3A_435 = arith.addi %mul3A_433, %add3A_434 : i32
        %get3A_436 = arith.index_cast %add3A_435 : i32 to index
        %get3A_437 = arith.constant 0 : index
        %get3A_438 = tpu.vector_load %arg13[%get3A_436, %get3A_437] {strides = array<i32>} : memref<800x32xf32, #tpu.memory_space<vmem>>, vector<16xf32>,
        %add3A_439 = arith.constant 0 : i32
        %add3A_440 = vector.broadcast %add3A_439 : i32 to vector<16xi32>
        %add3A_441 = arith.addi %iota3A, %add3A_440 : vector<16xi32>
        tpu.vector_store_idx %arg14[%add3A_188, %add3A_441, %broadcast_in_dim3A_431], %get3A_438 : memref<50x32x16xf32, #tpu.memory_space<vmem>>[vector<16xi32>, vector<16xi32>, vector<16xi32>], vector<16xf32>,
        %mul3A_442 = arith.constant 16 : i32
        %mul3A_443 = arith.muli %scan3A_185, %mul3A_442 : i32
        %add3A_444 = arith.constant 11 : i32
        %add3A_445 = arith.addi %mul3A_443, %add3A_444 : i32
        %get3A_446 = arith.index_cast %add3A_445 : i32 to index
        %get3A_447 = arith.constant 16 : index
        %get3A_448 = tpu.vector_load %arg13[%get3A_446, %get3A_447] {strides = array<i32>} : memref<800x32xf32, #tpu.memory_space<vmem>>, vector<16xf32>,
        %add3A_449 = arith.constant 16 : i32
        %add3A_450 = vector.broadcast %add3A_449 : i32 to vector<16xi32>
        %add3A_451 = arith.addi %iota3A, %add3A_450 : vector<16xi32>
        tpu.vector_store_idx %arg14[%add3A_188, %add3A_451, %broadcast_in_dim3A_431], %get3A_448 : memref<50x32x16xf32, #tpu.memory_space<vmem>>[vector<16xi32>, vector<16xi32>, vector<16xi32>], vector<16xf32>,
        %broadcast_in_dim3A_452 = arith.constant 12 : i32
        %broadcast_in_dim3A_453 = vector.broadcast %broadcast_in_dim3A_452 : i32 to vector<16xi32>
        %mul3A_454 = arith.constant 16 : i32
        %mul3A_455 = arith.muli %scan3A_185, %mul3A_454 : i32
        %add3A_456 = arith.constant 12 : i32
        %add3A_457 = arith.addi %mul3A_455, %add3A_456 : i32
        %get3A_458 = arith.index_cast %add3A_457 : i32 to index
        %get3A_459 = arith.constant 0 : index
        %get3A_460 = tpu.vector_load %arg13[%get3A_458, %get3A_459] {strides = array<i32>} : memref<800x32xf32, #tpu.memory_space<vmem>>, vector<16xf32>,
        %add3A_461 = arith.constant 0 : i32
        %add3A_462 = vector.broadcast %add3A_461 : i32 to vector<16xi32>
        %add3A_463 = arith.addi %iota3A, %add3A_462 : vector<16xi32>
        tpu.vector_store_idx %arg14[%add3A_188, %add3A_463, %broadcast_in_dim3A_453], %get3A_460 : memref<50x32x16xf32, #tpu.memory_space<vmem>>[vector<16xi32>, vector<16xi32>, vector<16xi32>], vector<16xf32>,
        %mul3A_464 = arith.constant 16 : i32
        %mul3A_465 = arith.muli %scan3A_185, %mul3A_464 : i32
        %add3A_466 = arith.constant 12 : i32
        %add3A_467 = arith.addi %mul3A_465, %add3A_466 : i32
        %get3A_468 = arith.index_cast %add3A_467 : i32 to index
        %get3A_469 = arith.constant 16 : index
        %get3A_470 = tpu.vector_load %arg13[%get3A_468, %get3A_469] {strides = array<i32>} : memref<800x32xf32, #tpu.memory_space<vmem>>, vector<16xf32>,
        %add3A_471 = arith.constant 16 : i32
        %add3A_472 = vector.broadcast %add3A_471 : i32 to vector<16xi32>
        %add3A_473 = arith.addi %iota3A, %add3A_472 : vector<16xi32>
        tpu.vector_store_idx %arg14[%add3A_188, %add3A_473, %broadcast_in_dim3A_453], %get3A_470 : memref<50x32x16xf32, #tpu.memory_space<vmem>>[vector<16xi32>, vector<16xi32>, vector<16xi32>], vector<16xf32>,
        %broadcast_in_dim3A_474 = arith.constant 13 : i32
        %broadcast_in_dim3A_475 = vector.broadcast %broadcast_in_dim3A_474 : i32 to vector<16xi32>
        %mul3A_476 = arith.constant 16 : i32
        %mul3A_477 = arith.muli %scan3A_185, %mul3A_476 : i32
        %add3A_478 = arith.constant 13 : i32
        %add3A_479 = arith.addi %mul3A_477, %add3A_478 : i32
        %get3A_480 = arith.index_cast %add3A_479 : i32 to index
        %get3A_481 = arith.constant 0 : index
        %get3A_482 = tpu.vector_load %arg13[%get3A_480, %get3A_481] {strides = array<i32>} : memref<800x32xf32, #tpu.memory_space<vmem>>, vector<16xf32>,
        %add3A_483 = arith.constant 0 : i32
        %add3A_484 = vector.broadcast %add3A_483 : i32 to vector<16xi32>
        %add3A_485 = arith.addi %iota3A, %add3A_484 : vector<16xi32>
        tpu.vector_store_idx %arg14[%add3A_188, %add3A_485, %broadcast_in_dim3A_475], %get3A_482 : memref<50x32x16xf32, #tpu.memory_space<vmem>>[vector<16xi32>, vector<16xi32>, vector<16xi32>], vector<16xf32>,
        %mul3A_486 = arith.constant 16 : i32
        %mul3A_487 = arith.muli %scan3A_185, %mul3A_486 : i32
        %add3A_488 = arith.constant 13 : i32
        %add3A_489 = arith.addi %mul3A_487, %add3A_488 : i32
        %get3A_490 = arith.index_cast %add3A_489 : i32 to index
        %get3A_491 = arith.constant 16 : index
        %get3A_492 = tpu.vector_load %arg13[%get3A_490, %get3A_491] {strides = array<i32>} : memref<800x32xf32, #tpu.memory_space<vmem>>, vector<16xf32>,
        %add3A_493 = arith.constant 16 : i32
        %add3A_494 = vector.broadcast %add3A_493 : i32 to vector<16xi32>
        %add3A_495 = arith.addi %iota3A, %add3A_494 : vector<16xi32>
        tpu.vector_store_idx %arg14[%add3A_188, %add3A_495, %broadcast_in_dim3A_475], %get3A_492 : memref<50x32x16xf32, #tpu.memory_space<vmem>>[vector<16xi32>, vector<16xi32>, vector<16xi32>], vector<16xf32>,
        %broadcast_in_dim3A_496 = arith.constant 14 : i32
        %broadcast_in_dim3A_497 = vector.broadcast %broadcast_in_dim3A_496 : i32 to vector<16xi32>
        %mul3A_498 = arith.constant 16 : i32
        %mul3A_499 = arith.muli %scan3A_185, %mul3A_498 : i32
        %add3A_500 = arith.constant 14 : i32
        %add3A_501 = arith.addi %mul3A_499, %add3A_500 : i32
        %get3A_502 = arith.index_cast %add3A_501 : i32 to index
        %get3A_503 = arith.constant 0 : index
        %get3A_504 = tpu.vector_load %arg13[%get3A_502, %get3A_503] {strides = array<i32>} : memref<800x32xf32, #tpu.memory_space<vmem>>, vector<16xf32>,
        %add3A_505 = arith.constant 0 : i32
        %add3A_506 = vector.broadcast %add3A_505 : i32 to vector<16xi32>
        %add3A_507 = arith.addi %iota3A, %add3A_506 : vector<16xi32>
        tpu.vector_store_idx %arg14[%add3A_188, %add3A_507, %broadcast_in_dim3A_497], %get3A_504 : memref<50x32x16xf32, #tpu.memory_space<vmem>>[vector<16xi32>, vector<16xi32>, vector<16xi32>], vector<16xf32>,
        %mul3A_508 = arith.constant 16 : i32
        %mul3A_509 = arith.muli %scan3A_185, %mul3A_508 : i32
        %add3A_510 = arith.constant 14 : i32
        %add3A_511 = arith.addi %mul3A_509, %add3A_510 : i32
        %get3A_512 = arith.index_cast %add3A_511 : i32 to index
        %get3A_513 = arith.constant 16 : index
        %get3A_514 = tpu.vector_load %arg13[%get3A_512, %get3A_513] {strides = array<i32>} : memref<800x32xf32, #tpu.memory_space<vmem>>, vector<16xf32>,
        %add3A_515 = arith.constant 16 : i32
        %add3A_516 = vector.broadcast %add3A_515 : i32 to vector<16xi32>
        %add3A_517 = arith.addi %iota3A, %add3A_516 : vector<16xi32>
        tpu.vector_store_idx %arg14[%add3A_188, %add3A_517, %broadcast_in_dim3A_497], %get3A_514 : memref<50x32x16xf32, #tpu.memory_space<vmem>>[vector<16xi32>, vector<16xi32>, vector<16xi32>], vector<16xf32>,
        %broadcast_in_dim3A_518 = arith.constant 15 : i32
        %broadcast_in_dim3A_519 = vector.broadcast %broadcast_in_dim3A_518 : i32 to vector<16xi32>
        %mul3A_520 = arith.constant 16 : i32
        %mul3A_521 = arith.muli %scan3A_185, %mul3A_520 : i32
        %add3A_522 = arith.constant 15 : i32
        %add3A_523 = arith.addi %mul3A_521, %add3A_522 : i32
        %get3A_524 = arith.index_cast %add3A_523 : i32 to index
        %get3A_525 = arith.constant 0 : index
        %get3A_526 = tpu.vector_load %arg13[%get3A_524, %get3A_525] {strides = array<i32>} : memref<800x32xf32, #tpu.memory_space<vmem>>, vector<16xf32>,
        %add3A_527 = arith.constant 0 : i32
        %add3A_528 = vector.broadcast %add3A_527 : i32 to vector<16xi32>
        %add3A_529 = arith.addi %iota3A, %add3A_528 : vector<16xi32>
        tpu.vector_store_idx %arg14[%add3A_188, %add3A_529, %broadcast_in_dim3A_519], %get3A_526 : memref<50x32x16xf32, #tpu.memory_space<vmem>>[vector<16xi32>, vector<16xi32>, vector<16xi32>], vector<16xf32>,
        %mul3A_530 = arith.constant 16 : i32
        %mul3A_531 = arith.muli %scan3A_185, %mul3A_530 : i32
        %add3A_532 = arith.constant 15 : i32
        %add3A_533 = arith.addi %mul3A_531, %add3A_532 : i32
        %get3A_534 = arith.index_cast %add3A_533 : i32 to index
        %get3A_535 = arith.constant 16 : index
        %get3A_536 = tpu.vector_load %arg13[%get3A_534, %get3A_535] {strides = array<i32>} : memref<800x32xf32, #tpu.memory_space<vmem>>, vector<16xf32>,
        %add3A_537 = arith.constant 16 : i32
        %add3A_538 = vector.broadcast %add3A_537 : i32 to vector<16xi32>
        %add3A_539 = arith.addi %iota3A, %add3A_538 : vector<16xi32>
        tpu.vector_store_idx %arg14[%add3A_188, %add3A_539, %broadcast_in_dim3A_519], %get3A_536 : memref<50x32x16xf32, #tpu.memory_space<vmem>>[vector<16xi32>, vector<16xi32>, vector<16xi32>], vector<16xf32>,
      }
      %scan3A_175 = arith.constant 50 : i32
      %mul3A_176 = arith.constant 16 : i32
      %mul3A_177 = arith.muli %add3A_154, %mul3A_176 : i32
      %add3A_178 = arith.addi %mul3A_2, %mul3A_177 : i32
      %dma_start3A_179 = arith.constant 0 : i32
      %dma_start3A_180 = arith.constant 0 : i32
      %dma_start3A_181 = tpu.memref_slice %arg4[%dma_start3A_179, %dma_start3A_180, %add3A_178] : memref<50x32x16384xf32, #tpu.memory_space<hbm>> -> memref<50x32x16xf32, #tpu.memory_space<hbm>>
      %dma_start3A_182 = arith.constant 0 : i32
      %dma_start3A_183 = arith.constant 0 : i32
      %dma_start3A_184 = tpu.memref_slice %arg4[%dma_start3A_182, %dma_start3A_183, %add3A_178] : memref<50x32x16384xf32, #tpu.memory_space<hbm>> -> memref<50x32x16xf32, #tpu.memory_space<hbm>>
      tpu.enqueue_dma source(%arg14 : memref<50x32x16xf32, #tpu.memory_space<vmem>>) target(%dma_start3A_184 : memref<50x32x16xf32, #tpu.memory_space<hbm>>) target_semaphore(%arg18 : memref<!tpu.dma_semaphore, #tpu.memory_space<semaphore_mem>>)
    }
    %scan3A_28 = arith.constant 10 : i32
    %dma_wait3A = arith.constant 0 : i32
    %dma_wait3A_29 = arith.constant 0 : i32
    %dma_wait3A_30 = tpu.memref_slice %arg2[%dma_wait3A, %dma_wait3A_29] : memref<1000000x32xf32, #tpu.memory_space<hbm>> -> memref<1000000x32xf32, #tpu.memory_space<hbm>>
    tpu.wait_indirect_dma semaphore(%arg15 : memref<!tpu.dma_semaphore, #tpu.memory_space<semaphore_mem>>) src(%dma_wait3A_30 : memref<1000000x32xf32, #tpu.memory_space<hbm>>) dst(%arg11 : memref<800x32xf32, #tpu.memory_space<vmem>>)
    %add3A_31 = arith.constant 0 : i32
    %add3A_32 = arith.addi %mul3A_2, %add3A_31 : i32
    %dma_wait3A_33 = arith.constant 0 : i32
    %dma_wait3A_34 = arith.constant 0 : i32
    %dma_wait3A_35 = tpu.memref_slice %arg4[%dma_wait3A_33, %dma_wait3A_34, %add3A_32] : memref<50x32x16384xf32, #tpu.memory_space<hbm>> -> memref<50x32x16xf32, #tpu.memory_space<hbm>>
    %dma_wait3A_36 = arith.constant 0 : i32
    %dma_wait3A_37 = arith.constant 0 : i32
    %dma_wait3A_38 = tpu.memref_slice %arg4[%dma_wait3A_36, %dma_wait3A_37, %add3A_32] : memref<50x32x16384xf32, #tpu.memory_space<hbm>> -> memref<50x32x16xf32, #tpu.memory_space<hbm>>
    tpu.wait_dma2 semaphore(%arg18 : memref<!tpu.dma_semaphore, #tpu.memory_space<semaphore_mem>>) src(%arg14 : memref<50x32x16xf32, #tpu.memory_space<vmem>>) dst(%dma_wait3A_38 : memref<50x32x16xf32, #tpu.memory_space<hbm>>)
    %scan3A_39 = arith.constant 0 : i32
    %scan3A_40 = arith.constant 0 : i32
    %scan3A_41 = arith.constant 50 : i32
    %scan3A_42 = arith.addi %scan3A_40, %scan3A_41 : i32
    %scan3A_43 = arith.constant 1 : i32
    scf.for %scan3A_86 = %scan3A_40 to %scan3A_42 step %scan3A_43  : i32 {
      %broadcast_in_dim3A = arith.constant 0 : i32
      %broadcast_in_dim3A_87 = vector.broadcast %broadcast_in_dim3A : i32 to vector<16xi32>
      %add3A_88 = vector.broadcast %scan3A_86 : i32 to vector<16xi32>
      %add3A_89 = arith.addi %broadcast_in_dim3A_87, %add3A_88 : vector<16xi32>
      %broadcast_in_dim3A_90 = arith.constant 0 : i32
      %broadcast_in_dim3A_91 = vector.broadcast %broadcast_in_dim3A_90 : i32 to vector<16xi32>
      %mul3A_92 = arith.constant 16 : i32
      %mul3A_93 = arith.muli %scan3A_86, %mul3A_92 : i32
      %add3A_94 = arith.constant 0 : i32
      %add3A_95 = arith.addi %mul3A_93, %add3A_94 : i32
      %get3A = arith.index_cast %add3A_95 : i32 to index
      %get3A_96 = arith.constant 0 : index
      %get3A_97 = tpu.vector_load %arg11[%get3A, %get3A_96] {strides = array<i32>} : memref<800x32xf32, #tpu.memory_space<vmem>>, vector<16xf32>,
      %add3A_98 = arith.constant 0 : i32
      %add3A_99 = vector.broadcast %add3A_98 : i32 to vector<16xi32>
      %add3A_100 = arith.addi %iota3A, %add3A_99 : vector<16xi32>
      tpu.vector_store_idx %arg14[%add3A_89, %add3A_100, %broadcast_in_dim3A_91], %get3A_97 : memref<50x32x16xf32, #tpu.memory_space<vmem>>[vector<16xi32>, vector<16xi32>, vector<16xi32>], vector<16xf32>,
      %mul3A_101 = arith.constant 16 : i32
      %mul3A_102 = arith.muli %scan3A_86, %mul3A_101 : i32
      %add3A_103 = arith.constant 0 : i32
      %add3A_104 = arith.addi %mul3A_102, %add3A_103 : i32
      %get3A_105 = arith.index_cast %add3A_104 : i32 to index
      %get3A_106 = arith.constant 16 : index
      %get3A_107 = tpu.vector_load %arg11[%get3A_105, %get3A_106] {strides = array<i32>} : memref<800x32xf32, #tpu.memory_space<vmem>>, vector<16xf32>,
      %add3A_108 = arith.constant 16 : i32
      %add3A_109 = vector.broadcast %add3A_108 : i32 to vector<16xi32>
      %add3A_110 = arith.addi %iota3A, %add3A_109 : vector<16xi32>
      tpu.vector_store_idx %arg14[%add3A_89, %add3A_110, %broadcast_in_dim3A_91], %get3A_107 : memref<50x32x16xf32, #tpu.memory_space<vmem>>[vector<16xi32>, vector<16xi32>, vector<16xi32>], vector<16xf32>,
      %broadcast_in_dim3A_111 = arith.constant 1 : i32
      %broadcast_in_dim3A_112 = vector.broadcast %broadcast_in_dim3A_111 : i32 to vector<16xi32>
      %mul3A_113 = arith.constant 16 : i32
      %mul3A_114 = arith.muli %scan3A_86, %mul3A_113 : i32
      %add3A_115 = arith.constant 1 : i32
      %add3A_116 = arith.addi %mul3A_114, %add3A_115 : i32
      %get3A_117 = arith.index_cast %add3A_116 : i32 to index
      %get3A_118 = arith.constant 0 : index
      %get3A_119 = tpu.vector_load %arg11[%get3A_117, %get3A_118] {strides = array<i32>} : memref<800x32xf32, #tpu.memory_space<vmem>>, vector<16xf32>,
      %add3A_120 = arith.constant 0 : i32
      %add3A_121 = vector.broadcast %add3A_120 : i32 to vector<16xi32>
      %add3A_122 = arith.addi %iota3A, %add3A_121 : vector<16xi32>
      tpu.vector_store_idx %arg14[%add3A_89, %add3A_122, %broadcast_in_dim3A_112], %get3A_119 : memref<50x32x16xf32, #tpu.memory_space<vmem>>[vector<16xi32>, vector<16xi32>, vector<16xi32>], vector<16xf32>,
      %mul3A_123 = arith.constant 16 : i32
      %mul3A_124 = arith.muli %scan3A_86, %mul3A_123 : i32
      %add3A_125 = arith.constant 1 : i32
      %add3A_126 = arith.addi %mul3A_124, %add3A_125 : i32
      %get3A_127 = arith.index_cast %add3A_126 : i32 to index
      %get3A_128 = arith.constant 16 : index
      %get3A_129 = tpu.vector_load %arg11[%get3A_127, %get3A_128] {strides = array<i32>} : memref<800x32xf32, #tpu.memory_space<vmem>>, vector<16xf32>,
      %add3A_130 = arith.constant 16 : i32
      %add3A_131 = vector.broadcast %add3A_130 : i32 to vector<16xi32>
      %add3A_132 = arith.addi %iota3A, %add3A_131 : vector<16xi32>
      tpu.vector_store_idx %arg14[%add3A_89, %add3A_132, %broadcast_in_dim3A_112], %get3A_129 : memref<50x32x16xf32, #tpu.memory_space<vmem>>[vector<16xi32>, vector<16xi32>, vector<16xi32>], vector<16xf32>,
      %broadcast_in_dim3A_133 = arith.constant 2 : i32
      %broadcast_in_dim3A_134 = vector.broadcast %broadcast_in_dim3A_133 : i32 to vector<16xi32>
      %mul3A_135 = arith.constant 16 : i32
      %mul3A_136 = arith.muli %scan3A_86, %mul3A_135 : i32
      %add3A_137 = arith.constant 2 : i32
      %add3A_138 = arith.addi %mul3A_136, %add3A_137 : i32
      %get3A_139 = arith.index_cast %add3A_138 : i32 to index
      %get3A_140 = arith.constant 0 : index
      %get3A_141 = tpu.vector_load %arg11[%get3A_139, %get3A_140] {strides = array<i32>} : memref<800x32xf32, #tpu.memory_space<vmem>>, vector<16xf32>,
      %add3A_142 = arith.constant 0 : i32
      %add3A_143 = vector.broadcast %add3A_142 : i32 to vector<16xi32>
      %add3A_144 = arith.addi %iota3A, %add3A_143 : vector<16xi32>
      tpu.vector_store_idx %arg14[%add3A_89, %add3A_144, %broadcast_in_dim3A_134], %get3A_141 : memref<50x32x16xf32, #tpu.memory_space<vmem>>[vector<16xi32>, vector<16xi32>, vector<16xi32>], vector<16xf32>,
      %mul3A_145 = arith.constant 16 : i32
      %mul3A_146 = arith.muli %scan3A_86, %mul3A_145 : i32
      %add3A_147 = arith.constant 2 : i32
      %add3A_148 = arith.addi %mul3A_146, %add3A_147 : i32
      %get3A_149 = arith.index_cast %add3A_148 : i32 to index
      %get3A_150 = arith.constant 16 : index
      %get3A_151 = tpu.vector_load %arg11[%get3A_149, %get3A_150] {strides = array<i32>} : memref<800x32xf32, #tpu.memory_space<vmem>>, vector<16xf32>,
      %add3A_152 = arith.constant 16 : i32
      %add3A_153 = vector.broadcast %add3A_152 : i32 to vector<16xi32>
      %add3A_154 = arith.addi %iota3A, %add3A_153 : vector<16xi32>
      tpu.vector_store_idx %arg14[%add3A_89, %add3A_154, %broadcast_in_dim3A_134], %get3A_151 : memref<50x32x16xf32, #tpu.memory_space<vmem>>[vector<16xi32>, vector<16xi32>, vector<16xi32>], vector<16xf32>,
      %broadcast_in_dim3A_155 = arith.constant 3 : i32
      %broadcast_in_dim3A_156 = vector.broadcast %broadcast_in_dim3A_155 : i32 to vector<16xi32>
      %mul3A_157 = arith.constant 16 : i32
      %mul3A_158 = arith.muli %scan3A_86, %mul3A_157 : i32
      %add3A_159 = arith.constant 3 : i32
      %add3A_160 = arith.addi %mul3A_158, %add3A_159 : i32
      %get3A_161 = arith.index_cast %add3A_160 : i32 to index
      %get3A_162 = arith.constant 0 : index
      %get3A_163 = tpu.vector_load %arg11[%get3A_161, %get3A_162] {strides = array<i32>} : memref<800x32xf32, #tpu.memory_space<vmem>>, vector<16xf32>,
      %add3A_164 = arith.constant 0 : i32
      %add3A_165 = vector.broadcast %add3A_164 : i32 to vector<16xi32>
      %add3A_166 = arith.addi %iota3A, %add3A_165 : vector<16xi32>
      tpu.vector_store_idx %arg14[%add3A_89, %add3A_166, %broadcast_in_dim3A_156], %get3A_163 : memref<50x32x16xf32, #tpu.memory_space<vmem>>[vector<16xi32>, vector<16xi32>, vector<16xi32>], vector<16xf32>,
      %mul3A_167 = arith.constant 16 : i32
      %mul3A_168 = arith.muli %scan3A_86, %mul3A_167 : i32
      %add3A_169 = arith.constant 3 : i32
      %add3A_170 = arith.addi %mul3A_168, %add3A_169 : i32
      %get3A_171 = arith.index_cast %add3A_170 : i32 to index
      %get3A_172 = arith.constant 16 : index
      %get3A_173 = tpu.vector_load %arg11[%get3A_171, %get3A_172] {strides = array<i32>} : memref<800x32xf32, #tpu.memory_space<vmem>>, vector<16xf32>,
      %add3A_174 = arith.constant 16 : i32
      %add3A_175 = vector.broadcast %add3A_174 : i32 to vector<16xi32>
      %add3A_176 = arith.addi %iota3A, %add3A_175 : vector<16xi32>
      tpu.vector_store_idx %arg14[%add3A_89, %add3A_176, %broadcast_in_dim3A_156], %get3A_173 : memref<50x32x16xf32, #tpu.memory_space<vmem>>[vector<16xi32>, vector<16xi32>, vector<16xi32>], vector<16xf32>,
      %broadcast_in_dim3A_177 = arith.constant 4 : i32
      %broadcast_in_dim3A_178 = vector.broadcast %broadcast_in_dim3A_177 : i32 to vector<16xi32>
      %mul3A_179 = arith.constant 16 : i32
      %mul3A_180 = arith.muli %scan3A_86, %mul3A_179 : i32
      %add3A_181 = arith.constant 4 : i32
      %add3A_182 = arith.addi %mul3A_180, %add3A_181 : i32
      %get3A_183 = arith.index_cast %add3A_182 : i32 to index
      %get3A_184 = arith.constant 0 : index
      %get3A_185 = tpu.vector_load %arg11[%get3A_183, %get3A_184] {strides = array<i32>} : memref<800x32xf32, #tpu.memory_space<vmem>>, vector<16xf32>,
      %add3A_186 = arith.constant 0 : i32
      %add3A_187 = vector.broadcast %add3A_186 : i32 to vector<16xi32>
      %add3A_188 = arith.addi %iota3A, %add3A_187 : vector<16xi32>
      tpu.vector_store_idx %arg14[%add3A_89, %add3A_188, %broadcast_in_dim3A_178], %get3A_185 : memref<50x32x16xf32, #tpu.memory_space<vmem>>[vector<16xi32>, vector<16xi32>, vector<16xi32>], vector<16xf32>,
      %mul3A_189 = arith.constant 16 : i32
      %mul3A_190 = arith.muli %scan3A_86, %mul3A_189 : i32
      %add3A_191 = arith.constant 4 : i32
      %add3A_192 = arith.addi %mul3A_190, %add3A_191 : i32
      %get3A_193 = arith.index_cast %add3A_192 : i32 to index
      %get3A_194 = arith.constant 16 : index
      %get3A_195 = tpu.vector_load %arg11[%get3A_193, %get3A_194] {strides = array<i32>} : memref<800x32xf32, #tpu.memory_space<vmem>>, vector<16xf32>,
      %add3A_196 = arith.constant 16 : i32
      %add3A_197 = vector.broadcast %add3A_196 : i32 to vector<16xi32>
      %add3A_198 = arith.addi %iota3A, %add3A_197 : vector<16xi32>
      tpu.vector_store_idx %arg14[%add3A_89, %add3A_198, %broadcast_in_dim3A_178], %get3A_195 : memref<50x32x16xf32, #tpu.memory_space<vmem>>[vector<16xi32>, vector<16xi32>, vector<16xi32>], vector<16xf32>,
      %broadcast_in_dim3A_199 = arith.constant 5 : i32
      %broadcast_in_dim3A_200 = vector.broadcast %broadcast_in_dim3A_199 : i32 to vector<16xi32>
      %mul3A_201 = arith.constant 16 : i32
      %mul3A_202 = arith.muli %scan3A_86, %mul3A_201 : i32
      %add3A_203 = arith.constant 5 : i32
      %add3A_204 = arith.addi %mul3A_202, %add3A_203 : i32
      %get3A_205 = arith.index_cast %add3A_204 : i32 to index
      %get3A_206 = arith.constant 0 : index
      %get3A_207 = tpu.vector_load %arg11[%get3A_205, %get3A_206] {strides = array<i32>} : memref<800x32xf32, #tpu.memory_space<vmem>>, vector<16xf32>,
      %add3A_208 = arith.constant 0 : i32
      %add3A_209 = vector.broadcast %add3A_208 : i32 to vector<16xi32>
      %add3A_210 = arith.addi %iota3A, %add3A_209 : vector<16xi32>
      tpu.vector_store_idx %arg14[%add3A_89, %add3A_210, %broadcast_in_dim3A_200], %get3A_207 : memref<50x32x16xf32, #tpu.memory_space<vmem>>[vector<16xi32>, vector<16xi32>, vector<16xi32>], vector<16xf32>,
      %mul3A_211 = arith.constant 16 : i32
      %mul3A_212 = arith.muli %scan3A_86, %mul3A_211 : i32
      %add3A_213 = arith.constant 5 : i32
      %add3A_214 = arith.addi %mul3A_212, %add3A_213 : i32
      %get3A_215 = arith.index_cast %add3A_214 : i32 to index
      %get3A_216 = arith.constant 16 : index
      %get3A_217 = tpu.vector_load %arg11[%get3A_215, %get3A_216] {strides = array<i32>} : memref<800x32xf32, #tpu.memory_space<vmem>>, vector<16xf32>,
      %add3A_218 = arith.constant 16 : i32
      %add3A_219 = vector.broadcast %add3A_218 : i32 to vector<16xi32>
      %add3A_220 = arith.addi %iota3A, %add3A_219 : vector<16xi32>
      tpu.vector_store_idx %arg14[%add3A_89, %add3A_220, %broadcast_in_dim3A_200], %get3A_217 : memref<50x32x16xf32, #tpu.memory_space<vmem>>[vector<16xi32>, vector<16xi32>, vector<16xi32>], vector<16xf32>,
      %broadcast_in_dim3A_221 = arith.constant 6 : i32
      %broadcast_in_dim3A_222 = vector.broadcast %broadcast_in_dim3A_221 : i32 to vector<16xi32>
      %mul3A_223 = arith.constant 16 : i32
      %mul3A_224 = arith.muli %scan3A_86, %mul3A_223 : i32
      %add3A_225 = arith.constant 6 : i32
      %add3A_226 = arith.addi %mul3A_224, %add3A_225 : i32
      %get3A_227 = arith.index_cast %add3A_226 : i32 to index
      %get3A_228 = arith.constant 0 : index
      %get3A_229 = tpu.vector_load %arg11[%get3A_227, %get3A_228] {strides = array<i32>} : memref<800x32xf32, #tpu.memory_space<vmem>>, vector<16xf32>,
      %add3A_230 = arith.constant 0 : i32
      %add3A_231 = vector.broadcast %add3A_230 : i32 to vector<16xi32>
      %add3A_232 = arith.addi %iota3A, %add3A_231 : vector<16xi32>
      tpu.vector_store_idx %arg14[%add3A_89, %add3A_232, %broadcast_in_dim3A_222], %get3A_229 : memref<50x32x16xf32, #tpu.memory_space<vmem>>[vector<16xi32>, vector<16xi32>, vector<16xi32>], vector<16xf32>,
      %mul3A_233 = arith.constant 16 : i32
      %mul3A_234 = arith.muli %scan3A_86, %mul3A_233 : i32
      %add3A_235 = arith.constant 6 : i32
      %add3A_236 = arith.addi %mul3A_234, %add3A_235 : i32
      %get3A_237 = arith.index_cast %add3A_236 : i32 to index
      %get3A_238 = arith.constant 16 : index
      %get3A_239 = tpu.vector_load %arg11[%get3A_237, %get3A_238] {strides = array<i32>} : memref<800x32xf32, #tpu.memory_space<vmem>>, vector<16xf32>,
      %add3A_240 = arith.constant 16 : i32
      %add3A_241 = vector.broadcast %add3A_240 : i32 to vector<16xi32>
      %add3A_242 = arith.addi %iota3A, %add3A_241 : vector<16xi32>
      tpu.vector_store_idx %arg14[%add3A_89, %add3A_242, %broadcast_in_dim3A_222], %get3A_239 : memref<50x32x16xf32, #tpu.memory_space<vmem>>[vector<16xi32>, vector<16xi32>, vector<16xi32>], vector<16xf32>,
      %broadcast_in_dim3A_243 = arith.constant 7 : i32
      %broadcast_in_dim3A_244 = vector.broadcast %broadcast_in_dim3A_243 : i32 to vector<16xi32>
      %mul3A_245 = arith.constant 16 : i32
      %mul3A_246 = arith.muli %scan3A_86, %mul3A_245 : i32
      %add3A_247 = arith.constant 7 : i32
      %add3A_248 = arith.addi %mul3A_246, %add3A_247 : i32
      %get3A_249 = arith.index_cast %add3A_248 : i32 to index
      %get3A_250 = arith.constant 0 : index
      %get3A_251 = tpu.vector_load %arg11[%get3A_249, %get3A_250] {strides = array<i32>} : memref<800x32xf32, #tpu.memory_space<vmem>>, vector<16xf32>,
      %add3A_252 = arith.constant 0 : i32
      %add3A_253 = vector.broadcast %add3A_252 : i32 to vector<16xi32>
      %add3A_254 = arith.addi %iota3A, %add3A_253 : vector<16xi32>
      tpu.vector_store_idx %arg14[%add3A_89, %add3A_254, %broadcast_in_dim3A_244], %get3A_251 : memref<50x32x16xf32, #tpu.memory_space<vmem>>[vector<16xi32>, vector<16xi32>, vector<16xi32>], vector<16xf32>,
      %mul3A_255 = arith.constant 16 : i32
      %mul3A_256 = arith.muli %scan3A_86, %mul3A_255 : i32
      %add3A_257 = arith.constant 7 : i32
      %add3A_258 = arith.addi %mul3A_256, %add3A_257 : i32
      %get3A_259 = arith.index_cast %add3A_258 : i32 to index
      %get3A_260 = arith.constant 16 : index
      %get3A_261 = tpu.vector_load %arg11[%get3A_259, %get3A_260] {strides = array<i32>} : memref<800x32xf32, #tpu.memory_space<vmem>>, vector<16xf32>,
      %add3A_262 = arith.constant 16 : i32
      %add3A_263 = vector.broadcast %add3A_262 : i32 to vector<16xi32>
      %add3A_264 = arith.addi %iota3A, %add3A_263 : vector<16xi32>
      tpu.vector_store_idx %arg14[%add3A_89, %add3A_264, %broadcast_in_dim3A_244], %get3A_261 : memref<50x32x16xf32, #tpu.memory_space<vmem>>[vector<16xi32>, vector<16xi32>, vector<16xi32>], vector<16xf32>,
      %broadcast_in_dim3A_265 = arith.constant 8 : i32
      %broadcast_in_dim3A_266 = vector.broadcast %broadcast_in_dim3A_265 : i32 to vector<16xi32>
      %mul3A_267 = arith.constant 16 : i32
      %mul3A_268 = arith.muli %scan3A_86, %mul3A_267 : i32
      %add3A_269 = arith.constant 8 : i32
      %add3A_270 = arith.addi %mul3A_268, %add3A_269 : i32
      %get3A_271 = arith.index_cast %add3A_270 : i32 to index
      %get3A_272 = arith.constant 0 : index
      %get3A_273 = tpu.vector_load %arg11[%get3A_271, %get3A_272] {strides = array<i32>} : memref<800x32xf32, #tpu.memory_space<vmem>>, vector<16xf32>,
      %add3A_274 = arith.constant 0 : i32
      %add3A_275 = vector.broadcast %add3A_274 : i32 to vector<16xi32>
      %add3A_276 = arith.addi %iota3A, %add3A_275 : vector<16xi32>
      tpu.vector_store_idx %arg14[%add3A_89, %add3A_276, %broadcast_in_dim3A_266], %get3A_273 : memref<50x32x16xf32, #tpu.memory_space<vmem>>[vector<16xi32>, vector<16xi32>, vector<16xi32>], vector<16xf32>,
      %mul3A_277 = arith.constant 16 : i32
      %mul3A_278 = arith.muli %scan3A_86, %mul3A_277 : i32
      %add3A_279 = arith.constant 8 : i32
      %add3A_280 = arith.addi %mul3A_278, %add3A_279 : i32
      %get3A_281 = arith.index_cast %add3A_280 : i32 to index
      %get3A_282 = arith.constant 16 : index
      %get3A_283 = tpu.vector_load %arg11[%get3A_281, %get3A_282] {strides = array<i32>} : memref<800x32xf32, #tpu.memory_space<vmem>>, vector<16xf32>,
      %add3A_284 = arith.constant 16 : i32
      %add3A_285 = vector.broadcast %add3A_284 : i32 to vector<16xi32>
      %add3A_286 = arith.addi %iota3A, %add3A_285 : vector<16xi32>
      tpu.vector_store_idx %arg14[%add3A_89, %add3A_286, %broadcast_in_dim3A_266], %get3A_283 : memref<50x32x16xf32, #tpu.memory_space<vmem>>[vector<16xi32>, vector<16xi32>, vector<16xi32>], vector<16xf32>,
      %broadcast_in_dim3A_287 = arith.constant 9 : i32
      %broadcast_in_dim3A_288 = vector.broadcast %broadcast_in_dim3A_287 : i32 to vector<16xi32>
      %mul3A_289 = arith.constant 16 : i32
      %mul3A_290 = arith.muli %scan3A_86, %mul3A_289 : i32
      %add3A_291 = arith.constant 9 : i32
      %add3A_292 = arith.addi %mul3A_290, %add3A_291 : i32
      %get3A_293 = arith.index_cast %add3A_292 : i32 to index
      %get3A_294 = arith.constant 0 : index
      %get3A_295 = tpu.vector_load %arg11[%get3A_293, %get3A_294] {strides = array<i32>} : memref<800x32xf32, #tpu.memory_space<vmem>>, vector<16xf32>,
      %add3A_296 = arith.constant 0 : i32
      %add3A_297 = vector.broadcast %add3A_296 : i32 to vector<16xi32>
      %add3A_298 = arith.addi %iota3A, %add3A_297 : vector<16xi32>
      tpu.vector_store_idx %arg14[%add3A_89, %add3A_298, %broadcast_in_dim3A_288], %get3A_295 : memref<50x32x16xf32, #tpu.memory_space<vmem>>[vector<16xi32>, vector<16xi32>, vector<16xi32>], vector<16xf32>,
      %mul3A_299 = arith.constant 16 : i32
      %mul3A_300 = arith.muli %scan3A_86, %mul3A_299 : i32
      %add3A_301 = arith.constant 9 : i32
      %add3A_302 = arith.addi %mul3A_300, %add3A_301 : i32
      %get3A_303 = arith.index_cast %add3A_302 : i32 to index
      %get3A_304 = arith.constant 16 : index
      %get3A_305 = tpu.vector_load %arg11[%get3A_303, %get3A_304] {strides = array<i32>} : memref<800x32xf32, #tpu.memory_space<vmem>>, vector<16xf32>,
      %add3A_306 = arith.constant 16 : i32
      %add3A_307 = vector.broadcast %add3A_306 : i32 to vector<16xi32>
      %add3A_308 = arith.addi %iota3A, %add3A_307 : vector<16xi32>
      tpu.vector_store_idx %arg14[%add3A_89, %add3A_308, %broadcast_in_dim3A_288], %get3A_305 : memref<50x32x16xf32, #tpu.memory_space<vmem>>[vector<16xi32>, vector<16xi32>, vector<16xi32>], vector<16xf32>,
      %broadcast_in_dim3A_309 = arith.constant 10 : i32
      %broadcast_in_dim3A_310 = vector.broadcast %broadcast_in_dim3A_309 : i32 to vector<16xi32>
      %mul3A_311 = arith.constant 16 : i32
      %mul3A_312 = arith.muli %scan3A_86, %mul3A_311 : i32
      %add3A_313 = arith.constant 10 : i32
      %add3A_314 = arith.addi %mul3A_312, %add3A_313 : i32
      %get3A_315 = arith.index_cast %add3A_314 : i32 to index
      %get3A_316 = arith.constant 0 : index
      %get3A_317 = tpu.vector_load %arg11[%get3A_315, %get3A_316] {strides = array<i32>} : memref<800x32xf32, #tpu.memory_space<vmem>>, vector<16xf32>,
      %add3A_318 = arith.constant 0 : i32
      %add3A_319 = vector.broadcast %add3A_318 : i32 to vector<16xi32>
      %add3A_320 = arith.addi %iota3A, %add3A_319 : vector<16xi32>
      tpu.vector_store_idx %arg14[%add3A_89, %add3A_320, %broadcast_in_dim3A_310], %get3A_317 : memref<50x32x16xf32, #tpu.memory_space<vmem>>[vector<16xi32>, vector<16xi32>, vector<16xi32>], vector<16xf32>,
      %mul3A_321 = arith.constant 16 : i32
      %mul3A_322 = arith.muli %scan3A_86, %mul3A_321 : i32
      %add3A_323 = arith.constant 10 : i32
      %add3A_324 = arith.addi %mul3A_322, %add3A_323 : i32
      %get3A_325 = arith.index_cast %add3A_324 : i32 to index
      %get3A_326 = arith.constant 16 : index
      %get3A_327 = tpu.vector_load %arg11[%get3A_325, %get3A_326] {strides = array<i32>} : memref<800x32xf32, #tpu.memory_space<vmem>>, vector<16xf32>,
      %add3A_328 = arith.constant 16 : i32
      %add3A_329 = vector.broadcast %add3A_328 : i32 to vector<16xi32>
      %add3A_330 = arith.addi %iota3A, %add3A_329 : vector<16xi32>
      tpu.vector_store_idx %arg14[%add3A_89, %add3A_330, %broadcast_in_dim3A_310], %get3A_327 : memref<50x32x16xf32, #tpu.memory_space<vmem>>[vector<16xi32>, vector<16xi32>, vector<16xi32>], vector<16xf32>,
      %broadcast_in_dim3A_331 = arith.constant 11 : i32
      %broadcast_in_dim3A_332 = vector.broadcast %broadcast_in_dim3A_331 : i32 to vector<16xi32>
      %mul3A_333 = arith.constant 16 : i32
      %mul3A_334 = arith.muli %scan3A_86, %mul3A_333 : i32
      %add3A_335 = arith.constant 11 : i32
      %add3A_336 = arith.addi %mul3A_334, %add3A_335 : i32
      %get3A_337 = arith.index_cast %add3A_336 : i32 to index
      %get3A_338 = arith.constant 0 : index
      %get3A_339 = tpu.vector_load %arg11[%get3A_337, %get3A_338] {strides = array<i32>} : memref<800x32xf32, #tpu.memory_space<vmem>>, vector<16xf32>,
      %add3A_340 = arith.constant 0 : i32
      %add3A_341 = vector.broadcast %add3A_340 : i32 to vector<16xi32>
      %add3A_342 = arith.addi %iota3A, %add3A_341 : vector<16xi32>
      tpu.vector_store_idx %arg14[%add3A_89, %add3A_342, %broadcast_in_dim3A_332], %get3A_339 : memref<50x32x16xf32, #tpu.memory_space<vmem>>[vector<16xi32>, vector<16xi32>, vector<16xi32>], vector<16xf32>,
      %mul3A_343 = arith.constant 16 : i32
      %mul3A_344 = arith.muli %scan3A_86, %mul3A_343 : i32
      %add3A_345 = arith.constant 11 : i32
      %add3A_346 = arith.addi %mul3A_344, %add3A_345 : i32
      %get3A_347 = arith.index_cast %add3A_346 : i32 to index
      %get3A_348 = arith.constant 16 : index
      %get3A_349 = tpu.vector_load %arg11[%get3A_347, %get3A_348] {strides = array<i32>} : memref<800x32xf32, #tpu.memory_space<vmem>>, vector<16xf32>,
      %add3A_350 = arith.constant 16 : i32
      %add3A_351 = vector.broadcast %add3A_350 : i32 to vector<16xi32>
      %add3A_352 = arith.addi %iota3A, %add3A_351 : vector<16xi32>
      tpu.vector_store_idx %arg14[%add3A_89, %add3A_352, %broadcast_in_dim3A_332], %get3A_349 : memref<50x32x16xf32, #tpu.memory_space<vmem>>[vector<16xi32>, vector<16xi32>, vector<16xi32>], vector<16xf32>,
      %broadcast_in_dim3A_353 = arith.constant 12 : i32
      %broadcast_in_dim3A_354 = vector.broadcast %broadcast_in_dim3A_353 : i32 to vector<16xi32>
      %mul3A_355 = arith.constant 16 : i32
      %mul3A_356 = arith.muli %scan3A_86, %mul3A_355 : i32
      %add3A_357 = arith.constant 12 : i32
      %add3A_358 = arith.addi %mul3A_356, %add3A_357 : i32
      %get3A_359 = arith.index_cast %add3A_358 : i32 to index
      %get3A_360 = arith.constant 0 : index
      %get3A_361 = tpu.vector_load %arg11[%get3A_359, %get3A_360] {strides = array<i32>} : memref<800x32xf32, #tpu.memory_space<vmem>>, vector<16xf32>,
      %add3A_362 = arith.constant 0 : i32
      %add3A_363 = vector.broadcast %add3A_362 : i32 to vector<16xi32>
      %add3A_364 = arith.addi %iota3A, %add3A_363 : vector<16xi32>
      tpu.vector_store_idx %arg14[%add3A_89, %add3A_364, %broadcast_in_dim3A_354], %get3A_361 : memref<50x32x16xf32, #tpu.memory_space<vmem>>[vector<16xi32>, vector<16xi32>, vector<16xi32>], vector<16xf32>,
      %mul3A_365 = arith.constant 16 : i32
      %mul3A_366 = arith.muli %scan3A_86, %mul3A_365 : i32
      %add3A_367 = arith.constant 12 : i32
      %add3A_368 = arith.addi %mul3A_366, %add3A_367 : i32
      %get3A_369 = arith.index_cast %add3A_368 : i32 to index
      %get3A_370 = arith.constant 16 : index
      %get3A_371 = tpu.vector_load %arg11[%get3A_369, %get3A_370] {strides = array<i32>} : memref<800x32xf32, #tpu.memory_space<vmem>>, vector<16xf32>,
      %add3A_372 = arith.constant 16 : i32
      %add3A_373 = vector.broadcast %add3A_372 : i32 to vector<16xi32>
      %add3A_374 = arith.addi %iota3A, %add3A_373 : vector<16xi32>
      tpu.vector_store_idx %arg14[%add3A_89, %add3A_374, %broadcast_in_dim3A_354], %get3A_371 : memref<50x32x16xf32, #tpu.memory_space<vmem>>[vector<16xi32>, vector<16xi32>, vector<16xi32>], vector<16xf32>,
      %broadcast_in_dim3A_375 = arith.constant 13 : i32
      %broadcast_in_dim3A_376 = vector.broadcast %broadcast_in_dim3A_375 : i32 to vector<16xi32>
      %mul3A_377 = arith.constant 16 : i32
      %mul3A_378 = arith.muli %scan3A_86, %mul3A_377 : i32
      %add3A_379 = arith.constant 13 : i32
      %add3A_380 = arith.addi %mul3A_378, %add3A_379 : i32
      %get3A_381 = arith.index_cast %add3A_380 : i32 to index
      %get3A_382 = arith.constant 0 : index
      %get3A_383 = tpu.vector_load %arg11[%get3A_381, %get3A_382] {strides = array<i32>} : memref<800x32xf32, #tpu.memory_space<vmem>>, vector<16xf32>,
      %add3A_384 = arith.constant 0 : i32
      %add3A_385 = vector.broadcast %add3A_384 : i32 to vector<16xi32>
      %add3A_386 = arith.addi %iota3A, %add3A_385 : vector<16xi32>
      tpu.vector_store_idx %arg14[%add3A_89, %add3A_386, %broadcast_in_dim3A_376], %get3A_383 : memref<50x32x16xf32, #tpu.memory_space<vmem>>[vector<16xi32>, vector<16xi32>, vector<16xi32>], vector<16xf32>,
      %mul3A_387 = arith.constant 16 : i32
      %mul3A_388 = arith.muli %scan3A_86, %mul3A_387 : i32
      %add3A_389 = arith.constant 13 : i32
      %add3A_390 = arith.addi %mul3A_388, %add3A_389 : i32
      %get3A_391 = arith.index_cast %add3A_390 : i32 to index
      %get3A_392 = arith.constant 16 : index
      %get3A_393 = tpu.vector_load %arg11[%get3A_391, %get3A_392] {strides = array<i32>} : memref<800x32xf32, #tpu.memory_space<vmem>>, vector<16xf32>,
      %add3A_394 = arith.constant 16 : i32
      %add3A_395 = vector.broadcast %add3A_394 : i32 to vector<16xi32>
      %add3A_396 = arith.addi %iota3A, %add3A_395 : vector<16xi32>
      tpu.vector_store_idx %arg14[%add3A_89, %add3A_396, %broadcast_in_dim3A_376], %get3A_393 : memref<50x32x16xf32, #tpu.memory_space<vmem>>[vector<16xi32>, vector<16xi32>, vector<16xi32>], vector<16xf32>,
      %broadcast_in_dim3A_397 = arith.constant 14 : i32
      %broadcast_in_dim3A_398 = vector.broadcast %broadcast_in_dim3A_397 : i32 to vector<16xi32>
      %mul3A_399 = arith.constant 16 : i32
      %mul3A_400 = arith.muli %scan3A_86, %mul3A_399 : i32
      %add3A_401 = arith.constant 14 : i32
      %add3A_402 = arith.addi %mul3A_400, %add3A_401 : i32
      %get3A_403 = arith.index_cast %add3A_402 : i32 to index
      %get3A_404 = arith.constant 0 : index
      %get3A_405 = tpu.vector_load %arg11[%get3A_403, %get3A_404] {strides = array<i32>} : memref<800x32xf32, #tpu.memory_space<vmem>>, vector<16xf32>,
      %add3A_406 = arith.constant 0 : i32
      %add3A_407 = vector.broadcast %add3A_406 : i32 to vector<16xi32>
      %add3A_408 = arith.addi %iota3A, %add3A_407 : vector<16xi32>
      tpu.vector_store_idx %arg14[%add3A_89, %add3A_408, %broadcast_in_dim3A_398], %get3A_405 : memref<50x32x16xf32, #tpu.memory_space<vmem>>[vector<16xi32>, vector<16xi32>, vector<16xi32>], vector<16xf32>,
      %mul3A_409 = arith.constant 16 : i32
      %mul3A_410 = arith.muli %scan3A_86, %mul3A_409 : i32
      %add3A_411 = arith.constant 14 : i32
      %add3A_412 = arith.addi %mul3A_410, %add3A_411 : i32
      %get3A_413 = arith.index_cast %add3A_412 : i32 to index
      %get3A_414 = arith.constant 16 : index
      %get3A_415 = tpu.vector_load %arg11[%get3A_413, %get3A_414] {strides = array<i32>} : memref<800x32xf32, #tpu.memory_space<vmem>>, vector<16xf32>,
      %add3A_416 = arith.constant 16 : i32
      %add3A_417 = vector.broadcast %add3A_416 : i32 to vector<16xi32>
      %add3A_418 = arith.addi %iota3A, %add3A_417 : vector<16xi32>
      tpu.vector_store_idx %arg14[%add3A_89, %add3A_418, %broadcast_in_dim3A_398], %get3A_415 : memref<50x32x16xf32, #tpu.memory_space<vmem>>[vector<16xi32>, vector<16xi32>, vector<16xi32>], vector<16xf32>,
      %broadcast_in_dim3A_419 = arith.constant 15 : i32
      %broadcast_in_dim3A_420 = vector.broadcast %broadcast_in_dim3A_419 : i32 to vector<16xi32>
      %mul3A_421 = arith.constant 16 : i32
      %mul3A_422 = arith.muli %scan3A_86, %mul3A_421 : i32
      %add3A_423 = arith.constant 15 : i32
      %add3A_424 = arith.addi %mul3A_422, %add3A_423 : i32
      %get3A_425 = arith.index_cast %add3A_424 : i32 to index
      %get3A_426 = arith.constant 0 : index
      %get3A_427 = tpu.vector_load %arg11[%get3A_425, %get3A_426] {strides = array<i32>} : memref<800x32xf32, #tpu.memory_space<vmem>>, vector<16xf32>,
      %add3A_428 = arith.constant 0 : i32
      %add3A_429 = vector.broadcast %add3A_428 : i32 to vector<16xi32>
      %add3A_430 = arith.addi %iota3A, %add3A_429 : vector<16xi32>
      tpu.vector_store_idx %arg14[%add3A_89, %add3A_430, %broadcast_in_dim3A_420], %get3A_427 : memref<50x32x16xf32, #tpu.memory_space<vmem>>[vector<16xi32>, vector<16xi32>, vector<16xi32>], vector<16xf32>,
      %mul3A_431 = arith.constant 16 : i32
      %mul3A_432 = arith.muli %scan3A_86, %mul3A_431 : i32
      %add3A_433 = arith.constant 15 : i32
      %add3A_434 = arith.addi %mul3A_432, %add3A_433 : i32
      %get3A_435 = arith.index_cast %add3A_434 : i32 to index
      %get3A_436 = arith.constant 16 : index
      %get3A_437 = tpu.vector_load %arg11[%get3A_435, %get3A_436] {strides = array<i32>} : memref<800x32xf32, #tpu.memory_space<vmem>>, vector<16xf32>,
      %add3A_438 = arith.constant 16 : i32
      %add3A_439 = vector.broadcast %add3A_438 : i32 to vector<16xi32>
      %add3A_440 = arith.addi %iota3A, %add3A_439 : vector<16xi32>
      tpu.vector_store_idx %arg14[%add3A_89, %add3A_440, %broadcast_in_dim3A_420], %get3A_437 : memref<50x32x16xf32, #tpu.memory_space<vmem>>[vector<16xi32>, vector<16xi32>, vector<16xi32>], vector<16xf32>,
    }
    %scan3A_44 = arith.constant 50 : i32
    %add3A_45 = arith.constant 480 : i32
    %add3A_46 = arith.addi %mul3A_2, %add3A_45 : i32
    %dma_start3A_47 = arith.constant 0 : i32
    %dma_start3A_48 = arith.constant 0 : i32
    %dma_start3A_49 = tpu.memref_slice %arg4[%dma_start3A_47, %dma_start3A_48, %add3A_46] : memref<50x32x16384xf32, #tpu.memory_space<hbm>> -> memref<50x32x16xf32, #tpu.memory_space<hbm>>
    %dma_start3A_50 = arith.constant 0 : i32
    %dma_start3A_51 = arith.constant 0 : i32
    %dma_start3A_52 = tpu.memref_slice %arg4[%dma_start3A_50, %dma_start3A_51, %add3A_46] : memref<50x32x16384xf32, #tpu.memory_space<hbm>> -> memref<50x32x16xf32, #tpu.memory_space<hbm>>
    tpu.enqueue_dma source(%arg14 : memref<50x32x16xf32, #tpu.memory_space<vmem>>) target(%dma_start3A_52 : memref<50x32x16xf32, #tpu.memory_space<hbm>>) target_semaphore(%arg18 : memref<!tpu.dma_semaphore, #tpu.memory_space<semaphore_mem>>)
    %dma_wait3A_53 = arith.constant 0 : i32
    %dma_wait3A_54 = arith.constant 0 : i32
    %dma_wait3A_55 = tpu.memref_slice %arg2[%dma_wait3A_53, %dma_wait3A_54] : memref<1000000x32xf32, #tpu.memory_space<hbm>> -> memref<1000000x32xf32, #tpu.memory_space<hbm>>
    tpu.wait_indirect_dma semaphore(%arg16 : memref<!tpu.dma_semaphore, #tpu.memory_space<semaphore_mem>>) src(%dma_wait3A_55 : memref<1000000x32xf32, #tpu.memory_space<hbm>>) dst(%arg12 : memref<800x32xf32, #tpu.memory_space<vmem>>)
    %add3A_56 = arith.constant 0 : i32
    %add3A_57 = arith.addi %mul3A_2, %add3A_56 : i32
    %dma_wait3A_58 = arith.constant 0 : i32
    %dma_wait3A_59 = arith.constant 0 : i32
    %dma_wait3A_60 = tpu.memref_slice %arg4[%dma_wait3A_58, %dma_wait3A_59, %add3A_57] : memref<50x32x16384xf32, #tpu.memory_space<hbm>> -> memref<50x32x16xf32, #tpu.memory_space<hbm>>
    %dma_wait3A_61 = arith.constant 0 : i32
    %dma_wait3A_62 = arith.constant 0 : i32
    %dma_wait3A_63 = tpu.memref_slice %arg4[%dma_wait3A_61, %dma_wait3A_62, %add3A_57] : memref<50x32x16384xf32, #tpu.memory_space<hbm>> -> memref<50x32x16xf32, #tpu.memory_space<hbm>>
    tpu.wait_dma2 semaphore(%arg18 : memref<!tpu.dma_semaphore, #tpu.memory_space<semaphore_mem>>) src(%arg14 : memref<50x32x16xf32, #tpu.memory_space<vmem>>) dst(%dma_wait3A_63 : memref<50x32x16xf32, #tpu.memory_space<hbm>>)
    %scan3A_64 = arith.constant 0 : i32
    %scan3A_65 = arith.constant 0 : i32
    %scan3A_66 = arith.constant 50 : i32
    %scan3A_67 = arith.addi %scan3A_65, %scan3A_66 : i32
    %scan3A_68 = arith.constant 1 : i32
    scf.for %scan3A_86 = %scan3A_65 to %scan3A_67 step %scan3A_68  : i32 {
      %broadcast_in_dim3A = arith.constant 0 : i32
      %broadcast_in_dim3A_87 = vector.broadcast %broadcast_in_dim3A : i32 to vector<16xi32>
      %add3A_88 = vector.broadcast %scan3A_86 : i32 to vector<16xi32>
      %add3A_89 = arith.addi %broadcast_in_dim3A_87, %add3A_88 : vector<16xi32>
      %broadcast_in_dim3A_90 = arith.constant 0 : i32
      %broadcast_in_dim3A_91 = vector.broadcast %broadcast_in_dim3A_90 : i32 to vector<16xi32>
      %mul3A_92 = arith.constant 16 : i32
      %mul3A_93 = arith.muli %scan3A_86, %mul3A_92 : i32
      %add3A_94 = arith.constant 0 : i32
      %add3A_95 = arith.addi %mul3A_93, %add3A_94 : i32
      %get3A = arith.index_cast %add3A_95 : i32 to index
      %get3A_96 = arith.constant 0 : index
      %get3A_97 = tpu.vector_load %arg12[%get3A, %get3A_96] {strides = array<i32>} : memref<800x32xf32, #tpu.memory_space<vmem>>, vector<16xf32>,
      %add3A_98 = arith.constant 0 : i32
      %add3A_99 = vector.broadcast %add3A_98 : i32 to vector<16xi32>
      %add3A_100 = arith.addi %iota3A, %add3A_99 : vector<16xi32>
      tpu.vector_store_idx %arg14[%add3A_89, %add3A_100, %broadcast_in_dim3A_91], %get3A_97 : memref<50x32x16xf32, #tpu.memory_space<vmem>>[vector<16xi32>, vector<16xi32>, vector<16xi32>], vector<16xf32>,
      %mul3A_101 = arith.constant 16 : i32
      %mul3A_102 = arith.muli %scan3A_86, %mul3A_101 : i32
      %add3A_103 = arith.constant 0 : i32
      %add3A_104 = arith.addi %mul3A_102, %add3A_103 : i32
      %get3A_105 = arith.index_cast %add3A_104 : i32 to index
      %get3A_106 = arith.constant 16 : index
      %get3A_107 = tpu.vector_load %arg12[%get3A_105, %get3A_106] {strides = array<i32>} : memref<800x32xf32, #tpu.memory_space<vmem>>, vector<16xf32>,
      %add3A_108 = arith.constant 16 : i32
      %add3A_109 = vector.broadcast %add3A_108 : i32 to vector<16xi32>
      %add3A_110 = arith.addi %iota3A, %add3A_109 : vector<16xi32>
      tpu.vector_store_idx %arg14[%add3A_89, %add3A_110, %broadcast_in_dim3A_91], %get3A_107 : memref<50x32x16xf32, #tpu.memory_space<vmem>>[vector<16xi32>, vector<16xi32>, vector<16xi32>], vector<16xf32>,
      %broadcast_in_dim3A_111 = arith.constant 1 : i32
      %broadcast_in_dim3A_112 = vector.broadcast %broadcast_in_dim3A_111 : i32 to vector<16xi32>
      %mul3A_113 = arith.constant 16 : i32
      %mul3A_114 = arith.muli %scan3A_86, %mul3A_113 : i32
      %add3A_115 = arith.constant 1 : i32
      %add3A_116 = arith.addi %mul3A_114, %add3A_115 : i32
      %get3A_117 = arith.index_cast %add3A_116 : i32 to index
      %get3A_118 = arith.constant 0 : index
      %get3A_119 = tpu.vector_load %arg12[%get3A_117, %get3A_118] {strides = array<i32>} : memref<800x32xf32, #tpu.memory_space<vmem>>, vector<16xf32>,
      %add3A_120 = arith.constant 0 : i32
      %add3A_121 = vector.broadcast %add3A_120 : i32 to vector<16xi32>
      %add3A_122 = arith.addi %iota3A, %add3A_121 : vector<16xi32>
      tpu.vector_store_idx %arg14[%add3A_89, %add3A_122, %broadcast_in_dim3A_112], %get3A_119 : memref<50x32x16xf32, #tpu.memory_space<vmem>>[vector<16xi32>, vector<16xi32>, vector<16xi32>], vector<16xf32>,
      %mul3A_123 = arith.constant 16 : i32
      %mul3A_124 = arith.muli %scan3A_86, %mul3A_123 : i32
      %add3A_125 = arith.constant 1 : i32
      %add3A_126 = arith.addi %mul3A_124, %add3A_125 : i32
      %get3A_127 = arith.index_cast %add3A_126 : i32 to index
      %get3A_128 = arith.constant 16 : index
      %get3A_129 = tpu.vector_load %arg12[%get3A_127, %get3A_128] {strides = array<i32>} : memref<800x32xf32, #tpu.memory_space<vmem>>, vector<16xf32>,
      %add3A_130 = arith.constant 16 : i32
      %add3A_131 = vector.broadcast %add3A_130 : i32 to vector<16xi32>
      %add3A_132 = arith.addi %iota3A, %add3A_131 : vector<16xi32>
      tpu.vector_store_idx %arg14[%add3A_89, %add3A_132, %broadcast_in_dim3A_112], %get3A_129 : memref<50x32x16xf32, #tpu.memory_space<vmem>>[vector<16xi32>, vector<16xi32>, vector<16xi32>], vector<16xf32>,
      %broadcast_in_dim3A_133 = arith.constant 2 : i32
      %broadcast_in_dim3A_134 = vector.broadcast %broadcast_in_dim3A_133 : i32 to vector<16xi32>
      %mul3A_135 = arith.constant 16 : i32
      %mul3A_136 = arith.muli %scan3A_86, %mul3A_135 : i32
      %add3A_137 = arith.constant 2 : i32
      %add3A_138 = arith.addi %mul3A_136, %add3A_137 : i32
      %get3A_139 = arith.index_cast %add3A_138 : i32 to index
      %get3A_140 = arith.constant 0 : index
      %get3A_141 = tpu.vector_load %arg12[%get3A_139, %get3A_140] {strides = array<i32>} : memref<800x32xf32, #tpu.memory_space<vmem>>, vector<16xf32>,
      %add3A_142 = arith.constant 0 : i32
      %add3A_143 = vector.broadcast %add3A_142 : i32 to vector<16xi32>
      %add3A_144 = arith.addi %iota3A, %add3A_143 : vector<16xi32>
      tpu.vector_store_idx %arg14[%add3A_89, %add3A_144, %broadcast_in_dim3A_134], %get3A_141 : memref<50x32x16xf32, #tpu.memory_space<vmem>>[vector<16xi32>, vector<16xi32>, vector<16xi32>], vector<16xf32>,
      %mul3A_145 = arith.constant 16 : i32
      %mul3A_146 = arith.muli %scan3A_86, %mul3A_145 : i32
      %add3A_147 = arith.constant 2 : i32
      %add3A_148 = arith.addi %mul3A_146, %add3A_147 : i32
      %get3A_149 = arith.index_cast %add3A_148 : i32 to index
      %get3A_150 = arith.constant 16 : index
      %get3A_151 = tpu.vector_load %arg12[%get3A_149, %get3A_150] {strides = array<i32>} : memref<800x32xf32, #tpu.memory_space<vmem>>, vector<16xf32>,
      %add3A_152 = arith.constant 16 : i32
      %add3A_153 = vector.broadcast %add3A_152 : i32 to vector<16xi32>
      %add3A_154 = arith.addi %iota3A, %add3A_153 : vector<16xi32>
      tpu.vector_store_idx %arg14[%add3A_89, %add3A_154, %broadcast_in_dim3A_134], %get3A_151 : memref<50x32x16xf32, #tpu.memory_space<vmem>>[vector<16xi32>, vector<16xi32>, vector<16xi32>], vector<16xf32>,
      %broadcast_in_dim3A_155 = arith.constant 3 : i32
      %broadcast_in_dim3A_156 = vector.broadcast %broadcast_in_dim3A_155 : i32 to vector<16xi32>
      %mul3A_157 = arith.constant 16 : i32
      %mul3A_158 = arith.muli %scan3A_86, %mul3A_157 : i32
      %add3A_159 = arith.constant 3 : i32
      %add3A_160 = arith.addi %mul3A_158, %add3A_159 : i32
      %get3A_161 = arith.index_cast %add3A_160 : i32 to index
      %get3A_162 = arith.constant 0 : index
      %get3A_163 = tpu.vector_load %arg12[%get3A_161, %get3A_162] {strides = array<i32>} : memref<800x32xf32, #tpu.memory_space<vmem>>, vector<16xf32>,
      %add3A_164 = arith.constant 0 : i32
      %add3A_165 = vector.broadcast %add3A_164 : i32 to vector<16xi32>
      %add3A_166 = arith.addi %iota3A, %add3A_165 : vector<16xi32>
      tpu.vector_store_idx %arg14[%add3A_89, %add3A_166, %broadcast_in_dim3A_156], %get3A_163 : memref<50x32x16xf32, #tpu.memory_space<vmem>>[vector<16xi32>, vector<16xi32>, vector<16xi32>], vector<16xf32>,
      %mul3A_167 = arith.constant 16 : i32
      %mul3A_168 = arith.muli %scan3A_86, %mul3A_167 : i32
      %add3A_169 = arith.constant 3 : i32
      %add3A_170 = arith.addi %mul3A_168, %add3A_169 : i32
      %get3A_171 = arith.index_cast %add3A_170 : i32 to index
      %get3A_172 = arith.constant 16 : index
      %get3A_173 = tpu.vector_load %arg12[%get3A_171, %get3A_172] {strides = array<i32>} : memref<800x32xf32, #tpu.memory_space<vmem>>, vector<16xf32>,
      %add3A_174 = arith.constant 16 : i32
      %add3A_175 = vector.broadcast %add3A_174 : i32 to vector<16xi32>
      %add3A_176 = arith.addi %iota3A, %add3A_175 : vector<16xi32>
      tpu.vector_store_idx %arg14[%add3A_89, %add3A_176, %broadcast_in_dim3A_156], %get3A_173 : memref<50x32x16xf32, #tpu.memory_space<vmem>>[vector<16xi32>, vector<16xi32>, vector<16xi32>], vector<16xf32>,
      %broadcast_in_dim3A_177 = arith.constant 4 : i32
      %broadcast_in_dim3A_178 = vector.broadcast %broadcast_in_dim3A_177 : i32 to vector<16xi32>
      %mul3A_179 = arith.constant 16 : i32
      %mul3A_180 = arith.muli %scan3A_86, %mul3A_179 : i32
      %add3A_181 = arith.constant 4 : i32
      %add3A_182 = arith.addi %mul3A_180, %add3A_181 : i32
      %get3A_183 = arith.index_cast %add3A_182 : i32 to index
      %get3A_184 = arith.constant 0 : index
      %get3A_185 = tpu.vector_load %arg12[%get3A_183, %get3A_184] {strides = array<i32>} : memref<800x32xf32, #tpu.memory_space<vmem>>, vector<16xf32>,
      %add3A_186 = arith.constant 0 : i32
      %add3A_187 = vector.broadcast %add3A_186 : i32 to vector<16xi32>
      %add3A_188 = arith.addi %iota3A, %add3A_187 : vector<16xi32>
      tpu.vector_store_idx %arg14[%add3A_89, %add3A_188, %broadcast_in_dim3A_178], %get3A_185 : memref<50x32x16xf32, #tpu.memory_space<vmem>>[vector<16xi32>, vector<16xi32>, vector<16xi32>], vector<16xf32>,
      %mul3A_189 = arith.constant 16 : i32
      %mul3A_190 = arith.muli %scan3A_86, %mul3A_189 : i32
      %add3A_191 = arith.constant 4 : i32
      %add3A_192 = arith.addi %mul3A_190, %add3A_191 : i32
      %get3A_193 = arith.index_cast %add3A_192 : i32 to index
      %get3A_194 = arith.constant 16 : index
      %get3A_195 = tpu.vector_load %arg12[%get3A_193, %get3A_194] {strides = array<i32>} : memref<800x32xf32, #tpu.memory_space<vmem>>, vector<16xf32>,
      %add3A_196 = arith.constant 16 : i32
      %add3A_197 = vector.broadcast %add3A_196 : i32 to vector<16xi32>
      %add3A_198 = arith.addi %iota3A, %add3A_197 : vector<16xi32>
      tpu.vector_store_idx %arg14[%add3A_89, %add3A_198, %broadcast_in_dim3A_178], %get3A_195 : memref<50x32x16xf32, #tpu.memory_space<vmem>>[vector<16xi32>, vector<16xi32>, vector<16xi32>], vector<16xf32>,
      %broadcast_in_dim3A_199 = arith.constant 5 : i32
      %broadcast_in_dim3A_200 = vector.broadcast %broadcast_in_dim3A_199 : i32 to vector<16xi32>
      %mul3A_201 = arith.constant 16 : i32
      %mul3A_202 = arith.muli %scan3A_86, %mul3A_201 : i32
      %add3A_203 = arith.constant 5 : i32
      %add3A_204 = arith.addi %mul3A_202, %add3A_203 : i32
      %get3A_205 = arith.index_cast %add3A_204 : i32 to index
      %get3A_206 = arith.constant 0 : index
      %get3A_207 = tpu.vector_load %arg12[%get3A_205, %get3A_206] {strides = array<i32>} : memref<800x32xf32, #tpu.memory_space<vmem>>, vector<16xf32>,
      %add3A_208 = arith.constant 0 : i32
      %add3A_209 = vector.broadcast %add3A_208 : i32 to vector<16xi32>
      %add3A_210 = arith.addi %iota3A, %add3A_209 : vector<16xi32>
      tpu.vector_store_idx %arg14[%add3A_89, %add3A_210, %broadcast_in_dim3A_200], %get3A_207 : memref<50x32x16xf32, #tpu.memory_space<vmem>>[vector<16xi32>, vector<16xi32>, vector<16xi32>], vector<16xf32>,
      %mul3A_211 = arith.constant 16 : i32
      %mul3A_212 = arith.muli %scan3A_86, %mul3A_211 : i32
      %add3A_213 = arith.constant 5 : i32
      %add3A_214 = arith.addi %mul3A_212, %add3A_213 : i32
      %get3A_215 = arith.index_cast %add3A_214 : i32 to index
      %get3A_216 = arith.constant 16 : index
      %get3A_217 = tpu.vector_load %arg12[%get3A_215, %get3A_216] {strides = array<i32>} : memref<800x32xf32, #tpu.memory_space<vmem>>, vector<16xf32>,
      %add3A_218 = arith.constant 16 : i32
      %add3A_219 = vector.broadcast %add3A_218 : i32 to vector<16xi32>
      %add3A_220 = arith.addi %iota3A, %add3A_219 : vector<16xi32>
      tpu.vector_store_idx %arg14[%add3A_89, %add3A_220, %broadcast_in_dim3A_200], %get3A_217 : memref<50x32x16xf32, #tpu.memory_space<vmem>>[vector<16xi32>, vector<16xi32>, vector<16xi32>], vector<16xf32>,
      %broadcast_in_dim3A_221 = arith.constant 6 : i32
      %broadcast_in_dim3A_222 = vector.broadcast %broadcast_in_dim3A_221 : i32 to vector<16xi32>
      %mul3A_223 = arith.constant 16 : i32
      %mul3A_224 = arith.muli %scan3A_86, %mul3A_223 : i32
      %add3A_225 = arith.constant 6 : i32
      %add3A_226 = arith.addi %mul3A_224, %add3A_225 : i32
      %get3A_227 = arith.index_cast %add3A_226 : i32 to index
      %get3A_228 = arith.constant 0 : index
      %get3A_229 = tpu.vector_load %arg12[%get3A_227, %get3A_228] {strides = array<i32>} : memref<800x32xf32, #tpu.memory_space<vmem>>, vector<16xf32>,
      %add3A_230 = arith.constant 0 : i32
      %add3A_231 = vector.broadcast %add3A_230 : i32 to vector<16xi32>
      %add3A_232 = arith.addi %iota3A, %add3A_231 : vector<16xi32>
      tpu.vector_store_idx %arg14[%add3A_89, %add3A_232, %broadcast_in_dim3A_222], %get3A_229 : memref<50x32x16xf32, #tpu.memory_space<vmem>>[vector<16xi32>, vector<16xi32>, vector<16xi32>], vector<16xf32>,
      %mul3A_233 = arith.constant 16 : i32
      %mul3A_234 = arith.muli %scan3A_86, %mul3A_233 : i32
      %add3A_235 = arith.constant 6 : i32
      %add3A_236 = arith.addi %mul3A_234, %add3A_235 : i32
      %get3A_237 = arith.index_cast %add3A_236 : i32 to index
      %get3A_238 = arith.constant 16 : index
      %get3A_239 = tpu.vector_load %arg12[%get3A_237, %get3A_238] {strides = array<i32>} : memref<800x32xf32, #tpu.memory_space<vmem>>, vector<16xf32>,
      %add3A_240 = arith.constant 16 : i32
      %add3A_241 = vector.broadcast %add3A_240 : i32 to vector<16xi32>
      %add3A_242 = arith.addi %iota3A, %add3A_241 : vector<16xi32>
      tpu.vector_store_idx %arg14[%add3A_89, %add3A_242, %broadcast_in_dim3A_222], %get3A_239 : memref<50x32x16xf32, #tpu.memory_space<vmem>>[vector<16xi32>, vector<16xi32>, vector<16xi32>], vector<16xf32>,
      %broadcast_in_dim3A_243 = arith.constant 7 : i32
      %broadcast_in_dim3A_244 = vector.broadcast %broadcast_in_dim3A_243 : i32 to vector<16xi32>
      %mul3A_245 = arith.constant 16 : i32
      %mul3A_246 = arith.muli %scan3A_86, %mul3A_245 : i32
      %add3A_247 = arith.constant 7 : i32
      %add3A_248 = arith.addi %mul3A_246, %add3A_247 : i32
      %get3A_249 = arith.index_cast %add3A_248 : i32 to index
      %get3A_250 = arith.constant 0 : index
      %get3A_251 = tpu.vector_load %arg12[%get3A_249, %get3A_250] {strides = array<i32>} : memref<800x32xf32, #tpu.memory_space<vmem>>, vector<16xf32>,
      %add3A_252 = arith.constant 0 : i32
      %add3A_253 = vector.broadcast %add3A_252 : i32 to vector<16xi32>
      %add3A_254 = arith.addi %iota3A, %add3A_253 : vector<16xi32>
      tpu.vector_store_idx %arg14[%add3A_89, %add3A_254, %broadcast_in_dim3A_244], %get3A_251 : memref<50x32x16xf32, #tpu.memory_space<vmem>>[vector<16xi32>, vector<16xi32>, vector<16xi32>], vector<16xf32>,
      %mul3A_255 = arith.constant 16 : i32
      %mul3A_256 = arith.muli %scan3A_86, %mul3A_255 : i32
      %add3A_257 = arith.constant 7 : i32
      %add3A_258 = arith.addi %mul3A_256, %add3A_257 : i32
      %get3A_259 = arith.index_cast %add3A_258 : i32 to index
      %get3A_260 = arith.constant 16 : index
      %get3A_261 = tpu.vector_load %arg12[%get3A_259, %get3A_260] {strides = array<i32>} : memref<800x32xf32, #tpu.memory_space<vmem>>, vector<16xf32>,
      %add3A_262 = arith.constant 16 : i32
      %add3A_263 = vector.broadcast %add3A_262 : i32 to vector<16xi32>
      %add3A_264 = arith.addi %iota3A, %add3A_263 : vector<16xi32>
      tpu.vector_store_idx %arg14[%add3A_89, %add3A_264, %broadcast_in_dim3A_244], %get3A_261 : memref<50x32x16xf32, #tpu.memory_space<vmem>>[vector<16xi32>, vector<16xi32>, vector<16xi32>], vector<16xf32>,
      %broadcast_in_dim3A_265 = arith.constant 8 : i32
      %broadcast_in_dim3A_266 = vector.broadcast %broadcast_in_dim3A_265 : i32 to vector<16xi32>
      %mul3A_267 = arith.constant 16 : i32
      %mul3A_268 = arith.muli %scan3A_86, %mul3A_267 : i32
      %add3A_269 = arith.constant 8 : i32
      %add3A_270 = arith.addi %mul3A_268, %add3A_269 : i32
      %get3A_271 = arith.index_cast %add3A_270 : i32 to index
      %get3A_272 = arith.constant 0 : index
      %get3A_273 = tpu.vector_load %arg12[%get3A_271, %get3A_272] {strides = array<i32>} : memref<800x32xf32, #tpu.memory_space<vmem>>, vector<16xf32>,
      %add3A_274 = arith.constant 0 : i32
      %add3A_275 = vector.broadcast %add3A_274 : i32 to vector<16xi32>
      %add3A_276 = arith.addi %iota3A, %add3A_275 : vector<16xi32>
      tpu.vector_store_idx %arg14[%add3A_89, %add3A_276, %broadcast_in_dim3A_266], %get3A_273 : memref<50x32x16xf32, #tpu.memory_space<vmem>>[vector<16xi32>, vector<16xi32>, vector<16xi32>], vector<16xf32>,
      %mul3A_277 = arith.constant 16 : i32
      %mul3A_278 = arith.muli %scan3A_86, %mul3A_277 : i32
      %add3A_279 = arith.constant 8 : i32
      %add3A_280 = arith.addi %mul3A_278, %add3A_279 : i32
      %get3A_281 = arith.index_cast %add3A_280 : i32 to index
      %get3A_282 = arith.constant 16 : index
      %get3A_283 = tpu.vector_load %arg12[%get3A_281, %get3A_282] {strides = array<i32>} : memref<800x32xf32, #tpu.memory_space<vmem>>, vector<16xf32>,
      %add3A_284 = arith.constant 16 : i32
      %add3A_285 = vector.broadcast %add3A_284 : i32 to vector<16xi32>
      %add3A_286 = arith.addi %iota3A, %add3A_285 : vector<16xi32>
      tpu.vector_store_idx %arg14[%add3A_89, %add3A_286, %broadcast_in_dim3A_266], %get3A_283 : memref<50x32x16xf32, #tpu.memory_space<vmem>>[vector<16xi32>, vector<16xi32>, vector<16xi32>], vector<16xf32>,
      %broadcast_in_dim3A_287 = arith.constant 9 : i32
      %broadcast_in_dim3A_288 = vector.broadcast %broadcast_in_dim3A_287 : i32 to vector<16xi32>
      %mul3A_289 = arith.constant 16 : i32
      %mul3A_290 = arith.muli %scan3A_86, %mul3A_289 : i32
      %add3A_291 = arith.constant 9 : i32
      %add3A_292 = arith.addi %mul3A_290, %add3A_291 : i32
      %get3A_293 = arith.index_cast %add3A_292 : i32 to index
      %get3A_294 = arith.constant 0 : index
      %get3A_295 = tpu.vector_load %arg12[%get3A_293, %get3A_294] {strides = array<i32>} : memref<800x32xf32, #tpu.memory_space<vmem>>, vector<16xf32>,
      %add3A_296 = arith.constant 0 : i32
      %add3A_297 = vector.broadcast %add3A_296 : i32 to vector<16xi32>
      %add3A_298 = arith.addi %iota3A, %add3A_297 : vector<16xi32>
      tpu.vector_store_idx %arg14[%add3A_89, %add3A_298, %broadcast_in_dim3A_288], %get3A_295 : memref<50x32x16xf32, #tpu.memory_space<vmem>>[vector<16xi32>, vector<16xi32>, vector<16xi32>], vector<16xf32>,
      %mul3A_299 = arith.constant 16 : i32
      %mul3A_300 = arith.muli %scan3A_86, %mul3A_299 : i32
      %add3A_301 = arith.constant 9 : i32
      %add3A_302 = arith.addi %mul3A_300, %add3A_301 : i32
      %get3A_303 = arith.index_cast %add3A_302 : i32 to index
      %get3A_304 = arith.constant 16 : index
      %get3A_305 = tpu.vector_load %arg12[%get3A_303, %get3A_304] {strides = array<i32>} : memref<800x32xf32, #tpu.memory_space<vmem>>, vector<16xf32>,
      %add3A_306 = arith.constant 16 : i32
      %add3A_307 = vector.broadcast %add3A_306 : i32 to vector<16xi32>
      %add3A_308 = arith.addi %iota3A, %add3A_307 : vector<16xi32>
      tpu.vector_store_idx %arg14[%add3A_89, %add3A_308, %broadcast_in_dim3A_288], %get3A_305 : memref<50x32x16xf32, #tpu.memory_space<vmem>>[vector<16xi32>, vector<16xi32>, vector<16xi32>], vector<16xf32>,
      %broadcast_in_dim3A_309 = arith.constant 10 : i32
      %broadcast_in_dim3A_310 = vector.broadcast %broadcast_in_dim3A_309 : i32 to vector<16xi32>
      %mul3A_311 = arith.constant 16 : i32
      %mul3A_312 = arith.muli %scan3A_86, %mul3A_311 : i32
      %add3A_313 = arith.constant 10 : i32
      %add3A_314 = arith.addi %mul3A_312, %add3A_313 : i32
      %get3A_315 = arith.index_cast %add3A_314 : i32 to index
      %get3A_316 = arith.constant 0 : index
      %get3A_317 = tpu.vector_load %arg12[%get3A_315, %get3A_316] {strides = array<i32>} : memref<800x32xf32, #tpu.memory_space<vmem>>, vector<16xf32>,
      %add3A_318 = arith.constant 0 : i32
      %add3A_319 = vector.broadcast %add3A_318 : i32 to vector<16xi32>
      %add3A_320 = arith.addi %iota3A, %add3A_319 : vector<16xi32>
      tpu.vector_store_idx %arg14[%add3A_89, %add3A_320, %broadcast_in_dim3A_310], %get3A_317 : memref<50x32x16xf32, #tpu.memory_space<vmem>>[vector<16xi32>, vector<16xi32>, vector<16xi32>], vector<16xf32>,
      %mul3A_321 = arith.constant 16 : i32
      %mul3A_322 = arith.muli %scan3A_86, %mul3A_321 : i32
      %add3A_323 = arith.constant 10 : i32
      %add3A_324 = arith.addi %mul3A_322, %add3A_323 : i32
      %get3A_325 = arith.index_cast %add3A_324 : i32 to index
      %get3A_326 = arith.constant 16 : index
      %get3A_327 = tpu.vector_load %arg12[%get3A_325, %get3A_326] {strides = array<i32>} : memref<800x32xf32, #tpu.memory_space<vmem>>, vector<16xf32>,
      %add3A_328 = arith.constant 16 : i32
      %add3A_329 = vector.broadcast %add3A_328 : i32 to vector<16xi32>
      %add3A_330 = arith.addi %iota3A, %add3A_329 : vector<16xi32>
      tpu.vector_store_idx %arg14[%add3A_89, %add3A_330, %broadcast_in_dim3A_310], %get3A_327 : memref<50x32x16xf32, #tpu.memory_space<vmem>>[vector<16xi32>, vector<16xi32>, vector<16xi32>], vector<16xf32>,
      %broadcast_in_dim3A_331 = arith.constant 11 : i32
      %broadcast_in_dim3A_332 = vector.broadcast %broadcast_in_dim3A_331 : i32 to vector<16xi32>
      %mul3A_333 = arith.constant 16 : i32
      %mul3A_334 = arith.muli %scan3A_86, %mul3A_333 : i32
      %add3A_335 = arith.constant 11 : i32
      %add3A_336 = arith.addi %mul3A_334, %add3A_335 : i32
      %get3A_337 = arith.index_cast %add3A_336 : i32 to index
      %get3A_338 = arith.constant 0 : index
      %get3A_339 = tpu.vector_load %arg12[%get3A_337, %get3A_338] {strides = array<i32>} : memref<800x32xf32, #tpu.memory_space<vmem>>, vector<16xf32>,
      %add3A_340 = arith.constant 0 : i32
      %add3A_341 = vector.broadcast %add3A_340 : i32 to vector<16xi32>
      %add3A_342 = arith.addi %iota3A, %add3A_341 : vector<16xi32>
      tpu.vector_store_idx %arg14[%add3A_89, %add3A_342, %broadcast_in_dim3A_332], %get3A_339 : memref<50x32x16xf32, #tpu.memory_space<vmem>>[vector<16xi32>, vector<16xi32>, vector<16xi32>], vector<16xf32>,
      %mul3A_343 = arith.constant 16 : i32
      %mul3A_344 = arith.muli %scan3A_86, %mul3A_343 : i32
      %add3A_345 = arith.constant 11 : i32
      %add3A_346 = arith.addi %mul3A_344, %add3A_345 : i32
      %get3A_347 = arith.index_cast %add3A_346 : i32 to index
      %get3A_348 = arith.constant 16 : index
      %get3A_349 = tpu.vector_load %arg12[%get3A_347, %get3A_348] {strides = array<i32>} : memref<800x32xf32, #tpu.memory_space<vmem>>, vector<16xf32>,
      %add3A_350 = arith.constant 16 : i32
      %add3A_351 = vector.broadcast %add3A_350 : i32 to vector<16xi32>
      %add3A_352 = arith.addi %iota3A, %add3A_351 : vector<16xi32>
      tpu.vector_store_idx %arg14[%add3A_89, %add3A_352, %broadcast_in_dim3A_332], %get3A_349 : memref<50x32x16xf32, #tpu.memory_space<vmem>>[vector<16xi32>, vector<16xi32>, vector<16xi32>], vector<16xf32>,
      %broadcast_in_dim3A_353 = arith.constant 12 : i32
      %broadcast_in_dim3A_354 = vector.broadcast %broadcast_in_dim3A_353 : i32 to vector<16xi32>
      %mul3A_355 = arith.constant 16 : i32
      %mul3A_356 = arith.muli %scan3A_86, %mul3A_355 : i32
      %add3A_357 = arith.constant 12 : i32
      %add3A_358 = arith.addi %mul3A_356, %add3A_357 : i32
      %get3A_359 = arith.index_cast %add3A_358 : i32 to index
      %get3A_360 = arith.constant 0 : index
      %get3A_361 = tpu.vector_load %arg12[%get3A_359, %get3A_360] {strides = array<i32>} : memref<800x32xf32, #tpu.memory_space<vmem>>, vector<16xf32>,
      %add3A_362 = arith.constant 0 : i32
      %add3A_363 = vector.broadcast %add3A_362 : i32 to vector<16xi32>
      %add3A_364 = arith.addi %iota3A, %add3A_363 : vector<16xi32>
      tpu.vector_store_idx %arg14[%add3A_89, %add3A_364, %broadcast_in_dim3A_354], %get3A_361 : memref<50x32x16xf32, #tpu.memory_space<vmem>>[vector<16xi32>, vector<16xi32>, vector<16xi32>], vector<16xf32>,
      %mul3A_365 = arith.constant 16 : i32
      %mul3A_366 = arith.muli %scan3A_86, %mul3A_365 : i32
      %add3A_367 = arith.constant 12 : i32
      %add3A_368 = arith.addi %mul3A_366, %add3A_367 : i32
      %get3A_369 = arith.index_cast %add3A_368 : i32 to index
      %get3A_370 = arith.constant 16 : index
      %get3A_371 = tpu.vector_load %arg12[%get3A_369, %get3A_370] {strides = array<i32>} : memref<800x32xf32, #tpu.memory_space<vmem>>, vector<16xf32>,
      %add3A_372 = arith.constant 16 : i32
      %add3A_373 = vector.broadcast %add3A_372 : i32 to vector<16xi32>
      %add3A_374 = arith.addi %iota3A, %add3A_373 : vector<16xi32>
      tpu.vector_store_idx %arg14[%add3A_89, %add3A_374, %broadcast_in_dim3A_354], %get3A_371 : memref<50x32x16xf32, #tpu.memory_space<vmem>>[vector<16xi32>, vector<16xi32>, vector<16xi32>], vector<16xf32>,
      %broadcast_in_dim3A_375 = arith.constant 13 : i32
      %broadcast_in_dim3A_376 = vector.broadcast %broadcast_in_dim3A_375 : i32 to vector<16xi32>
      %mul3A_377 = arith.constant 16 : i32
      %mul3A_378 = arith.muli %scan3A_86, %mul3A_377 : i32
      %add3A_379 = arith.constant 13 : i32
      %add3A_380 = arith.addi %mul3A_378, %add3A_379 : i32
      %get3A_381 = arith.index_cast %add3A_380 : i32 to index
      %get3A_382 = arith.constant 0 : index
      %get3A_383 = tpu.vector_load %arg12[%get3A_381, %get3A_382] {strides = array<i32>} : memref<800x32xf32, #tpu.memory_space<vmem>>, vector<16xf32>,
      %add3A_384 = arith.constant 0 : i32
      %add3A_385 = vector.broadcast %add3A_384 : i32 to vector<16xi32>
      %add3A_386 = arith.addi %iota3A, %add3A_385 : vector<16xi32>
      tpu.vector_store_idx %arg14[%add3A_89, %add3A_386, %broadcast_in_dim3A_376], %get3A_383 : memref<50x32x16xf32, #tpu.memory_space<vmem>>[vector<16xi32>, vector<16xi32>, vector<16xi32>], vector<16xf32>,
      %mul3A_387 = arith.constant 16 : i32
      %mul3A_388 = arith.muli %scan3A_86, %mul3A_387 : i32
      %add3A_389 = arith.constant 13 : i32
      %add3A_390 = arith.addi %mul3A_388, %add3A_389 : i32
      %get3A_391 = arith.index_cast %add3A_390 : i32 to index
      %get3A_392 = arith.constant 16 : index
      %get3A_393 = tpu.vector_load %arg12[%get3A_391, %get3A_392] {strides = array<i32>} : memref<800x32xf32, #tpu.memory_space<vmem>>, vector<16xf32>,
      %add3A_394 = arith.constant 16 : i32
      %add3A_395 = vector.broadcast %add3A_394 : i32 to vector<16xi32>
      %add3A_396 = arith.addi %iota3A, %add3A_395 : vector<16xi32>
      tpu.vector_store_idx %arg14[%add3A_89, %add3A_396, %broadcast_in_dim3A_376], %get3A_393 : memref<50x32x16xf32, #tpu.memory_space<vmem>>[vector<16xi32>, vector<16xi32>, vector<16xi32>], vector<16xf32>,
      %broadcast_in_dim3A_397 = arith.constant 14 : i32
      %broadcast_in_dim3A_398 = vector.broadcast %broadcast_in_dim3A_397 : i32 to vector<16xi32>
      %mul3A_399 = arith.constant 16 : i32
      %mul3A_400 = arith.muli %scan3A_86, %mul3A_399 : i32
      %add3A_401 = arith.constant 14 : i32
      %add3A_402 = arith.addi %mul3A_400, %add3A_401 : i32
      %get3A_403 = arith.index_cast %add3A_402 : i32 to index
      %get3A_404 = arith.constant 0 : index
      %get3A_405 = tpu.vector_load %arg12[%get3A_403, %get3A_404] {strides = array<i32>} : memref<800x32xf32, #tpu.memory_space<vmem>>, vector<16xf32>,
      %add3A_406 = arith.constant 0 : i32
      %add3A_407 = vector.broadcast %add3A_406 : i32 to vector<16xi32>
      %add3A_408 = arith.addi %iota3A, %add3A_407 : vector<16xi32>
      tpu.vector_store_idx %arg14[%add3A_89, %add3A_408, %broadcast_in_dim3A_398], %get3A_405 : memref<50x32x16xf32, #tpu.memory_space<vmem>>[vector<16xi32>, vector<16xi32>, vector<16xi32>], vector<16xf32>,
      %mul3A_409 = arith.constant 16 : i32
      %mul3A_410 = arith.muli %scan3A_86, %mul3A_409 : i32
      %add3A_411 = arith.constant 14 : i32
      %add3A_412 = arith.addi %mul3A_410, %add3A_411 : i32
      %get3A_413 = arith.index_cast %add3A_412 : i32 to index
      %get3A_414 = arith.constant 16 : index
      %get3A_415 = tpu.vector_load %arg12[%get3A_413, %get3A_414] {strides = array<i32>} : memref<800x32xf32, #tpu.memory_space<vmem>>, vector<16xf32>,
      %add3A_416 = arith.constant 16 : i32
      %add3A_417 = vector.broadcast %add3A_416 : i32 to vector<16xi32>
      %add3A_418 = arith.addi %iota3A, %add3A_417 : vector<16xi32>
      tpu.vector_store_idx %arg14[%add3A_89, %add3A_418, %broadcast_in_dim3A_398], %get3A_415 : memref<50x32x16xf32, #tpu.memory_space<vmem>>[vector<16xi32>, vector<16xi32>, vector<16xi32>], vector<16xf32>,
      %broadcast_in_dim3A_419 = arith.constant 15 : i32
      %broadcast_in_dim3A_420 = vector.broadcast %broadcast_in_dim3A_419 : i32 to vector<16xi32>
      %mul3A_421 = arith.constant 16 : i32
      %mul3A_422 = arith.muli %scan3A_86, %mul3A_421 : i32
      %add3A_423 = arith.constant 15 : i32
      %add3A_424 = arith.addi %mul3A_422, %add3A_423 : i32
      %get3A_425 = arith.index_cast %add3A_424 : i32 to index
      %get3A_426 = arith.constant 0 : index
      %get3A_427 = tpu.vector_load %arg12[%get3A_425, %get3A_426] {strides = array<i32>} : memref<800x32xf32, #tpu.memory_space<vmem>>, vector<16xf32>,
      %add3A_428 = arith.constant 0 : i32
      %add3A_429 = vector.broadcast %add3A_428 : i32 to vector<16xi32>
      %add3A_430 = arith.addi %iota3A, %add3A_429 : vector<16xi32>
      tpu.vector_store_idx %arg14[%add3A_89, %add3A_430, %broadcast_in_dim3A_420], %get3A_427 : memref<50x32x16xf32, #tpu.memory_space<vmem>>[vector<16xi32>, vector<16xi32>, vector<16xi32>], vector<16xf32>,
      %mul3A_431 = arith.constant 16 : i32
      %mul3A_432 = arith.muli %scan3A_86, %mul3A_431 : i32
      %add3A_433 = arith.constant 15 : i32
      %add3A_434 = arith.addi %mul3A_432, %add3A_433 : i32
      %get3A_435 = arith.index_cast %add3A_434 : i32 to index
      %get3A_436 = arith.constant 16 : index
      %get3A_437 = tpu.vector_load %arg12[%get3A_435, %get3A_436] {strides = array<i32>} : memref<800x32xf32, #tpu.memory_space<vmem>>, vector<16xf32>,
      %add3A_438 = arith.constant 16 : i32
      %add3A_439 = vector.broadcast %add3A_438 : i32 to vector<16xi32>
      %add3A_440 = arith.addi %iota3A, %add3A_439 : vector<16xi32>
      tpu.vector_store_idx %arg14[%add3A_89, %add3A_440, %broadcast_in_dim3A_420], %get3A_437 : memref<50x32x16xf32, #tpu.memory_space<vmem>>[vector<16xi32>, vector<16xi32>, vector<16xi32>], vector<16xf32>,
    }
    %scan3A_69 = arith.constant 50 : i32
    %add3A_70 = arith.constant 496 : i32
    %add3A_71 = arith.addi %mul3A_2, %add3A_70 : i32
    %dma_start3A_72 = arith.constant 0 : i32
    %dma_start3A_73 = arith.constant 0 : i32
    %dma_start3A_74 = tpu.memref_slice %arg4[%dma_start3A_72, %dma_start3A_73, %add3A_71] : memref<50x32x16384xf32, #tpu.memory_space<hbm>> -> memref<50x32x16xf32, #tpu.memory_space<hbm>>
    %dma_start3A_75 = arith.constant 0 : i32
    %dma_start3A_76 = arith.constant 0 : i32
    %dma_start3A_77 = tpu.memref_slice %arg4[%dma_start3A_75, %dma_start3A_76, %add3A_71] : memref<50x32x16384xf32, #tpu.memory_space<hbm>> -> memref<50x32x16xf32, #tpu.memory_space<hbm>>
    tpu.enqueue_dma source(%arg14 : memref<50x32x16xf32, #tpu.memory_space<vmem>>) target(%dma_start3A_77 : memref<50x32x16xf32, #tpu.memory_space<hbm>>) target_semaphore(%arg18 : memref<!tpu.dma_semaphore, #tpu.memory_space<semaphore_mem>>)
    %add3A_78 = arith.constant 0 : i32
    %add3A_79 = arith.addi %mul3A_2, %add3A_78 : i32
    %dma_wait3A_80 = arith.constant 0 : i32
    %dma_wait3A_81 = arith.constant 0 : i32
    %dma_wait3A_82 = tpu.memref_slice %arg4[%dma_wait3A_80, %dma_wait3A_81, %add3A_79] : memref<50x32x16384xf32, #tpu.memory_space<hbm>> -> memref<50x32x16xf32, #tpu.memory_space<hbm>>
    %dma_wait3A_83 = arith.constant 0 : i32
    %dma_wait3A_84 = arith.constant 0 : i32
    %dma_wait3A_85 = tpu.memref_slice %arg4[%dma_wait3A_83, %dma_wait3A_84, %add3A_79] : memref<50x32x16384xf32, #tpu.memory_space<hbm>> -> memref<50x32x16xf32, #tpu.memory_space<hbm>>
    tpu.wait_dma2 semaphore(%arg18 : memref<!tpu.dma_semaphore, #tpu.memory_space<semaphore_mem>>) src(%arg14 : memref<50x32x16xf32, #tpu.memory_space<vmem>>) dst(%dma_wait3A_85 : memref<50x32x16xf32, #tpu.memory_space<hbm>>)
    return
  }
}

</mosaic_0001>

<sc_bundles>
// kernel: kernel.3.cloned.1.call-start
scs
__scs_entry_jumppad:
0x0: {  	(pc) =	sbr.rel $0x88, $3  }
0x1: {  	(tag) =	ssettag $0x0;
	lr =	simm.s32 $0x1  }
0x2: {  	[smem:$0x3F9F] =	sst lr;
	_ =	strace $0xD0000000  }
0x3: {  	_ = 	snop  }
0x4: {  	_ = 	snop  }
0x5: {  	_ = 	snop  }
0x6: {  	_ = 	snop  }
0x7: {  	_ = 	snop  }
__scs_overlays_trampoline_lowered:
0x8: {  	[smem:$0x3FAE] =	sst s0  }
0x9: {  	[smem:$0x3FAF] =	sst s1  }
0xa: {  	[smem:$0x3FB0] =	sst s2  }
0xb: {  	[smem:$0x3FB1] =	sst s3  }
0xc: {  	[smem:$0x3FB2] =	sst s4  }
0xd: {  	[smem:$0x3FB3] =	sst s5  }
0xe: {  	[smem:$0x3FB4] =	sst s6  }
0xf: {  	[smem:$0x3FB5] =	sst s7  }
0x10: {  	[smem:$0x3FB6] =	sst s8  }
0x11: {  	[smem:$0x3FB7] =	sst s9;
	s0 =	simm.s32 @!p0 $0x0  }
0x12: {  	s1 =	sld [smem:$0x3F9D];
	s0 =	simm.s32 @p0 $0x1  }
0x13: {  	[smem:$0x3FB8] =	sst s0;
	s0 =	simm.s32 @!p1 $0x0  }
0x14: {  	s2 =	sld [smem:$0x3F9C];
	s0 =	simm.s32 @p1 $0x1  }
0x15: {  	[smem:$0x3FB9] =	sst s0;
	s0 =	simm.s32 @!p2 $0x0  }
0x16: {  	s3 =	sld [smem:$0x3FDB];
	s0 =	simm.s32 @p2 $0x1  }
0x17: {  	s4 =	simm.s32 $0x1BF5;
	[smem:$0x3FBB] =	sst s0  }
0x18: {  	s0 =	sld [smem:$0x3F9E];
	_ =	swait.ge [sflag:s4], $0x0  }
0x19: {  	s7 =	sld [smem:$0x3F9F]  }
0x1a: {  	s8 =	sadd.s32 $0xFFFFE003, lr  }
0x1b: {  	s9 =	sadd.s32 $0xFFFFFEF7, lr;
	s5 =	simm.s32 $0xFFFFFFFF;
	p2 =	slt.u32 s8, $0xFFFFF086  }
0x1c: {  	p1 =	slt.u32 s9, $0xF7A;
	s5 =	simm.s32 @!p2 $0x0  }
0x1d: {  	s5 =	simm.s32 @p1 $0x1;
	p0 =	seq.s32 s7, s2  }
0x1e: {  	s7 =	smul.u32 @!p0 $0xF7A, s2;
	p2 =	seq.s32 @!p0 s5, $0x0  }
0x1f: {  	s9 =	smul.u32 $0xF7A, s1;
	s8 =	simm.s32 @!p0 $0x1BF5;
	p2 =	por !p2, p0  }
0x20: {  	[sflag:s8] =	ssyncset.s32 @!p0 $0xFFFFF086;
	s6 =	sadd.s32 @!p0 s3, s7;
	s7 =	simm.s32 @!p0 $0x108  }
0x21: {  	s3 =	sadd.s32 s3, s9;
	s6 =	sadd.s32 @!p0 $0x88, s6;
	s7 =	simm.s32 @p2 $0x1082  }
0x22: {  	[simem:s7], [sflag:s8] =	dma.local @!p0 [hbm:s6], $0xF7A  }
0x23: {  	s9 =	sor.u32 $0xD0000000, s2;
	s6 =	simm.s32 $0x108;
	_ =	swait.ge @!p0 [sflag:s8], $0x0  }
0x24: {  	s3 =	sadd.s32 $0x88, s3;
	s6 =	simm.s32 @!p1 $0x1082;
	[sflag:s4] =	ssyncset.s32 $0xFFFFF086  }
0x25: {  	[simem:s6], [sflag:s4] =	dma.local [hbm:s3], $0xF7A  }
0x26: {  	[smem:$0x3F9F] =	sst s1;
	(tag) =	ssettag s2;
	_ =	strace s9  }
0x27: {  	s1 =	sld [smem:$0x3FAF]  }
0x28: {  	s2 =	sld [smem:$0x3FB0]  }
0x29: {  	s4 =	sld [smem:$0x3FB2]  }
0x2a: {  	p0 =	seq.s32 s5, $0x0;
	s5 =	sld [smem:$0x3FB3]  }
0x2b: {  	s6 =	sld [smem:$0x3FB4]  }
0x2c: {  	s7 =	sld [smem:$0x3FB5]  }
0x2d: {  	s3 =	simm.s32 $0x108;
	s8 =	sld [smem:$0x3FB6]  }
0x2e: {  	s3 =	simm.s32 @!p0 $0x1082;
	s9 =	sld [smem:$0x3FB7]  }
0x2f: {  	lr =	sadd.s32 s0, s3;
	s0 =	sld [smem:$0x3FAE]  }
0x30: {  	s3 =	sld [smem:$0x3FB1]  }
0x31: {  	[smem:$0x3FBA] =	sst s10  }
0x32: {  	s10 =	sld [smem:$0x3FB8];
	_ =	sdelay $0x3  }
0x33: {  	p0 =	seq.s32 s10, $0x1;
	s10 =	sld [smem:$0x3FBA];
	_ =	sdelay $0x3  }
0x34: {  	[smem:$0x3FBA] =	sst s10  }
0x35: {  	s10 =	sld [smem:$0x3FB9];
	_ =	sdelay $0x3  }
0x36: {  	p1 =	seq.s32 s10, $0x1;
	s10 =	sld [smem:$0x3FBA];
	_ =	sdelay $0x3  }
0x37: {  	[smem:$0x3FBA] =	sst s10  }
0x38: {  	s10 =	sld [smem:$0x3FBB]  }
0x39: {  	_ = 	snop;
	(pc) =	sbr.ind lr, $3  }
0x3a: {  	_ = 	snop  }
0x3b: {  	_ = 	snop  }
0x3c: {  	p2 =	seq.s32 s10, $0x1;
	s10 =	sld [smem:$0x3FBA]  }
0x3d: {  	_ =	shalt  }
0x3e: {  	_ =	shalt  }
0x3f: {  	_ =	shalt  }
0x40: {  	_ =	shalt  }
0x41: {  	_ =	shalt  }
0x42: {  	_ =	shalt  }
0x43: {  	_ =	shalt  }
0x44: {  	_ =	shalt  }
0x45: {  	_ =	shalt  }
0x46: {  	_ =	shalt  }
0x47: {  	_ =	shalt  }
0x48: {  	_ =	shalt  }
0x49: {  	_ =	shalt  }
0x4a: {  	_ =	shalt  }
0x4b: {  	_ =	shalt  }
0x4c: {  	_ =	shalt  }
0x4d: {  	_ =	shalt  }
0x4e: {  	_ =	shalt  }
0x4f: {  	_ =	shalt  }
0x50: {  	_ =	shalt  }
0x51: {  	_ =	shalt  }
0x52: {  	_ =	shalt  }
0x53: {  	_ =	shalt  }
0x54: {  	_ =	shalt  }
0x55: {  	_ =	shalt  }
0x56: {  	_ =	shalt  }
0x57: {  	_ =	shalt  }
0x58: {  	_ =	shalt  }
0x59: {  	_ =	shalt  }
0x5a: {  	_ =	shalt  }
0x5b: {  	_ =	shalt  }
0x5c: {  	_ =	shalt  }
0x5d: {  	_ =	shalt  }
0x5e: {  	_ =	shalt  }
0x5f: {  	_ =	shalt  }
0x60: {  	_ =	shalt  }
0x61: {  	_ =	shalt  }
0x62: {  	_ =	shalt  }
0x63: {  	_ =	shalt  }
0x64: {  	_ =	shalt  }
0x65: {  	_ =	shalt  }
0x66: {  	_ =	shalt  }
0x67: {  	_ =	shalt  }
0x68: {  	_ =	shalt  }
0x69: {  	_ =	shalt  }
0x6a: {  	_ =	shalt  }
0x6b: {  	_ =	shalt  }
0x6c: {  	_ =	shalt  }
0x6d: {  	_ =	shalt  }
0x6e: {  	_ =	shalt  }
0x6f: {  	_ =	shalt  }
0x70: {  	_ =	shalt  }
0x71: {  	_ =	shalt  }
0x72: {  	_ =	shalt  }
0x73: {  	_ =	shalt  }
0x74: {  	_ =	shalt  }
0x75: {  	_ =	shalt  }
0x76: {  	_ =	shalt  }
0x77: {  	_ =	shalt  }
0x78: {  	_ =	shalt  }
0x79: {  	_ =	shalt  }
0x7a: {  	_ =	shalt  }
0x7b: {  	_ =	shalt  }
0x7c: {  	_ =	shalt  }
0x7d: {  	_ =	shalt  }
0x7e: {  	_ =	shalt  }
0x7f: {  	_ =	shalt  }
0x80: {  	_ =	shalt  }
0x81: {  	_ =	shalt  }
0x82: {  	_ =	shalt  }
0x83: {  	_ =	shalt  }
0x84: {  	_ =	shalt  }
0x85: {  	_ =	shalt  }
0x86: {  	_ =	shalt  }
0x87: {  	_ =	shalt  }
.Lfunc_end0:
.L_simem_size_0:
called_computation_lowered:
.L_overlay_start_0:
0x88: {  	s2 =	sld [smem:$0x3FD9]  }
0x89: {  	s3 =	sld [smem:$0x3FFE];
	_ =	sdelay $0x1  }
0x8a: {  	s1 =	srdreg.scid  }
0x8b: {  	s0 =	sand.u32 $0x1, s1  }
0x8c: {  	s17 =	sshll.u32 s0, $0xA;
	s2 =	sadd.s32 s3, s2  }
0x8d: {  	s2 =	sadd.s32 s2, s17  }
0x8e: {  	[smem:$0x3FC6] =	sst s2  }
0x8f: {  	_ = 	snop  }
0x90: {  	s2 =	sld [smem:$0x3FD0];
	(tm) =	ssettm $0x1  }
0x91: {  	s18 =	sld [smem:$0x3FFB];
	_ =	sdelay $0x3  }
0x92: {  	_ =	strace s18  }
0x93: {  	s3 =	sld [smem:$0x3FFC];
	_ =	sdelay $0x3  }
0x94: {  	_ =	strace s3  }
0x95: {  	s3 =	sld [smem:$0x3FFD];
	_ =	sdelay $0x3  }
0x96: {  	_ =	strace s3  }
0x97: {  	_ =	strace $0x8FFFFFFF  }
0x98: {  	s19 =	sld [smem:$0x3FDB];
	_ =	sdelay $0x1  }
0x99: {  	s4 =	simm.s32 $_scs_section_size  }
0x9a: {  	s5 =	simm.s32 $_size__tile_overlayer_lowered;
	s6 =	simm.s32 $_tile_overlayer_lowered  }
0x9b: {  	s22 =	simm.s32 $0x1BFF;
	s21 =	sshll.u32 s6, $0x1;
	s3 =	sadd.s32 s4, s19  }
0x9c: {  	s7 =	simm.s32 $0x0;
	s20 =	sshll.u32 s5, $0x1;
	s5 =	sadd.s32 s21, s3  }
0x9d: {  	[timem:s7], [sflag:s22] =	dma.local [hbm:s5], s20  }
0x9e: {  	_ =	swait.ge [sflag:s22], s20  }
0x9f: {  	s4 =	ssub.s32 $0x0, s20;
	[sflag:s22] =	ssyncset.done $0x0  }
0xa0: {  	[sflag:s22] =	ssyncadd.s32 s4;
	_ =	sdelay $0x1  }
0xa1: {  	s23 =	simm.s32 $0x1B8B  }
0xa2: {  	_ =	swait.ge [sflag:s23], $0x1  }
0xa3: {  	[sflag:s23] =	ssyncset.done $0x0  }
0xa4: {  	s25 =	simm.s32 $0x1B8E;
	s24 =	sld [smem:$0x3FFE];
	[sflag:s23] =	ssyncadd.s32 $0xFFFFFFFF  }
0xa5: {  	s26 =	simm.s32 $execute0_lowered;
	[smem:$0x3FD2] =	sst s25  }
0xa6: {  	s5 =	sshll.u32 s26, $0x1;
	_ =	strace $0x80000046;
	[dreg:$0x1] =	wrdreg $0xFFFFFFFF  }
0xa7: {  	s28 =	simm.s32 $_size_execute0_lowered;
	s3 =	sadd.s32 s3, s5;
	[dreg:$0x0] =	wrdreg $0x0  }
0xa8: {  	s5 =	sshll.u32 s28, $0x1;
	[dreg:$0x2] =	wrdreg s3  }
0xa9: {  	[dreg:$0x3] =	wrdreg s5  }
0xaa: {  	[dreg:$0x4] =	wrdreg $0xC0  }
0xab: {  	_ =	task [dreg:s7], $0x5FFFF  }
0xac: {  	[dreg:$0x1] =	wrdreg $0xFFFFFFFF  }
0xad: {  	[dreg:$0x0] =	wrdreg $0x60  }
0xae: {  	[dreg:$0x2] =	wrdreg s24  }
0xaf: {  	[dreg:$0x3] =	wrdreg s2  }
0xb0: {  	[dreg:$0x4] =	wrdreg $0x9  }
0xb1: {  	_ =	task.clear_ibuf [dreg:s7], $0x5FFFF;
	_ =	strace $0x90000046  }
0xb2: {  	s29 =	simm.s32 $0x9;
	_ =	strace $0x80000048  }
0xb3: {  	_ =	swait.ge [sflag:s29], $0x1  }
0xb4: {  	[sflag:s29] =	ssyncadd.s32 $0xFFFFFFFF  }
0xb5: {  	_ =	strace $0x90000048  }
0xb6: {  	_ =	sfence  }
0xb7: {  	s30 =	sld [smem:$0x0];
	_ =	sdelay $0x2  }
0xb8: {  	s31 =	sshll.u32 s1, $0xD;
	s1 =	sshrl.u32 s1, $0x2  }
0xb9: {  	s3 =	sand.u32 $0x4000, s31;
	s1 =	sadd.s32 s1, s30  }
0xba: {  	s0 =	sor.u32 s3, s0;
	s1 =	sshll.u32 s1, $0x11  }
0xbb: {  	s0 =	sor.u32 s1, s0  }
0xbc: {  	s0 =	sadd.s32 $0x8F2B, s0  }
0xbd: {  	[sflag:s0] =	ssyncadd.remote.s32 $0x1  }
0xbe: {  	_ =	sfence.sel $0xFFFF  }
0xbf: {  	[dreg:$0x0] =	wrdreg $0xFFFFFFFF;
	(pc) =	sbr.abs _section_cstart, $3  }
0xc0: {  	[dreg:$0x1] =	wrdreg $0xFFFFFFFF  }
0xc1: {  	_ =	task.clear_ibuf [dreg:s7], $0x2FFFF;
	_ =	strace $0x9FFFFFFF  }
0xc2: {  	(tm) =	ssettm $0x7FFFFFFF  }
0xc3: {  	_ =	shalt  }
tec
execute0_lowered:
.L_overlay_start_1:
0x0: {  	(tag) =	ssettag $0x1  }
0x1: {  	s0 =	srdreg.scid;
	s1 =	rddreg [dreg:$0x0]  }
0x2: {  	s3 =	stileid.u32;
	s2 =	rddreg [dreg:$0x1]  }
0x3: {  	s16 =	simm.s32 $0x5;
	s17 =	simm.s32 $0x320;
	s18 =	simm.s32 $0xA80  }
0x4: {  	v1 =	vlaneseq.u32;
	s19 =	simm.s32 $0x13E0;
	s20 =	simm.s32 $0x380;
	s21 =	simm.s32 $0xDA0  }
0x5: {  	s22 =	simm.s32 $0x77E0;
	s23 =	simm.s32 $0x700;
	s28 =	simm.s32 $0x13FE0;
	v0 =	vmul.u32 $0x10, v1  }
0x6: {  	s29 =	simm.s32 $0x10;
	s30 =	simm.s32 $0x4000;
	s31 =	simm.s32 $0x2  }
0x7: {  	s0 =	sand.u32 $0x1, s0;
	s4 =	sshll.u32 s3, $0xA;
	s3 =	simm.s32 $0x0;
	v1 =	vmul.u32 $0x38, v1;
	v2 =	vor.u32 $0x100, v0  }
0x8: {  	s7 =	sadd.s32 $0x600, s1;
	s5 =	sshll.u32 s0, $0x9;
	[smem:$0x7FF] =	sst s3;
	v3 =	vor.u32 $0x1, v0;
	v4 =	vor.u32 $0x101, v0;
	v5 =	vor.u32 $0x2, v0  }
0x9: {  	s0 =	ssub.s32 $0x2, s0;
	s4 =	sor.u32 s5, s4;
	_ =	strace $0x80000047;
	v6 =	vor.u32 $0x102, v0;
	v7 =	vor.u32 $0x3, v0;
	v8 =	vor.u32 $0x103, v0  }
0xa: {  	s5 =	sadd.s32 $0xF42A00, s1;
	s8 =	sshrl.u32 s0, $0x1;
	v9 =	vor.u32 $0x4, v0;
	v10 =	vor.u32 $0x104, v0;
	v11 =	vor.u32 $0x5, v0;
	s6 =	smul.u32 $0x7, s4  }
0xb: {  	v12 =	vor.u32 $0x105, v0;
	v13 =	vor.u32 $0x6, v0;
	v14 =	vor.u32 $0x106, v0;
	s0 =	ssub.s32 s0, s8;
	s9 =	sor.u32 $0x20, s4;
	s10 =	sor.u32 $0x30, s4  }
0xc: {  	v15 =	vor.u32 $0x7, v0;
	v16 =	vor.u32 $0x107, v0;
	v17 =	vor.u32 $0x8, v0;
	s25 =	sshrl.u32 s4, $0x3;
	s11 =	sor.u32 $0x10, s4;
	s0 =	smax.u32 s0, $0x1  }
0xd: {  	v18 =	vor.u32 $0x108, v0;
	v19 =	vor.u32 $0x9, v0;
	v20 =	vor.u32 $0x109, v0;
	s1 =	sadd.s32 s25, s7;
	s6 =	sadd.s32 s2, s6;
	[dreg:$0x7] =	wrdreg s0  }
0xe: {  	v21 =	vor.u32 $0xA, v0;
	v22 =	vor.u32 $0x10A, v0;
	v23 =	vor.u32 $0xB, v0;
	s12 =	sor.u32 $0x40, s4;
	s26 =	sadd.s32 $0x3C, s1;
	[dreg:$0x3] =	wrdreg s6  }
0xf: {  	v24 =	vor.u32 $0x10B, v0;
	v25 =	vor.u32 $0xC, v0;
	v26 =	vor.u32 $0x10C, v0;
	s8 =	simm.s32 $0x0;
	s1 =	sadd.s32 $0x3E, s1;
	[dreg:$0x5] =	wrdreg s26  }
0x10: {  	v27 =	vor.u32 $0xD, v0;
	v28 =	vor.u32 $0x10D, v0;
	v29 =	vor.u32 $0xE, v0;
	s0 =	simm.s32 $0x3;
	s24 =	sadd.s32 $0x70, s6;
	[dreg:$0x6] =	wrdreg s1  }
0x11: {  	v30 =	vor.u32 $0x10E, v0;
	v31 =	vor.u32 $0xF, v0;
	v32 =	vor.u32 $0x10F, v0;
	s26 =	simm.s32 $0x1;
	s1 =	simm.s32 $0x4;
	[dreg:$0x4] =	wrdreg s24  }
.LBB2_1:
0x12: {  	v33 =	vmov s3  }
0x13: {  	[dreg:$0x8] =	wrdreg s8;
	v33 =	vand.u32 $0x3F, v33  }
0x14: {  	s6 =	rddreg [dreg:$0x3];
	v33 =	vadd.s32 v1, v33  }
0x15: {  	[tilespmem:s3], [sflag:$0x5] =	stream.linear.gather [hbm4b:s6+s3], $0x380, $0x38;
	[tilespmem:$0x1A3E0] =	vst v63  }
0x16: {  	_ =	swait.ge [sflag:s16], $0x380  }
0x17: {  	s24 =	simm.s32 $0x1;
	[sflag:s16] =	ssyncset.done $0x0  }
0x18: {  	v34 =	vmov s24;
	[sflag:s16] =	ssyncadd.s32 $0xFFFFFC80  }
0x19: {  	v34 =	vand.u32 $0x3F, v34;
	v33 =	vld.idx.msk [tilespmem:v33+s3+$0x0], $0xffff  }
0x1a: {  	v35 =	vadd.s32 v1, v34;
	_ =	sdelay $0x3  }
0x1b: {  	s25 =	simm.s32 $0x2;
	[tilespmem:s18+$0x0] =	vst v33  }
0x1c: {  	s8 =	simm.s32 $0x3;
	s6 =	simm.s32 $0xA80;
	v34 =	vmov s25;
	v33 =	vld.idx.msk [tilespmem:v35+s3+$0x0], $0xffff  }
.LBB2_2:
0x1d: {  	p0 =	sne.s32 s8, $0x31;
	v34 =	vand.u32 $0x3F, v34  }
0x1e: {  	v35 =	vadd.s32 v1, v34  }
.Ltmp0:
0x1f: {  	(pc) =	sbr.rel @p0 .LBB2_2-.Ltmp0, $4  }
0x20: {  	_ = 	snop  }
0x21: {  	s6 =	sadd.s32 $0x10, s6  }
0x22: {  	[tilespmem:s6+$0x0] =	vst v33  }
0x23: {  	v34 =	vmov s8;
	s8 =	sadd.s32 $0x1, s8;
	v33 =	vld.idx.msk [tilespmem:v35+s3+$0x0], $0xffff  }
0x24: {  	v34 =	vand.u32 $0x3F, v34  }
0x25: {  	v34 =	vadd.s32 v1, v34;
	_ =	sdelay $0x2  }
0x26: {  	s6 =	sadd.s32 $0x10, s6  }
0x27: {  	[tilespmem:s6+$0x0] =	vst v33  }
0x28: {  	v33 =	vld.idx.msk [tilespmem:v34+s3+$0x0], $0xffff;
	_ =	sdelay $0x3  }
0x29: {  	s8 =	simm.s32 $0x0;
	s6 =	sadd.s32 $0x10, s6  }
0x2a: {  	v62 =	vmov s8;
	[tilespmem:s6+$0x0] =	vst v33  }
0x2b: {  	v33 =	vand.u32 $0x3F, v62;
	[tilespmem:s19], [sflag:$0x1] =	stream.indirect.gather [hbm4b:s5+s17], $0x20, s18, s17, $0xb8;
	[tilespmem:$0x1A3E0] =	vst v63  }
0x2c: {  	s15 =	rddreg [dreg:$0x4];
	v33 =	vadd.s32 v1, v33  }
0x2d: {  	[tilespmem:s20], [sflag:$0x5] =	stream.linear.gather [hbm4b:s15+s8], $0x380, $0x38;
	[tilespmem:$0x1A3E0] =	vst v63  }
0x2e: {  	_ =	swait.ge [sflag:s16], $0x380  }
0x2f: {  	s24 =	simm.s32 $0x1;
	[sflag:s16] =	ssyncset.done $0x0  }
0x30: {  	v63 =	vmov s24;
	[sflag:s16] =	ssyncadd.s32 $0xFFFFFC80  }
0x31: {  	v34 =	vand.u32 $0x3F, v63;
	v33 =	vld.idx.msk [tilespmem:v33+s20+$0x0], $0xffff  }
0x32: {  	v35 =	vadd.s32 v1, v34;
	_ =	sdelay $0x2  }
0x33: {  	s6 =	simm.s32 $0xDA0  }
0x34: {  	s25 =	simm.s32 $0x2;
	[tilespmem:s6+$0x0] =	vst v33  }
0x35: {  	v34 =	vmov s25;
	s8 =	simm.s32 $0x3;
	v33 =	vld.idx.msk [tilespmem:v35+s20+$0x0], $0xffff  }
.LBB2_4:
0x36: {  	p0 =	sne.s32 s8, $0x31;
	v34 =	vand.u32 $0x3F, v34  }
0x37: {  	v35 =	vadd.s32 v1, v34  }
.Ltmp1:
0x38: {  	(pc) =	sbr.rel @p0 .LBB2_4-.Ltmp1, $4  }
0x39: {  	_ = 	snop  }
0x3a: {  	s6 =	sadd.s32 $0x10, s6  }
0x3b: {  	[tilespmem:s6+$0x0] =	vst v33  }
0x3c: {  	v34 =	vmov s8;
	s8 =	sadd.s32 $0x1, s8;
	v33 =	vld.idx.msk [tilespmem:v35+s20+$0x0], $0xffff  }
0x3d: {  	v34 =	vand.u32 $0x3F, v34  }
0x3e: {  	v34 =	vadd.s32 v1, v34;
	_ =	sdelay $0x2  }
0x3f: {  	s6 =	sadd.s32 $0x10, s6  }
0x40: {  	[tilespmem:s6+$0x0] =	vst v33  }
0x41: {  	v33 =	vld.idx.msk [tilespmem:v34+s20+$0x0], $0xffff;
	_ =	sdelay $0x3  }
0x42: {  	s6 =	sadd.s32 $0x10, s6  }
0x43: {  	s13 =	simm.s32 $0x0;
	s14 =	simm.s32 $0x0;
	[tilespmem:s6+$0x0] =	vst v33  }
0x44: {  	[tilespmem:s22], [sflag:$0x2] =	stream.indirect.gather [hbm4b:s5+s17], $0x20, s21, s17, $0xb8;
	[tilespmem:$0x1A3E0] =	vst v63  }
.LBB2_6:
0x45: {  	s6 =	smul.u32 $0x30, s14;
	_ =	sdelay $0x1  }
0x46: {  	s15 =	sadd.s32 s6, s9  }
0x47: {  	v33 =	vmov s13;
	s8 =	smul.u32 $0x7, s15  }
0x48: {  	v33 =	vand.u32 $0x3F, v33  }
0x49: {  	v33 =	vadd.s32 v1, v33;
	s8 =	sadd.s32 s2, s8  }
0x4a: {  	[tilespmem:s23], [sflag:$0x5] =	stream.linear.gather [hbm4b:s8+s13], $0x380, $0x38;
	[tilespmem:$0x1A3E0] =	vst v63  }
0x4b: {  	_ =	swait.ge [sflag:s16], $0x380  }
0x4c: {  	s25 =	simm.s32 $0x1;
	[sflag:s16] =	ssyncset.done $0x0  }
0x4d: {  	v34 =	vmov s25;
	[sflag:s16] =	ssyncadd.s32 $0xFFFFFC80  }
0x4e: {  	v34 =	vand.u32 $0x3F, v34;
	v33 =	vld.idx.msk [tilespmem:v33+s23+$0x0], $0xffff  }
0x4f: {  	v35 =	vadd.s32 v1, v34;
	_ =	sdelay $0x2  }
0x50: {  	s8 =	simm.s32 $0x10C0  }
0x51: {  	s24 =	simm.s32 $0x2;
	[tilespmem:s8+$0x0] =	vst v33  }
0x52: {  	v34 =	vmov s24;
	s24 =	simm.s32 $0x3;
	v33 =	vld.idx.msk [tilespmem:v35+s23+$0x0], $0xffff  }
.LBB2_7:
0x53: {  	p0 =	sne.s32 s24, $0x31;
	v34 =	vand.u32 $0x3F, v34  }
0x54: {  	v35 =	vadd.s32 v1, v34  }
.Ltmp2:
0x55: {  	(pc) =	sbr.rel @p0 .LBB2_7-.Ltmp2, $4  }
0x56: {  	_ = 	snop  }
0x57: {  	s8 =	sadd.s32 $0x10, s8  }
0x58: {  	[tilespmem:s8+$0x0] =	vst v33  }
0x59: {  	v34 =	vmov s24;
	s24 =	sadd.s32 $0x1, s24;
	v33 =	vld.idx.msk [tilespmem:v35+s23+$0x0], $0xffff  }
0x5a: {  	v34 =	vand.u32 $0x3F, v34  }
0x5b: {  	v34 =	vadd.s32 v1, v34;
	_ =	sdelay $0x2  }
0x5c: {  	s8 =	sadd.s32 $0x10, s8  }
0x5d: {  	[tilespmem:s8+$0x0] =	vst v33  }
0x5e: {  	v33 =	vld.idx.msk [tilespmem:v34+s23+$0x0], $0xffff;
	_ =	sdelay $0x3  }
0x5f: {  	s8 =	sadd.s32 $0x10, s8  }
0x60: {  	s25 =	simm.s32 $0x10C0;
	s24 =	simm.s32 $0xDBE0;
	[tilespmem:s8+$0x0] =	vst v33  }
0x61: {  	[tilespmem:s24], [sflag:$0x3] =	stream.indirect.gather [hbm4b:s5+s17], $0x20, s25, s17, $0xb8;
	[tilespmem:$0x1A3E0] =	vst v63  }
0x62: {  	_ =	swait.ge [sflag:s26], $0x6400  }
0x63: {  	p0 =	seq.s32 s14, $0x0;
	[sflag:s26] =	ssyncset.done $0x0  }
0x64: {  	s8 =	simm.s32 @!p0 $0x4;
	[sflag:s26] =	ssyncadd.s32 $0xFFFF9C00  }
0x65: {  	_ =	swait.ge @!p0 [sflag:s8], $0x6400  }
0x66: {  	s24 =	simm.s32 $0x0;
	[sflag:s8] =	ssyncset.done @!p0 $0x0  }
0x67: {  	s25 =	simm.s32 $0x1;
	[sflag:s8] =	ssyncadd.s32 @!p0 $0xFFFF9C00;
	s8 =	simm.s32 $0x14E0  }
.LBB2_9:
0x68: {  	p0 =	sne.s32 s25, $0x31;
	v33 =	vld [tilespmem:s8+$0xFFFFFF00];
	v34 =	vor.u32 s24, v0;
	_ =	sdelay $0x4  }
0x69: {  	[tilespmem:v34+s28+$0x0] =	vst.idx.msk $0xffff, v33  }
0x6a: {  	v34 =	vor.u32 s24, v2;
	v33 =	vld [tilespmem:s8+$0xFFFFFF10];
	_ =	sdelay $0x4  }
0x6b: {  	[tilespmem:v34+s28+$0x0] =	vst.idx.msk $0xffff, v33  }
0x6c: {  	v34 =	vor.u32 s24, v3;
	v33 =	vld [tilespmem:s8+$0xFFFFFF20];
	_ =	sdelay $0x4  }
0x6d: {  	[tilespmem:v34+s28+$0x0] =	vst.idx.msk $0xffff, v33  }
0x6e: {  	v34 =	vor.u32 s24, v4;
	v33 =	vld [tilespmem:s8+$0xFFFFFF30];
	_ =	sdelay $0x4  }
0x6f: {  	[tilespmem:v34+s28+$0x0] =	vst.idx.msk $0xffff, v33  }
0x70: {  	v34 =	vor.u32 s24, v5;
	v33 =	vld [tilespmem:s8+$0xFFFFFF40];
	_ =	sdelay $0x4  }
0x71: {  	[tilespmem:v34+s28+$0x0] =	vst.idx.msk $0xffff, v33  }
0x72: {  	v34 =	vor.u32 s24, v6;
	v33 =	vld [tilespmem:s8+$0xFFFFFF50];
	_ =	sdelay $0x4  }
0x73: {  	[tilespmem:v34+s28+$0x0] =	vst.idx.msk $0xffff, v33  }
0x74: {  	v34 =	vor.u32 s24, v7;
	v33 =	vld [tilespmem:s8+$0xFFFFFF60];
	_ =	sdelay $0x4  }
0x75: {  	[tilespmem:v34+s28+$0x0] =	vst.idx.msk $0xffff, v33  }
0x76: {  	v34 =	vor.u32 s24, v8;
	v33 =	vld [tilespmem:s8+$0xFFFFFF70];
	_ =	sdelay $0x4  }
0x77: {  	[tilespmem:v34+s28+$0x0] =	vst.idx.msk $0xffff, v33  }
0x78: {  	v34 =	vor.u32 s24, v9;
	v33 =	vld [tilespmem:s8+$0xFFFFFF80];
	_ =	sdelay $0x4  }
0x79: {  	[tilespmem:v34+s28+$0x0] =	vst.idx.msk $0xffff, v33  }
0x7a: {  	v34 =	vor.u32 s24, v10;
	v33 =	vld [tilespmem:s8+$0xFFFFFF90];
	_ =	sdelay $0x4  }
0x7b: {  	[tilespmem:v34+s28+$0x0] =	vst.idx.msk $0xffff, v33  }
0x7c: {  	v34 =	vor.u32 s24, v11;
	v33 =	vld [tilespmem:s8+$0xFFFFFFA0];
	_ =	sdelay $0x4  }
0x7d: {  	[tilespmem:v34+s28+$0x0] =	vst.idx.msk $0xffff, v33  }
0x7e: {  	v34 =	vor.u32 s24, v12;
	v33 =	vld [tilespmem:s8+$0xFFFFFFB0];
	_ =	sdelay $0x4  }
0x7f: {  	[tilespmem:v34+s28+$0x0] =	vst.idx.msk $0xffff, v33  }
0x80: {  	v34 =	vor.u32 s24, v13;
	v33 =	vld [tilespmem:s8+$0xFFFFFFC0];
	_ =	sdelay $0x4  }
0x81: {  	[tilespmem:v34+s28+$0x0] =	vst.idx.msk $0xffff, v33  }
0x82: {  	v34 =	vor.u32 s24, v14;
	v33 =	vld [tilespmem:s8+$0xFFFFFFD0];
	_ =	sdelay $0x4  }
0x83: {  	[tilespmem:v34+s28+$0x0] =	vst.idx.msk $0xffff, v33  }
0x84: {  	v34 =	vor.u32 s24, v15;
	v33 =	vld [tilespmem:s8+$0xFFFFFFE0];
	_ =	sdelay $0x4  }
0x85: {  	[tilespmem:v34+s28+$0x0] =	vst.idx.msk $0xffff, v33  }
0x86: {  	v34 =	vor.u32 s24, v16;
	v33 =	vld [tilespmem:s8+$0xFFFFFFF0];
	_ =	sdelay $0x4  }
0x87: {  	[tilespmem:v34+s28+$0x0] =	vst.idx.msk $0xffff, v33  }
0x88: {  	v34 =	vor.u32 s24, v17;
	v33 =	vld [tilespmem:s8+$0x0];
	_ =	sdelay $0x4  }
0x89: {  	[tilespmem:v34+s28+$0x0] =	vst.idx.msk $0xffff, v33  }
0x8a: {  	v34 =	vor.u32 s24, v18;
	v33 =	vld [tilespmem:s8+$0x10];
	_ =	sdelay $0x4  }
0x8b: {  	[tilespmem:v34+s28+$0x0] =	vst.idx.msk $0xffff, v33  }
0x8c: {  	v34 =	vor.u32 s24, v19;
	v33 =	vld [tilespmem:s8+$0x20];
	_ =	sdelay $0x4  }
0x8d: {  	[tilespmem:v34+s28+$0x0] =	vst.idx.msk $0xffff, v33  }
0x8e: {  	v34 =	vor.u32 s24, v20;
	v33 =	vld [tilespmem:s8+$0x30];
	_ =	sdelay $0x4  }
0x8f: {  	[tilespmem:v34+s28+$0x0] =	vst.idx.msk $0xffff, v33  }
0x90: {  	v34 =	vor.u32 s24, v21;
	v33 =	vld [tilespmem:s8+$0x40];
	_ =	sdelay $0x4  }
0x91: {  	[tilespmem:v34+s28+$0x0] =	vst.idx.msk $0xffff, v33  }
0x92: {  	v34 =	vor.u32 s24, v22;
	v33 =	vld [tilespmem:s8+$0x50];
	_ =	sdelay $0x4  }
0x93: {  	[tilespmem:v34+s28+$0x0] =	vst.idx.msk $0xffff, v33  }
0x94: {  	v34 =	vor.u32 s24, v23;
	v33 =	vld [tilespmem:s8+$0x60];
	_ =	sdelay $0x4  }
0x95: {  	[tilespmem:v34+s28+$0x0] =	vst.idx.msk $0xffff, v33  }
0x96: {  	v34 =	vor.u32 s24, v24;
	v33 =	vld [tilespmem:s8+$0x70];
	_ =	sdelay $0x4  }
0x97: {  	[tilespmem:v34+s28+$0x0] =	vst.idx.msk $0xffff, v33  }
0x98: {  	v34 =	vor.u32 s24, v25;
	v33 =	vld [tilespmem:s8+$0x80];
	_ =	sdelay $0x4  }
0x99: {  	[tilespmem:v34+s28+$0x0] =	vst.idx.msk $0xffff, v33  }
0x9a: {  	v34 =	vor.u32 s24, v26;
	v33 =	vld [tilespmem:s8+$0x90];
	_ =	sdelay $0x4  }
0x9b: {  	[tilespmem:v34+s28+$0x0] =	vst.idx.msk $0xffff, v33  }
0x9c: {  	v34 =	vor.u32 s24, v27;
	v33 =	vld [tilespmem:s8+$0xA0];
	_ =	sdelay $0x4  }
0x9d: {  	[tilespmem:v34+s28+$0x0] =	vst.idx.msk $0xffff, v33  }
0x9e: {  	v34 =	vor.u32 s24, v28;
	v33 =	vld [tilespmem:s8+$0xB0];
	_ =	sdelay $0x4  }
0x9f: {  	[tilespmem:v34+s28+$0x0] =	vst.idx.msk $0xffff, v33  }
0xa0: {  	v34 =	vor.u32 s24, v29;
	v33 =	vld [tilespmem:s8+$0xC0];
	_ =	sdelay $0x4  }
0xa1: {  	[tilespmem:v34+s28+$0x0] =	vst.idx.msk $0xffff, v33  }
0xa2: {  	v34 =	vor.u32 s24, v30;
	v33 =	vld [tilespmem:s8+$0xD0];
	_ =	sdelay $0x4  }
0xa3: {  	[tilespmem:v34+s28+$0x0] =	vst.idx.msk $0xffff, v33  }
0xa4: {  	v34 =	vor.u32 s24, v31;
	v33 =	vld [tilespmem:s8+$0xE0];
	_ =	sdelay $0x4  }
0xa5: {  	[tilespmem:v34+s28+$0x0] =	vst.idx.msk $0xffff, v33  }
0xa6: {  	v34 =	vor.u32 s24, v32;
	v33 =	vld [tilespmem:s8+$0xF0]  }
.Ltmp3:
0xa7: {  	(pc) =	sbr.rel @p0 .LBB2_9-.Ltmp3, $2  }
0xa8: {  	_ =	sdelay $0x2  }
0xa9: {  	s24 =	sshll.u32 s25, $0x9;
	s25 =	sadd.s32 $0x1, s25;
	s8 =	sadd.s32 $0x200, s8;
	[tilespmem:v34+s28+$0x0] =	vst.idx.msk $0xffff, v33  }
0xaa: {  	v33 =	vld [tilespmem:s8+$0xFFFFFF00];
	v34 =	vor.u32 s24, v0;
	_ =	sdelay $0x4  }
0xab: {  	[tilespmem:v34+s28+$0x0] =	vst.idx.msk $0xffff, v33  }
0xac: {  	v59 =	vor.u32 s24, v2;
	v33 =	vld [tilespmem:s8+$0xFFFFFF10];
	_ =	sdelay $0x4  }
0xad: {  	[tilespmem:v59+s28+$0x0] =	vst.idx.msk $0xffff, v33  }
0xae: {  	v60 =	vor.u32 s24, v3;
	v33 =	vld [tilespmem:s8+$0xFFFFFF20];
	_ =	sdelay $0x4  }
0xaf: {  	[tilespmem:v60+s28+$0x0] =	vst.idx.msk $0xffff, v33  }
0xb0: {  	v61 =	vor.u32 s24, v4;
	v33 =	vld [tilespmem:s8+$0xFFFFFF30];
	_ =	sdelay $0x4  }
0xb1: {  	[tilespmem:v61+s28+$0x0] =	vst.idx.msk $0xffff, v33  }
0xb2: {  	v62 =	vor.u32 s24, v5;
	v33 =	vld [tilespmem:s8+$0xFFFFFF40];
	_ =	sdelay $0x4  }
0xb3: {  	[tilespmem:v62+s28+$0x0] =	vst.idx.msk $0xffff, v33  }
0xb4: {  	v63 =	vor.u32 s24, v6;
	v33 =	vld [tilespmem:s8+$0xFFFFFF50];
	_ =	sdelay $0x4  }
0xb5: {  	[tilespmem:v63+s28+$0x0] =	vst.idx.msk $0xffff, v33  }
0xb6: {  	v36 =	vor.u32 s24, v7;
	v33 =	vld [tilespmem:s8+$0xFFFFFF60];
	_ =	sdelay $0x4  }
0xb7: {  	[tilespmem:v36+s28+$0x0] =	vst.idx.msk $0xffff, v33  }
0xb8: {  	v37 =	vor.u32 s24, v8;
	v33 =	vld [tilespmem:s8+$0xFFFFFF70];
	_ =	sdelay $0x4  }
0xb9: {  	[tilespmem:v37+s28+$0x0] =	vst.idx.msk $0xffff, v33  }
0xba: {  	v38 =	vor.u32 s24, v9;
	v33 =	vld [tilespmem:s8+$0xFFFFFF80];
	_ =	sdelay $0x4  }
0xbb: {  	[tilespmem:v38+s28+$0x0] =	vst.idx.msk $0xffff, v33  }
0xbc: {  	v39 =	vor.u32 s24, v10;
	v33 =	vld [tilespmem:s8+$0xFFFFFF90];
	_ =	sdelay $0x4  }
0xbd: {  	[tilespmem:v39+s28+$0x0] =	vst.idx.msk $0xffff, v33  }
0xbe: {  	v40 =	vor.u32 s24, v11;
	v33 =	vld [tilespmem:s8+$0xFFFFFFA0];
	_ =	sdelay $0x4  }
0xbf: {  	[tilespmem:v40+s28+$0x0] =	vst.idx.msk $0xffff, v33  }
0xc0: {  	v41 =	vor.u32 s24, v12;
	v33 =	vld [tilespmem:s8+$0xFFFFFFB0];
	_ =	sdelay $0x4  }
0xc1: {  	[tilespmem:v41+s28+$0x0] =	vst.idx.msk $0xffff, v33  }
0xc2: {  	v42 =	vor.u32 s24, v13;
	v33 =	vld [tilespmem:s8+$0xFFFFFFC0];
	_ =	sdelay $0x4  }
0xc3: {  	[tilespmem:v42+s28+$0x0] =	vst.idx.msk $0xffff, v33  }
0xc4: {  	v43 =	vor.u32 s24, v14;
	v33 =	vld [tilespmem:s8+$0xFFFFFFD0];
	_ =	sdelay $0x4  }
0xc5: {  	[tilespmem:v43+s28+$0x0] =	vst.idx.msk $0xffff, v33  }
0xc6: {  	v44 =	vor.u32 s24, v15;
	v33 =	vld [tilespmem:s8+$0xFFFFFFE0];
	_ =	sdelay $0x4  }
0xc7: {  	[tilespmem:v44+s28+$0x0] =	vst.idx.msk $0xffff, v33  }
0xc8: {  	v45 =	vor.u32 s24, v16;
	v33 =	vld [tilespmem:s8+$0xFFFFFFF0];
	_ =	sdelay $0x4  }
0xc9: {  	[tilespmem:v45+s28+$0x0] =	vst.idx.msk $0xffff, v33  }
0xca: {  	v46 =	vor.u32 s24, v17;
	v33 =	vld [tilespmem:s8+$0x0];
	_ =	sdelay $0x4  }
0xcb: {  	[tilespmem:v46+s28+$0x0] =	vst.idx.msk $0xffff, v33  }
0xcc: {  	v47 =	vor.u32 s24, v18;
	v33 =	vld [tilespmem:s8+$0x10];
	_ =	sdelay $0x4  }
0xcd: {  	[tilespmem:v47+s28+$0x0] =	vst.idx.msk $0xffff, v33  }
0xce: {  	v48 =	vor.u32 s24, v19;
	v33 =	vld [tilespmem:s8+$0x20];
	_ =	sdelay $0x4  }
0xcf: {  	[tilespmem:v48+s28+$0x0] =	vst.idx.msk $0xffff, v33  }
0xd0: {  	v49 =	vor.u32 s24, v20;
	v33 =	vld [tilespmem:s8+$0x30];
	_ =	sdelay $0x4  }
0xd1: {  	[tilespmem:v49+s28+$0x0] =	vst.idx.msk $0xffff, v33  }
0xd2: {  	v50 =	vor.u32 s24, v21;
	v33 =	vld [tilespmem:s8+$0x40];
	_ =	sdelay $0x4  }
0xd3: {  	[tilespmem:v50+s28+$0x0] =	vst.idx.msk $0xffff, v33  }
0xd4: {  	v51 =	vor.u32 s24, v22;
	v33 =	vld [tilespmem:s8+$0x50];
	_ =	sdelay $0x4  }
0xd5: {  	[tilespmem:v51+s28+$0x0] =	vst.idx.msk $0xffff, v33  }
0xd6: {  	v52 =	vor.u32 s24, v23;
	v33 =	vld [tilespmem:s8+$0x60];
	_ =	sdelay $0x4  }
0xd7: {  	[tilespmem:v52+s28+$0x0] =	vst.idx.msk $0xffff, v33  }
0xd8: {  	v53 =	vor.u32 s24, v24;
	v33 =	vld [tilespmem:s8+$0x70];
	_ =	sdelay $0x4  }
0xd9: {  	[tilespmem:v53+s28+$0x0] =	vst.idx.msk $0xffff, v33  }
0xda: {  	v54 =	vor.u32 s24, v25;
	v33 =	vld [tilespmem:s8+$0x80];
	_ =	sdelay $0x4  }
0xdb: {  	[tilespmem:v54+s28+$0x0] =	vst.idx.msk $0xffff, v33  }
0xdc: {  	v55 =	vor.u32 s24, v26;
	v33 =	vld [tilespmem:s8+$0x90];
	_ =	sdelay $0x4  }
0xdd: {  	[tilespmem:v55+s28+$0x0] =	vst.idx.msk $0xffff, v33  }
0xde: {  	v56 =	vor.u32 s24, v27;
	v33 =	vld [tilespmem:s8+$0xA0];
	_ =	sdelay $0x4  }
0xdf: {  	[tilespmem:v56+s28+$0x0] =	vst.idx.msk $0xffff, v33  }
0xe0: {  	v57 =	vor.u32 s24, v28;
	v33 =	vld [tilespmem:s8+$0xB0];
	_ =	sdelay $0x4  }
0xe1: {  	[tilespmem:v57+s28+$0x0] =	vst.idx.msk $0xffff, v33  }
0xe2: {  	v58 =	vor.u32 s24, v29;
	v33 =	vld [tilespmem:s8+$0xC0];
	_ =	sdelay $0x4  }
0xe3: {  	[tilespmem:v58+s28+$0x0] =	vst.idx.msk $0xffff, v33  }
0xe4: {  	v59 =	vor.u32 s24, v30;
	v33 =	vld [tilespmem:s8+$0xD0];
	_ =	sdelay $0x4  }
0xe5: {  	[tilespmem:v59+s28+$0x0] =	vst.idx.msk $0xffff, v33  }
0xe6: {  	v60 =	vor.u32 s24, v31;
	v33 =	vld [tilespmem:s8+$0xE0];
	_ =	sdelay $0x4  }
0xe7: {  	[tilespmem:v60+s28+$0x0] =	vst.idx.msk $0xffff, v33  }
0xe8: {  	v61 =	vor.u32 s24, v32;
	v33 =	vld [tilespmem:s8+$0xF0];
	_ =	sdelay $0x2  }
0xe9: {  	s25 =	sadd.s32 s4, s6  }
0xea: {  	s24 =	sadd.s32 s6, s10;
	s8 =	sshrl.u32 s25, $0x3;
	s25 =	simm.s32 $0x0  }
0xeb: {  	s24 =	smul.u32 $0x7, s24;
	s8 =	sadd.s32 s7, s8;
	v62 =	vmov s25;
	[tilespmem:v61+s28+$0x0] =	vst.idx.msk $0xffff, v33  }
0xec: {  	v33 =	vand.u32 $0x3F, v62;
	[hbm4b:s8+s29] =	stream.strided.scatter [tilespmem:s28], [sflag:$0x4], $0x6400, s30, s29, $0x38;
	[tilespmem:$0x1A3E0] =	vst v63  }
0xed: {  	s24 =	sadd.s32 s2, s24;
	v33 =	vadd.s32 v1, v33  }
0xee: {  	[tilespmem:s25], [sflag:$0x5] =	stream.linear.gather [hbm4b:s24+s25], $0x380, $0x38;
	[tilespmem:$0x1A3E0] =	vst v63  }
0xef: {  	_ =	swait.ge [sflag:s16], $0x380  }
0xf0: {  	s24 =	simm.s32 $0x1;
	[sflag:s16] =	ssyncset.done $0x0  }
0xf1: {  	v63 =	vmov s24;
	[sflag:s16] =	ssyncadd.s32 $0xFFFFFC80  }
0xf2: {  	v34 =	vand.u32 $0x3F, v63;
	v33 =	vld.idx.msk [tilespmem:v33+s3+$0x0], $0xffff  }
0xf3: {  	v35 =	vadd.s32 v1, v34;
	_ =	sdelay $0x2  }
0xf4: {  	s8 =	simm.s32 $0xA80  }
0xf5: {  	s25 =	simm.s32 $0x2;
	[tilespmem:s8+$0x0] =	vst v33  }
0xf6: {  	s24 =	simm.s32 $0x3;
	v34 =	vmov s25;
	v33 =	vld.idx.msk [tilespmem:v35+s3+$0x0], $0xffff  }
.LBB2_11:
0xf7: {  	p0 =	sne.s32 s24, $0x31;
	v34 =	vand.u32 $0x3F, v34  }
0xf8: {  	v35 =	vadd.s32 v1, v34  }
.Ltmp4:
0xf9: {  	(pc) =	sbr.rel @p0 .LBB2_11-.Ltmp4, $4  }
0xfa: {  	_ = 	snop  }
0xfb: {  	s8 =	sadd.s32 $0x10, s8  }
0xfc: {  	[tilespmem:s8+$0x0] =	vst v33  }
0xfd: {  	v34 =	vmov s24;
	s24 =	sadd.s32 $0x1, s24;
	v33 =	vld.idx.msk [tilespmem:v35+s3+$0x0], $0xffff  }
0xfe: {  	v34 =	vand.u32 $0x3F, v34  }
0xff: {  	v34 =	vadd.s32 v1, v34;
	_ =	sdelay $0x2  }
0x100: {  	s8 =	sadd.s32 $0x10, s8  }
0x101: {  	[tilespmem:s8+$0x0] =	vst v33  }
0x102: {  	v33 =	vld.idx.msk [tilespmem:v34+s3+$0x0], $0xffff;
	_ =	sdelay $0x3  }
0x103: {  	s8 =	sadd.s32 $0x10, s8  }
0x104: {  	[tilespmem:s8+$0x0] =	vst v33  }
0x105: {  	[tilespmem:s19], [sflag:$0x1] =	stream.indirect.gather [hbm4b:s5+s17], $0x20, s18, s17, $0xb8;
	[tilespmem:$0x1A3E0] =	vst v63  }
0x106: {  	_ =	swait.ge [sflag:s31], $0x6400  }
0x107: {  	[sflag:s31] =	ssyncset.done $0x0  }
0x108: {  	[sflag:s31] =	ssyncadd.s32 $0xFFFF9C00  }
0x109: {  	_ =	swait.ge [sflag:s1], $0x6400  }
0x10a: {  	s24 =	simm.s32 $0x0;
	[sflag:s1] =	ssyncset.done $0x0  }
0x10b: {  	s25 =	simm.s32 $0x1;
	s8 =	simm.s32 $0x78E0;
	[sflag:s1] =	ssyncadd.s32 $0xFFFF9C00  }
.LBB2_13:
0x10c: {  	p0 =	sne.s32 s25, $0x31;
	v33 =	vld [tilespmem:s8+$0xFFFFFF00];
	v34 =	vor.u32 s24, v0;
	_ =	sdelay $0x4  }
0x10d: {  	[tilespmem:v34+s28+$0x0] =	vst.idx.msk $0xffff, v33  }
0x10e: {  	v34 =	vor.u32 s24, v2;
	v33 =	vld [tilespmem:s8+$0xFFFFFF10];
	_ =	sdelay $0x4  }
0x10f: {  	[tilespmem:v34+s28+$0x0] =	vst.idx.msk $0xffff, v33  }
0x110: {  	v34 =	vor.u32 s24, v3;
	v33 =	vld [tilespmem:s8+$0xFFFFFF20];
	_ =	sdelay $0x4  }
0x111: {  	[tilespmem:v34+s28+$0x0] =	vst.idx.msk $0xffff, v33  }
0x112: {  	v34 =	vor.u32 s24, v4;
	v33 =	vld [tilespmem:s8+$0xFFFFFF30];
	_ =	sdelay $0x4  }
0x113: {  	[tilespmem:v34+s28+$0x0] =	vst.idx.msk $0xffff, v33  }
0x114: {  	v34 =	vor.u32 s24, v5;
	v33 =	vld [tilespmem:s8+$0xFFFFFF40];
	_ =	sdelay $0x4  }
0x115: {  	[tilespmem:v34+s28+$0x0] =	vst.idx.msk $0xffff, v33  }
0x116: {  	v34 =	vor.u32 s24, v6;
	v33 =	vld [tilespmem:s8+$0xFFFFFF50];
	_ =	sdelay $0x4  }
0x117: {  	[tilespmem:v34+s28+$0x0] =	vst.idx.msk $0xffff, v33  }
0x118: {  	v34 =	vor.u32 s24, v7;
	v33 =	vld [tilespmem:s8+$0xFFFFFF60];
	_ =	sdelay $0x4  }
0x119: {  	[tilespmem:v34+s28+$0x0] =	vst.idx.msk $0xffff, v33  }
0x11a: {  	v34 =	vor.u32 s24, v8;
	v33 =	vld [tilespmem:s8+$0xFFFFFF70];
	_ =	sdelay $0x4  }
0x11b: {  	[tilespmem:v34+s28+$0x0] =	vst.idx.msk $0xffff, v33  }
0x11c: {  	v34 =	vor.u32 s24, v9;
	v33 =	vld [tilespmem:s8+$0xFFFFFF80];
	_ =	sdelay $0x4  }
0x11d: {  	[tilespmem:v34+s28+$0x0] =	vst.idx.msk $0xffff, v33  }
0x11e: {  	v34 =	vor.u32 s24, v10;
	v33 =	vld [tilespmem:s8+$0xFFFFFF90];
	_ =	sdelay $0x4  }
0x11f: {  	[tilespmem:v34+s28+$0x0] =	vst.idx.msk $0xffff, v33  }
0x120: {  	v34 =	vor.u32 s24, v11;
	v33 =	vld [tilespmem:s8+$0xFFFFFFA0];
	_ =	sdelay $0x4  }
0x121: {  	[tilespmem:v34+s28+$0x0] =	vst.idx.msk $0xffff, v33  }
0x122: {  	v34 =	vor.u32 s24, v12;
	v33 =	vld [tilespmem:s8+$0xFFFFFFB0];
	_ =	sdelay $0x4  }
0x123: {  	[tilespmem:v34+s28+$0x0] =	vst.idx.msk $0xffff, v33  }
0x124: {  	v34 =	vor.u32 s24, v13;
	v33 =	vld [tilespmem:s8+$0xFFFFFFC0];
	_ =	sdelay $0x4  }
0x125: {  	[tilespmem:v34+s28+$0x0] =	vst.idx.msk $0xffff, v33  }
0x126: {  	v34 =	vor.u32 s24, v14;
	v33 =	vld [tilespmem:s8+$0xFFFFFFD0];
	_ =	sdelay $0x4  }
0x127: {  	[tilespmem:v34+s28+$0x0] =	vst.idx.msk $0xffff, v33  }
0x128: {  	v34 =	vor.u32 s24, v15;
	v33 =	vld [tilespmem:s8+$0xFFFFFFE0];
	_ =	sdelay $0x4  }
0x129: {  	[tilespmem:v34+s28+$0x0] =	vst.idx.msk $0xffff, v33  }
0x12a: {  	v34 =	vor.u32 s24, v16;
	v33 =	vld [tilespmem:s8+$0xFFFFFFF0];
	_ =	sdelay $0x4  }
0x12b: {  	[tilespmem:v34+s28+$0x0] =	vst.idx.msk $0xffff, v33  }
0x12c: {  	v34 =	vor.u32 s24, v17;
	v33 =	vld [tilespmem:s8+$0x0];
	_ =	sdelay $0x4  }
0x12d: {  	[tilespmem:v34+s28+$0x0] =	vst.idx.msk $0xffff, v33  }
0x12e: {  	v34 =	vor.u32 s24, v18;
	v33 =	vld [tilespmem:s8+$0x10];
	_ =	sdelay $0x4  }
0x12f: {  	[tilespmem:v34+s28+$0x0] =	vst.idx.msk $0xffff, v33  }
0x130: {  	v34 =	vor.u32 s24, v19;
	v33 =	vld [tilespmem:s8+$0x20];
	_ =	sdelay $0x4  }
0x131: {  	[tilespmem:v34+s28+$0x0] =	vst.idx.msk $0xffff, v33  }
0x132: {  	v34 =	vor.u32 s24, v20;
	v33 =	vld [tilespmem:s8+$0x30];
	_ =	sdelay $0x4  }
0x133: {  	[tilespmem:v34+s28+$0x0] =	vst.idx.msk $0xffff, v33  }
0x134: {  	v34 =	vor.u32 s24, v21;
	v33 =	vld [tilespmem:s8+$0x40];
	_ =	sdelay $0x4  }
0x135: {  	[tilespmem:v34+s28+$0x0] =	vst.idx.msk $0xffff, v33  }
0x136: {  	v34 =	vor.u32 s24, v22;
	v33 =	vld [tilespmem:s8+$0x50];
	_ =	sdelay $0x4  }
0x137: {  	[tilespmem:v34+s28+$0x0] =	vst.idx.msk $0xffff, v33  }
0x138: {  	v34 =	vor.u32 s24, v23;
	v33 =	vld [tilespmem:s8+$0x60];
	_ =	sdelay $0x4  }
0x139: {  	[tilespmem:v34+s28+$0x0] =	vst.idx.msk $0xffff, v33  }
0x13a: {  	v34 =	vor.u32 s24, v24;
	v33 =	vld [tilespmem:s8+$0x70];
	_ =	sdelay $0x4  }
0x13b: {  	[tilespmem:v34+s28+$0x0] =	vst.idx.msk $0xffff, v33  }
0x13c: {  	v34 =	vor.u32 s24, v25;
	v33 =	vld [tilespmem:s8+$0x80];
	_ =	sdelay $0x4  }
0x13d: {  	[tilespmem:v34+s28+$0x0] =	vst.idx.msk $0xffff, v33  }
0x13e: {  	v34 =	vor.u32 s24, v26;
	v33 =	vld [tilespmem:s8+$0x90];
	_ =	sdelay $0x4  }
0x13f: {  	[tilespmem:v34+s28+$0x0] =	vst.idx.msk $0xffff, v33  }
0x140: {  	v34 =	vor.u32 s24, v27;
	v33 =	vld [tilespmem:s8+$0xA0];
	_ =	sdelay $0x4  }
0x141: {  	[tilespmem:v34+s28+$0x0] =	vst.idx.msk $0xffff, v33  }
0x142: {  	v34 =	vor.u32 s24, v28;
	v33 =	vld [tilespmem:s8+$0xB0];
	_ =	sdelay $0x4  }
0x143: {  	[tilespmem:v34+s28+$0x0] =	vst.idx.msk $0xffff, v33  }
0x144: {  	v34 =	vor.u32 s24, v29;
	v33 =	vld [tilespmem:s8+$0xC0];
	_ =	sdelay $0x4  }
0x145: {  	[tilespmem:v34+s28+$0x0] =	vst.idx.msk $0xffff, v33  }
0x146: {  	v34 =	vor.u32 s24, v30;
	v33 =	vld [tilespmem:s8+$0xD0];
	_ =	sdelay $0x4  }
0x147: {  	[tilespmem:v34+s28+$0x0] =	vst.idx.msk $0xffff, v33  }
0x148: {  	v34 =	vor.u32 s24, v31;
	v33 =	vld [tilespmem:s8+$0xE0];
	_ =	sdelay $0x4  }
0x149: {  	[tilespmem:v34+s28+$0x0] =	vst.idx.msk $0xffff, v33  }
0x14a: {  	v34 =	vor.u32 s24, v32;
	v33 =	vld [tilespmem:s8+$0xF0]  }
.Ltmp5:
0x14b: {  	(pc) =	sbr.rel @p0 .LBB2_13-.Ltmp5, $2  }
0x14c: {  	_ =	sdelay $0x2  }
0x14d: {  	s24 =	sshll.u32 s25, $0x9;
	s25 =	sadd.s32 $0x1, s25;
	s8 =	sadd.s32 $0x200, s8;
	[tilespmem:v34+s28+$0x0] =	vst.idx.msk $0xffff, v33  }
0x14e: {  	v33 =	vld [tilespmem:s8+$0xFFFFFF00];
	v34 =	vor.u32 s24, v0;
	_ =	sdelay $0x4  }
0x14f: {  	[tilespmem:v34+s28+$0x0] =	vst.idx.msk $0xffff, v33  }
0x150: {  	v59 =	vor.u32 s24, v2;
	v33 =	vld [tilespmem:s8+$0xFFFFFF10];
	_ =	sdelay $0x4  }
0x151: {  	[tilespmem:v59+s28+$0x0] =	vst.idx.msk $0xffff, v33  }
0x152: {  	v60 =	vor.u32 s24, v3;
	v33 =	vld [tilespmem:s8+$0xFFFFFF20];
	_ =	sdelay $0x4  }
0x153: {  	[tilespmem:v60+s28+$0x0] =	vst.idx.msk $0xffff, v33  }
0x154: {  	v61 =	vor.u32 s24, v4;
	v33 =	vld [tilespmem:s8+$0xFFFFFF30];
	_ =	sdelay $0x4  }
0x155: {  	[tilespmem:v61+s28+$0x0] =	vst.idx.msk $0xffff, v33  }
0x156: {  	v62 =	vor.u32 s24, v5;
	v33 =	vld [tilespmem:s8+$0xFFFFFF40];
	_ =	sdelay $0x4  }
0x157: {  	[tilespmem:v62+s28+$0x0] =	vst.idx.msk $0xffff, v33  }
0x158: {  	v63 =	vor.u32 s24, v6;
	v33 =	vld [tilespmem:s8+$0xFFFFFF50];
	_ =	sdelay $0x4  }
0x159: {  	[tilespmem:v63+s28+$0x0] =	vst.idx.msk $0xffff, v33  }
0x15a: {  	v36 =	vor.u32 s24, v7;
	v33 =	vld [tilespmem:s8+$0xFFFFFF60];
	_ =	sdelay $0x4  }
0x15b: {  	[tilespmem:v36+s28+$0x0] =	vst.idx.msk $0xffff, v33  }
0x15c: {  	v37 =	vor.u32 s24, v8;
	v33 =	vld [tilespmem:s8+$0xFFFFFF70];
	_ =	sdelay $0x4  }
0x15d: {  	[tilespmem:v37+s28+$0x0] =	vst.idx.msk $0xffff, v33  }
0x15e: {  	v38 =	vor.u32 s24, v9;
	v33 =	vld [tilespmem:s8+$0xFFFFFF80];
	_ =	sdelay $0x4  }
0x15f: {  	[tilespmem:v38+s28+$0x0] =	vst.idx.msk $0xffff, v33  }
0x160: {  	v39 =	vor.u32 s24, v10;
	v33 =	vld [tilespmem:s8+$0xFFFFFF90];
	_ =	sdelay $0x4  }
0x161: {  	[tilespmem:v39+s28+$0x0] =	vst.idx.msk $0xffff, v33  }
0x162: {  	v40 =	vor.u32 s24, v11;
	v33 =	vld [tilespmem:s8+$0xFFFFFFA0];
	_ =	sdelay $0x4  }
0x163: {  	[tilespmem:v40+s28+$0x0] =	vst.idx.msk $0xffff, v33  }
0x164: {  	v41 =	vor.u32 s24, v12;
	v33 =	vld [tilespmem:s8+$0xFFFFFFB0];
	_ =	sdelay $0x4  }
0x165: {  	[tilespmem:v41+s28+$0x0] =	vst.idx.msk $0xffff, v33  }
0x166: {  	v42 =	vor.u32 s24, v13;
	v33 =	vld [tilespmem:s8+$0xFFFFFFC0];
	_ =	sdelay $0x4  }
0x167: {  	[tilespmem:v42+s28+$0x0] =	vst.idx.msk $0xffff, v33  }
0x168: {  	v43 =	vor.u32 s24, v14;
	v33 =	vld [tilespmem:s8+$0xFFFFFFD0];
	_ =	sdelay $0x4  }
0x169: {  	[tilespmem:v43+s28+$0x0] =	vst.idx.msk $0xffff, v33  }
0x16a: {  	v44 =	vor.u32 s24, v15;
	v33 =	vld [tilespmem:s8+$0xFFFFFFE0];
	_ =	sdelay $0x4  }
0x16b: {  	[tilespmem:v44+s28+$0x0] =	vst.idx.msk $0xffff, v33  }
0x16c: {  	v45 =	vor.u32 s24, v16;
	v33 =	vld [tilespmem:s8+$0xFFFFFFF0];
	_ =	sdelay $0x4  }
0x16d: {  	[tilespmem:v45+s28+$0x0] =	vst.idx.msk $0xffff, v33  }
0x16e: {  	v46 =	vor.u32 s24, v17;
	v33 =	vld [tilespmem:s8+$0x0];
	_ =	sdelay $0x4  }
0x16f: {  	[tilespmem:v46+s28+$0x0] =	vst.idx.msk $0xffff, v33  }
0x170: {  	v47 =	vor.u32 s24, v18;
	v33 =	vld [tilespmem:s8+$0x10];
	_ =	sdelay $0x4  }
0x171: {  	[tilespmem:v47+s28+$0x0] =	vst.idx.msk $0xffff, v33  }
0x172: {  	v48 =	vor.u32 s24, v19;
	v33 =	vld [tilespmem:s8+$0x20];
	_ =	sdelay $0x4  }
0x173: {  	[tilespmem:v48+s28+$0x0] =	vst.idx.msk $0xffff, v33  }
0x174: {  	v49 =	vor.u32 s24, v20;
	v33 =	vld [tilespmem:s8+$0x30];
	_ =	sdelay $0x4  }
0x175: {  	[tilespmem:v49+s28+$0x0] =	vst.idx.msk $0xffff, v33  }
0x176: {  	v50 =	vor.u32 s24, v21;
	v33 =	vld [tilespmem:s8+$0x40];
	_ =	sdelay $0x4  }
0x177: {  	[tilespmem:v50+s28+$0x0] =	vst.idx.msk $0xffff, v33  }
0x178: {  	v51 =	vor.u32 s24, v22;
	v33 =	vld [tilespmem:s8+$0x50];
	_ =	sdelay $0x4  }
0x179: {  	[tilespmem:v51+s28+$0x0] =	vst.idx.msk $0xffff, v33  }
0x17a: {  	v52 =	vor.u32 s24, v23;
	v33 =	vld [tilespmem:s8+$0x60];
	_ =	sdelay $0x4  }
0x17b: {  	[tilespmem:v52+s28+$0x0] =	vst.idx.msk $0xffff, v33  }
0x17c: {  	v53 =	vor.u32 s24, v24;
	v33 =	vld [tilespmem:s8+$0x70];
	_ =	sdelay $0x4  }
0x17d: {  	[tilespmem:v53+s28+$0x0] =	vst.idx.msk $0xffff, v33  }
0x17e: {  	v54 =	vor.u32 s24, v25;
	v33 =	vld [tilespmem:s8+$0x80];
	_ =	sdelay $0x4  }
0x17f: {  	[tilespmem:v54+s28+$0x0] =	vst.idx.msk $0xffff, v33  }
0x180: {  	v55 =	vor.u32 s24, v26;
	v33 =	vld [tilespmem:s8+$0x90];
	_ =	sdelay $0x4  }
0x181: {  	[tilespmem:v55+s28+$0x0] =	vst.idx.msk $0xffff, v33  }
0x182: {  	v56 =	vor.u32 s24, v27;
	v33 =	vld [tilespmem:s8+$0xA0];
	_ =	sdelay $0x4  }
0x183: {  	[tilespmem:v56+s28+$0x0] =	vst.idx.msk $0xffff, v33  }
0x184: {  	v57 =	vor.u32 s24, v28;
	v33 =	vld [tilespmem:s8+$0xB0];
	_ =	sdelay $0x4  }
0x185: {  	[tilespmem:v57+s28+$0x0] =	vst.idx.msk $0xffff, v33  }
0x186: {  	v58 =	vor.u32 s24, v29;
	v33 =	vld [tilespmem:s8+$0xC0];
	_ =	sdelay $0x4  }
0x187: {  	[tilespmem:v58+s28+$0x0] =	vst.idx.msk $0xffff, v33  }
0x188: {  	v59 =	vor.u32 s24, v30;
	v33 =	vld [tilespmem:s8+$0xD0];
	_ =	sdelay $0x4  }
0x189: {  	[tilespmem:v59+s28+$0x0] =	vst.idx.msk $0xffff, v33  }
0x18a: {  	v60 =	vor.u32 s24, v31;
	v33 =	vld [tilespmem:s8+$0xE0];
	_ =	sdelay $0x4  }
0x18b: {  	[tilespmem:v60+s28+$0x0] =	vst.idx.msk $0xffff, v33  }
0x18c: {  	v61 =	vor.u32 s24, v32;
	v33 =	vld [tilespmem:s8+$0xF0];
	_ =	sdelay $0x2  }
0x18d: {  	s25 =	sadd.s32 s6, s11  }
0x18e: {  	s24 =	sadd.s32 s6, s12;
	s8 =	sshrl.u32 s25, $0x3;
	s25 =	simm.s32 $0x0  }
0x18f: {  	s6 =	smul.u32 $0x7, s24;
	s8 =	sadd.s32 s7, s8;
	v62 =	vmov s25;
	[tilespmem:v61+s28+$0x0] =	vst.idx.msk $0xffff, v33  }
0x190: {  	v33 =	vand.u32 $0x3F, v62;
	[hbm4b:s8+s29] =	stream.strided.scatter [tilespmem:s28], [sflag:$0x4], $0x6400, s30, s29, $0x38;
	[tilespmem:$0x1A3E0] =	vst v63  }
0x191: {  	s6 =	sadd.s32 s2, s6;
	v33 =	vadd.s32 v1, v33  }
0x192: {  	[tilespmem:s20], [sflag:$0x5] =	stream.linear.gather [hbm4b:s6+s25], $0x380, $0x38;
	[tilespmem:$0x1A3E0] =	vst v63  }
0x193: {  	_ =	swait.ge [sflag:s16], $0x380  }
0x194: {  	s24 =	simm.s32 $0x1;
	[sflag:s16] =	ssyncset.done $0x0  }
0x195: {  	v63 =	vmov s24;
	[sflag:s16] =	ssyncadd.s32 $0xFFFFFC80  }
0x196: {  	v34 =	vand.u32 $0x3F, v63;
	v33 =	vld.idx.msk [tilespmem:v33+s20+$0x0], $0xffff  }
0x197: {  	v35 =	vadd.s32 v1, v34;
	_ =	sdelay $0x2  }
0x198: {  	s6 =	simm.s32 $0xDA0  }
0x199: {  	s25 =	simm.s32 $0x2;
	[tilespmem:s6+$0x0] =	vst v33  }
0x19a: {  	s8 =	simm.s32 $0x3;
	v34 =	vmov s25;
	v33 =	vld.idx.msk [tilespmem:v35+s20+$0x0], $0xffff  }
.LBB2_15:
0x19b: {  	p0 =	sne.s32 s8, $0x31;
	v34 =	vand.u32 $0x3F, v34  }
0x19c: {  	v35 =	vadd.s32 v1, v34  }
.Ltmp6:
0x19d: {  	(pc) =	sbr.rel @p0 .LBB2_15-.Ltmp6, $4  }
0x19e: {  	_ = 	snop  }
0x19f: {  	s6 =	sadd.s32 $0x10, s6  }
0x1a0: {  	[tilespmem:s6+$0x0] =	vst v33  }
0x1a1: {  	v34 =	vmov s8;
	s8 =	sadd.s32 $0x1, s8;
	v33 =	vld.idx.msk [tilespmem:v35+s20+$0x0], $0xffff  }
0x1a2: {  	v34 =	vand.u32 $0x3F, v34  }
0x1a3: {  	v34 =	vadd.s32 v1, v34;
	_ =	sdelay $0x2  }
0x1a4: {  	s6 =	sadd.s32 $0x10, s6  }
0x1a5: {  	[tilespmem:s6+$0x0] =	vst v33  }
0x1a6: {  	v33 =	vld.idx.msk [tilespmem:v34+s20+$0x0], $0xffff;
	_ =	sdelay $0x3  }
0x1a7: {  	s6 =	sadd.s32 $0x10, s6  }
0x1a8: {  	[tilespmem:s6+$0x0] =	vst v33  }
0x1a9: {  	[tilespmem:s22], [sflag:$0x2] =	stream.indirect.gather [hbm4b:s5+s17], $0x20, s21, s17, $0xb8;
	[tilespmem:$0x1A3E0] =	vst v63  }
0x1aa: {  	_ =	swait.ge [sflag:s0], $0x6400  }
0x1ab: {  	[sflag:s0] =	ssyncset.done $0x0  }
0x1ac: {  	[sflag:s0] =	ssyncadd.s32 $0xFFFF9C00  }
0x1ad: {  	_ =	swait.ge [sflag:s1], $0x6400  }
0x1ae: {  	s8 =	simm.s32 $0x0;
	[sflag:s1] =	ssyncset.done $0x0  }
0x1af: {  	s24 =	simm.s32 $0x1;
	s6 =	simm.s32 $0xDCE0;
	[sflag:s1] =	ssyncadd.s32 $0xFFFF9C00  }
.LBB2_17:
0x1b0: {  	p0 =	sne.s32 s24, $0x31;
	v33 =	vld [tilespmem:s6+$0xFFFFFF00];
	v34 =	vor.u32 s8, v0;
	_ =	sdelay $0x4  }
0x1b1: {  	[tilespmem:v34+s28+$0x0] =	vst.idx.msk $0xffff, v33  }
0x1b2: {  	v34 =	vor.u32 s8, v2;
	v33 =	vld [tilespmem:s6+$0xFFFFFF10];
	_ =	sdelay $0x4  }
0x1b3: {  	[tilespmem:v34+s28+$0x0] =	vst.idx.msk $0xffff, v33  }
0x1b4: {  	v34 =	vor.u32 s8, v3;
	v33 =	vld [tilespmem:s6+$0xFFFFFF20];
	_ =	sdelay $0x4  }
0x1b5: {  	[tilespmem:v34+s28+$0x0] =	vst.idx.msk $0xffff, v33  }
0x1b6: {  	v34 =	vor.u32 s8, v4;
	v33 =	vld [tilespmem:s6+$0xFFFFFF30];
	_ =	sdelay $0x4  }
0x1b7: {  	[tilespmem:v34+s28+$0x0] =	vst.idx.msk $0xffff, v33  }
0x1b8: {  	v34 =	vor.u32 s8, v5;
	v33 =	vld [tilespmem:s6+$0xFFFFFF40];
	_ =	sdelay $0x4  }
0x1b9: {  	[tilespmem:v34+s28+$0x0] =	vst.idx.msk $0xffff, v33  }
0x1ba: {  	v34 =	vor.u32 s8, v6;
	v33 =	vld [tilespmem:s6+$0xFFFFFF50];
	_ =	sdelay $0x4  }
0x1bb: {  	[tilespmem:v34+s28+$0x0] =	vst.idx.msk $0xffff, v33  }
0x1bc: {  	v34 =	vor.u32 s8, v7;
	v33 =	vld [tilespmem:s6+$0xFFFFFF60];
	_ =	sdelay $0x4  }
0x1bd: {  	[tilespmem:v34+s28+$0x0] =	vst.idx.msk $0xffff, v33  }
0x1be: {  	v34 =	vor.u32 s8, v8;
	v33 =	vld [tilespmem:s6+$0xFFFFFF70];
	_ =	sdelay $0x4  }
0x1bf: {  	[tilespmem:v34+s28+$0x0] =	vst.idx.msk $0xffff, v33  }
0x1c0: {  	v34 =	vor.u32 s8, v9;
	v33 =	vld [tilespmem:s6+$0xFFFFFF80];
	_ =	sdelay $0x4  }
0x1c1: {  	[tilespmem:v34+s28+$0x0] =	vst.idx.msk $0xffff, v33  }
0x1c2: {  	v34 =	vor.u32 s8, v10;
	v33 =	vld [tilespmem:s6+$0xFFFFFF90];
	_ =	sdelay $0x4  }
0x1c3: {  	[tilespmem:v34+s28+$0x0] =	vst.idx.msk $0xffff, v33  }
0x1c4: {  	v34 =	vor.u32 s8, v11;
	v33 =	vld [tilespmem:s6+$0xFFFFFFA0];
	_ =	sdelay $0x4  }
0x1c5: {  	[tilespmem:v34+s28+$0x0] =	vst.idx.msk $0xffff, v33  }
0x1c6: {  	v34 =	vor.u32 s8, v12;
	v33 =	vld [tilespmem:s6+$0xFFFFFFB0];
	_ =	sdelay $0x4  }
0x1c7: {  	[tilespmem:v34+s28+$0x0] =	vst.idx.msk $0xffff, v33  }
0x1c8: {  	v34 =	vor.u32 s8, v13;
	v33 =	vld [tilespmem:s6+$0xFFFFFFC0];
	_ =	sdelay $0x4  }
0x1c9: {  	[tilespmem:v34+s28+$0x0] =	vst.idx.msk $0xffff, v33  }
0x1ca: {  	v34 =	vor.u32 s8, v14;
	v33 =	vld [tilespmem:s6+$0xFFFFFFD0];
	_ =	sdelay $0x4  }
0x1cb: {  	[tilespmem:v34+s28+$0x0] =	vst.idx.msk $0xffff, v33  }
0x1cc: {  	v34 =	vor.u32 s8, v15;
	v33 =	vld [tilespmem:s6+$0xFFFFFFE0];
	_ =	sdelay $0x4  }
0x1cd: {  	[tilespmem:v34+s28+$0x0] =	vst.idx.msk $0xffff, v33  }
0x1ce: {  	v34 =	vor.u32 s8, v16;
	v33 =	vld [tilespmem:s6+$0xFFFFFFF0];
	_ =	sdelay $0x4  }
0x1cf: {  	[tilespmem:v34+s28+$0x0] =	vst.idx.msk $0xffff, v33  }
0x1d0: {  	v34 =	vor.u32 s8, v17;
	v33 =	vld [tilespmem:s6+$0x0];
	_ =	sdelay $0x4  }
0x1d1: {  	[tilespmem:v34+s28+$0x0] =	vst.idx.msk $0xffff, v33  }
0x1d2: {  	v34 =	vor.u32 s8, v18;
	v33 =	vld [tilespmem:s6+$0x10];
	_ =	sdelay $0x4  }
0x1d3: {  	[tilespmem:v34+s28+$0x0] =	vst.idx.msk $0xffff, v33  }
0x1d4: {  	v34 =	vor.u32 s8, v19;
	v33 =	vld [tilespmem:s6+$0x20];
	_ =	sdelay $0x4  }
0x1d5: {  	[tilespmem:v34+s28+$0x0] =	vst.idx.msk $0xffff, v33  }
0x1d6: {  	v34 =	vor.u32 s8, v20;
	v33 =	vld [tilespmem:s6+$0x30];
	_ =	sdelay $0x4  }
0x1d7: {  	[tilespmem:v34+s28+$0x0] =	vst.idx.msk $0xffff, v33  }
0x1d8: {  	v34 =	vor.u32 s8, v21;
	v33 =	vld [tilespmem:s6+$0x40];
	_ =	sdelay $0x4  }
0x1d9: {  	[tilespmem:v34+s28+$0x0] =	vst.idx.msk $0xffff, v33  }
0x1da: {  	v34 =	vor.u32 s8, v22;
	v33 =	vld [tilespmem:s6+$0x50];
	_ =	sdelay $0x4  }
0x1db: {  	[tilespmem:v34+s28+$0x0] =	vst.idx.msk $0xffff, v33  }
0x1dc: {  	v34 =	vor.u32 s8, v23;
	v33 =	vld [tilespmem:s6+$0x60];
	_ =	sdelay $0x4  }
0x1dd: {  	[tilespmem:v34+s28+$0x0] =	vst.idx.msk $0xffff, v33  }
0x1de: {  	v34 =	vor.u32 s8, v24;
	v33 =	vld [tilespmem:s6+$0x70];
	_ =	sdelay $0x4  }
0x1df: {  	[tilespmem:v34+s28+$0x0] =	vst.idx.msk $0xffff, v33  }
0x1e0: {  	v34 =	vor.u32 s8, v25;
	v33 =	vld [tilespmem:s6+$0x80];
	_ =	sdelay $0x4  }
0x1e1: {  	[tilespmem:v34+s28+$0x0] =	vst.idx.msk $0xffff, v33  }
0x1e2: {  	v34 =	vor.u32 s8, v26;
	v33 =	vld [tilespmem:s6+$0x90];
	_ =	sdelay $0x4  }
0x1e3: {  	[tilespmem:v34+s28+$0x0] =	vst.idx.msk $0xffff, v33  }
0x1e4: {  	v34 =	vor.u32 s8, v27;
	v33 =	vld [tilespmem:s6+$0xA0];
	_ =	sdelay $0x4  }
0x1e5: {  	[tilespmem:v34+s28+$0x0] =	vst.idx.msk $0xffff, v33  }
0x1e6: {  	v34 =	vor.u32 s8, v28;
	v33 =	vld [tilespmem:s6+$0xB0];
	_ =	sdelay $0x4  }
0x1e7: {  	[tilespmem:v34+s28+$0x0] =	vst.idx.msk $0xffff, v33  }
0x1e8: {  	v34 =	vor.u32 s8, v29;
	v33 =	vld [tilespmem:s6+$0xC0];
	_ =	sdelay $0x4  }
0x1e9: {  	[tilespmem:v34+s28+$0x0] =	vst.idx.msk $0xffff, v33  }
0x1ea: {  	v34 =	vor.u32 s8, v30;
	v33 =	vld [tilespmem:s6+$0xD0];
	_ =	sdelay $0x4  }
0x1eb: {  	[tilespmem:v34+s28+$0x0] =	vst.idx.msk $0xffff, v33  }
0x1ec: {  	v34 =	vor.u32 s8, v31;
	v33 =	vld [tilespmem:s6+$0xE0];
	_ =	sdelay $0x4  }
0x1ed: {  	[tilespmem:v34+s28+$0x0] =	vst.idx.msk $0xffff, v33  }
0x1ee: {  	v34 =	vor.u32 s8, v32;
	v33 =	vld [tilespmem:s6+$0xF0]  }
.Ltmp7:
0x1ef: {  	(pc) =	sbr.rel @p0 .LBB2_17-.Ltmp7, $2  }
0x1f0: {  	_ =	sdelay $0x2  }
0x1f1: {  	s8 =	sshll.u32 s24, $0x9;
	s24 =	sadd.s32 $0x1, s24;
	s6 =	sadd.s32 $0x200, s6;
	[tilespmem:v34+s28+$0x0] =	vst.idx.msk $0xffff, v33  }
0x1f2: {  	v33 =	vld [tilespmem:s6+$0xFFFFFF00];
	v34 =	vor.u32 s8, v0;
	_ =	sdelay $0x4  }
0x1f3: {  	[tilespmem:v34+s28+$0x0] =	vst.idx.msk $0xffff, v33  }
0x1f4: {  	v61 =	vor.u32 s8, v2;
	v33 =	vld [tilespmem:s6+$0xFFFFFF10];
	_ =	sdelay $0x4  }
0x1f5: {  	[tilespmem:v61+s28+$0x0] =	vst.idx.msk $0xffff, v33  }
0x1f6: {  	v62 =	vor.u32 s8, v3;
	v33 =	vld [tilespmem:s6+$0xFFFFFF20];
	_ =	sdelay $0x4  }
0x1f7: {  	[tilespmem:v62+s28+$0x0] =	vst.idx.msk $0xffff, v33  }
0x1f8: {  	v63 =	vor.u32 s8, v4;
	v33 =	vld [tilespmem:s6+$0xFFFFFF30];
	_ =	sdelay $0x4  }
0x1f9: {  	[tilespmem:v63+s28+$0x0] =	vst.idx.msk $0xffff, v33  }
0x1fa: {  	v36 =	vor.u32 s8, v5;
	v33 =	vld [tilespmem:s6+$0xFFFFFF40];
	_ =	sdelay $0x4  }
0x1fb: {  	[tilespmem:v36+s28+$0x0] =	vst.idx.msk $0xffff, v33  }
0x1fc: {  	v37 =	vor.u32 s8, v6;
	v33 =	vld [tilespmem:s6+$0xFFFFFF50];
	_ =	sdelay $0x4  }
0x1fd: {  	[tilespmem:v37+s28+$0x0] =	vst.idx.msk $0xffff, v33  }
0x1fe: {  	v38 =	vor.u32 s8, v7;
	v33 =	vld [tilespmem:s6+$0xFFFFFF60];
	_ =	sdelay $0x4  }
0x1ff: {  	[tilespmem:v38+s28+$0x0] =	vst.idx.msk $0xffff, v33  }
0x200: {  	v39 =	vor.u32 s8, v8;
	v33 =	vld [tilespmem:s6+$0xFFFFFF70];
	_ =	sdelay $0x4  }
0x201: {  	[tilespmem:v39+s28+$0x0] =	vst.idx.msk $0xffff, v33  }
0x202: {  	v40 =	vor.u32 s8, v9;
	v33 =	vld [tilespmem:s6+$0xFFFFFF80];
	_ =	sdelay $0x4  }
0x203: {  	[tilespmem:v40+s28+$0x0] =	vst.idx.msk $0xffff, v33  }
0x204: {  	v41 =	vor.u32 s8, v10;
	v33 =	vld [tilespmem:s6+$0xFFFFFF90];
	_ =	sdelay $0x4  }
0x205: {  	[tilespmem:v41+s28+$0x0] =	vst.idx.msk $0xffff, v33  }
0x206: {  	v42 =	vor.u32 s8, v11;
	v33 =	vld [tilespmem:s6+$0xFFFFFFA0];
	_ =	sdelay $0x4  }
0x207: {  	[tilespmem:v42+s28+$0x0] =	vst.idx.msk $0xffff, v33  }
0x208: {  	v43 =	vor.u32 s8, v12;
	v33 =	vld [tilespmem:s6+$0xFFFFFFB0];
	_ =	sdelay $0x4  }
0x209: {  	[tilespmem:v43+s28+$0x0] =	vst.idx.msk $0xffff, v33  }
0x20a: {  	v44 =	vor.u32 s8, v13;
	v33 =	vld [tilespmem:s6+$0xFFFFFFC0];
	_ =	sdelay $0x4  }
0x20b: {  	[tilespmem:v44+s28+$0x0] =	vst.idx.msk $0xffff, v33  }
0x20c: {  	v45 =	vor.u32 s8, v14;
	v33 =	vld [tilespmem:s6+$0xFFFFFFD0];
	_ =	sdelay $0x4  }
0x20d: {  	[tilespmem:v45+s28+$0x0] =	vst.idx.msk $0xffff, v33  }
0x20e: {  	v46 =	vor.u32 s8, v15;
	v33 =	vld [tilespmem:s6+$0xFFFFFFE0];
	_ =	sdelay $0x4  }
0x20f: {  	[tilespmem:v46+s28+$0x0] =	vst.idx.msk $0xffff, v33  }
0x210: {  	v47 =	vor.u32 s8, v16;
	v33 =	vld [tilespmem:s6+$0xFFFFFFF0];
	_ =	sdelay $0x4  }
0x211: {  	[tilespmem:v47+s28+$0x0] =	vst.idx.msk $0xffff, v33  }
0x212: {  	v48 =	vor.u32 s8, v17;
	v33 =	vld [tilespmem:s6+$0x0];
	_ =	sdelay $0x4  }
0x213: {  	[tilespmem:v48+s28+$0x0] =	vst.idx.msk $0xffff, v33  }
0x214: {  	v49 =	vor.u32 s8, v18;
	v33 =	vld [tilespmem:s6+$0x10];
	_ =	sdelay $0x4  }
0x215: {  	[tilespmem:v49+s28+$0x0] =	vst.idx.msk $0xffff, v33  }
0x216: {  	v50 =	vor.u32 s8, v19;
	v33 =	vld [tilespmem:s6+$0x20];
	_ =	sdelay $0x4  }
0x217: {  	[tilespmem:v50+s28+$0x0] =	vst.idx.msk $0xffff, v33  }
0x218: {  	v51 =	vor.u32 s8, v20;
	v33 =	vld [tilespmem:s6+$0x30];
	_ =	sdelay $0x4  }
0x219: {  	[tilespmem:v51+s28+$0x0] =	vst.idx.msk $0xffff, v33  }
0x21a: {  	v52 =	vor.u32 s8, v21;
	v33 =	vld [tilespmem:s6+$0x40];
	_ =	sdelay $0x4  }
0x21b: {  	[tilespmem:v52+s28+$0x0] =	vst.idx.msk $0xffff, v33  }
0x21c: {  	v53 =	vor.u32 s8, v22;
	v33 =	vld [tilespmem:s6+$0x50];
	_ =	sdelay $0x4  }
0x21d: {  	[tilespmem:v53+s28+$0x0] =	vst.idx.msk $0xffff, v33  }
0x21e: {  	v54 =	vor.u32 s8, v23;
	v33 =	vld [tilespmem:s6+$0x60];
	_ =	sdelay $0x4  }
0x21f: {  	[tilespmem:v54+s28+$0x0] =	vst.idx.msk $0xffff, v33  }
0x220: {  	v55 =	vor.u32 s8, v24;
	v33 =	vld [tilespmem:s6+$0x70];
	_ =	sdelay $0x4  }
0x221: {  	[tilespmem:v55+s28+$0x0] =	vst.idx.msk $0xffff, v33  }
0x222: {  	v56 =	vor.u32 s8, v25;
	v33 =	vld [tilespmem:s6+$0x80];
	_ =	sdelay $0x4  }
0x223: {  	[tilespmem:v56+s28+$0x0] =	vst.idx.msk $0xffff, v33  }
0x224: {  	v57 =	vor.u32 s8, v26;
	v33 =	vld [tilespmem:s6+$0x90];
	_ =	sdelay $0x4  }
0x225: {  	[tilespmem:v57+s28+$0x0] =	vst.idx.msk $0xffff, v33  }
0x226: {  	v58 =	vor.u32 s8, v27;
	v33 =	vld [tilespmem:s6+$0xA0];
	_ =	sdelay $0x4  }
0x227: {  	[tilespmem:v58+s28+$0x0] =	vst.idx.msk $0xffff, v33  }
0x228: {  	v59 =	vor.u32 s8, v28;
	v33 =	vld [tilespmem:s6+$0xB0];
	_ =	sdelay $0x4  }
0x229: {  	[tilespmem:v59+s28+$0x0] =	vst.idx.msk $0xffff, v33  }
0x22a: {  	v60 =	vor.u32 s8, v29;
	v33 =	vld [tilespmem:s6+$0xC0];
	_ =	sdelay $0x4  }
0x22b: {  	[tilespmem:v60+s28+$0x0] =	vst.idx.msk $0xffff, v33  }
0x22c: {  	v61 =	vor.u32 s8, v30;
	v33 =	vld [tilespmem:s6+$0xD0];
	_ =	sdelay $0x4  }
0x22d: {  	[tilespmem:v61+s28+$0x0] =	vst.idx.msk $0xffff, v33  }
0x22e: {  	v62 =	vor.u32 s8, v31;
	v33 =	vld [tilespmem:s6+$0xE0];
	_ =	sdelay $0x4  }
0x22f: {  	[tilespmem:v62+s28+$0x0] =	vst.idx.msk $0xffff, v33  }
0x230: {  	s14 =	sadd.s32 $0x1, s14;
	v63 =	vor.u32 s8, v32;
	v33 =	vld [tilespmem:s6+$0xF0]  }
0x231: {  	p0 =	sne.s32 s14, $0xA  }
.Ltmp8:
0x232: {  	_ = 	snop;
	(pc) =	sbr.rel @p0 .LBB2_6-.Ltmp8, $4  }
0x233: {  	_ = 	snop  }
0x234: {  	s25 =	sshrl.u32 s15, $0x3  }
0x235: {  	s6 =	sadd.s32 s7, s25;
	[tilespmem:v63+s28+$0x0] =	vst.idx.msk $0xffff, v33  }
0x236: {  	[hbm4b:s6+s29] =	stream.strided.scatter [tilespmem:s28], [sflag:$0x4], $0x6400, s30, s29, $0x38;
	[tilespmem:$0x1A3E0] =	vst v63  }
0x237: {  	_ =	swait.ge [sflag:s26], $0x6400  }
0x238: {  	[sflag:s26] =	ssyncset.done $0x0  }
0x239: {  	[sflag:s26] =	ssyncadd.s32 $0xFFFF9C00  }
0x23a: {  	_ =	swait.ge [sflag:s1], $0x6400  }
0x23b: {  	s6 =	simm.s32 $0x14E0;
	[sflag:s1] =	ssyncset.done $0x0  }
0x23c: {  	s8 =	simm.s32 $0x0;
	s13 =	simm.s32 $0x1;
	[sflag:s1] =	ssyncadd.s32 $0xFFFF9C00  }
.LBB2_20:
0x23d: {  	p0 =	sne.s32 s13, $0x31;
	v33 =	vld [tilespmem:s6+$0xFFFFFF00];
	v34 =	vor.u32 s8, v0;
	_ =	sdelay $0x4  }
0x23e: {  	[tilespmem:v34+s28+$0x0] =	vst.idx.msk $0xffff, v33  }
0x23f: {  	v34 =	vor.u32 s8, v2;
	v33 =	vld [tilespmem:s6+$0xFFFFFF10];
	_ =	sdelay $0x4  }
0x240: {  	[tilespmem:v34+s28+$0x0] =	vst.idx.msk $0xffff, v33  }
0x241: {  	v34 =	vor.u32 s8, v3;
	v33 =	vld [tilespmem:s6+$0xFFFFFF20];
	_ =	sdelay $0x4  }
0x242: {  	[tilespmem:v34+s28+$0x0] =	vst.idx.msk $0xffff, v33  }
0x243: {  	v34 =	vor.u32 s8, v4;
	v33 =	vld [tilespmem:s6+$0xFFFFFF30];
	_ =	sdelay $0x4  }
0x244: {  	[tilespmem:v34+s28+$0x0] =	vst.idx.msk $0xffff, v33  }
0x245: {  	v34 =	vor.u32 s8, v5;
	v33 =	vld [tilespmem:s6+$0xFFFFFF40];
	_ =	sdelay $0x4  }
0x246: {  	[tilespmem:v34+s28+$0x0] =	vst.idx.msk $0xffff, v33  }
0x247: {  	v34 =	vor.u32 s8, v6;
	v33 =	vld [tilespmem:s6+$0xFFFFFF50];
	_ =	sdelay $0x4  }
0x248: {  	[tilespmem:v34+s28+$0x0] =	vst.idx.msk $0xffff, v33  }
0x249: {  	v34 =	vor.u32 s8, v7;
	v33 =	vld [tilespmem:s6+$0xFFFFFF60];
	_ =	sdelay $0x4  }
0x24a: {  	[tilespmem:v34+s28+$0x0] =	vst.idx.msk $0xffff, v33  }
0x24b: {  	v34 =	vor.u32 s8, v8;
	v33 =	vld [tilespmem:s6+$0xFFFFFF70];
	_ =	sdelay $0x4  }
0x24c: {  	[tilespmem:v34+s28+$0x0] =	vst.idx.msk $0xffff, v33  }
0x24d: {  	v34 =	vor.u32 s8, v9;
	v33 =	vld [tilespmem:s6+$0xFFFFFF80];
	_ =	sdelay $0x4  }
0x24e: {  	[tilespmem:v34+s28+$0x0] =	vst.idx.msk $0xffff, v33  }
0x24f: {  	v34 =	vor.u32 s8, v10;
	v33 =	vld [tilespmem:s6+$0xFFFFFF90];
	_ =	sdelay $0x4  }
0x250: {  	[tilespmem:v34+s28+$0x0] =	vst.idx.msk $0xffff, v33  }
0x251: {  	v34 =	vor.u32 s8, v11;
	v33 =	vld [tilespmem:s6+$0xFFFFFFA0];
	_ =	sdelay $0x4  }
0x252: {  	[tilespmem:v34+s28+$0x0] =	vst.idx.msk $0xffff, v33  }
0x253: {  	v34 =	vor.u32 s8, v12;
	v33 =	vld [tilespmem:s6+$0xFFFFFFB0];
	_ =	sdelay $0x4  }
0x254: {  	[tilespmem:v34+s28+$0x0] =	vst.idx.msk $0xffff, v33  }
0x255: {  	v34 =	vor.u32 s8, v13;
	v33 =	vld [tilespmem:s6+$0xFFFFFFC0];
	_ =	sdelay $0x4  }
0x256: {  	[tilespmem:v34+s28+$0x0] =	vst.idx.msk $0xffff, v33  }
0x257: {  	v34 =	vor.u32 s8, v14;
	v33 =	vld [tilespmem:s6+$0xFFFFFFD0];
	_ =	sdelay $0x4  }
0x258: {  	[tilespmem:v34+s28+$0x0] =	vst.idx.msk $0xffff, v33  }
0x259: {  	v34 =	vor.u32 s8, v15;
	v33 =	vld [tilespmem:s6+$0xFFFFFFE0];
	_ =	sdelay $0x4  }
0x25a: {  	[tilespmem:v34+s28+$0x0] =	vst.idx.msk $0xffff, v33  }
0x25b: {  	v34 =	vor.u32 s8, v16;
	v33 =	vld [tilespmem:s6+$0xFFFFFFF0];
	_ =	sdelay $0x4  }
0x25c: {  	[tilespmem:v34+s28+$0x0] =	vst.idx.msk $0xffff, v33  }
0x25d: {  	v34 =	vor.u32 s8, v17;
	v33 =	vld [tilespmem:s6+$0x0];
	_ =	sdelay $0x4  }
0x25e: {  	[tilespmem:v34+s28+$0x0] =	vst.idx.msk $0xffff, v33  }
0x25f: {  	v34 =	vor.u32 s8, v18;
	v33 =	vld [tilespmem:s6+$0x10];
	_ =	sdelay $0x4  }
0x260: {  	[tilespmem:v34+s28+$0x0] =	vst.idx.msk $0xffff, v33  }
0x261: {  	v34 =	vor.u32 s8, v19;
	v33 =	vld [tilespmem:s6+$0x20];
	_ =	sdelay $0x4  }
0x262: {  	[tilespmem:v34+s28+$0x0] =	vst.idx.msk $0xffff, v33  }
0x263: {  	v34 =	vor.u32 s8, v20;
	v33 =	vld [tilespmem:s6+$0x30];
	_ =	sdelay $0x4  }
0x264: {  	[tilespmem:v34+s28+$0x0] =	vst.idx.msk $0xffff, v33  }
0x265: {  	v34 =	vor.u32 s8, v21;
	v33 =	vld [tilespmem:s6+$0x40];
	_ =	sdelay $0x4  }
0x266: {  	[tilespmem:v34+s28+$0x0] =	vst.idx.msk $0xffff, v33  }
0x267: {  	v34 =	vor.u32 s8, v22;
	v33 =	vld [tilespmem:s6+$0x50];
	_ =	sdelay $0x4  }
0x268: {  	[tilespmem:v34+s28+$0x0] =	vst.idx.msk $0xffff, v33  }
0x269: {  	v34 =	vor.u32 s8, v23;
	v33 =	vld [tilespmem:s6+$0x60];
	_ =	sdelay $0x4  }
0x26a: {  	[tilespmem:v34+s28+$0x0] =	vst.idx.msk $0xffff, v33  }
0x26b: {  	v34 =	vor.u32 s8, v24;
	v33 =	vld [tilespmem:s6+$0x70];
	_ =	sdelay $0x4  }
0x26c: {  	[tilespmem:v34+s28+$0x0] =	vst.idx.msk $0xffff, v33  }
0x26d: {  	v34 =	vor.u32 s8, v25;
	v33 =	vld [tilespmem:s6+$0x80];
	_ =	sdelay $0x4  }
0x26e: {  	[tilespmem:v34+s28+$0x0] =	vst.idx.msk $0xffff, v33  }
0x26f: {  	v34 =	vor.u32 s8, v26;
	v33 =	vld [tilespmem:s6+$0x90];
	_ =	sdelay $0x4  }
0x270: {  	[tilespmem:v34+s28+$0x0] =	vst.idx.msk $0xffff, v33  }
0x271: {  	v34 =	vor.u32 s8, v27;
	v33 =	vld [tilespmem:s6+$0xA0];
	_ =	sdelay $0x4  }
0x272: {  	[tilespmem:v34+s28+$0x0] =	vst.idx.msk $0xffff, v33  }
0x273: {  	v34 =	vor.u32 s8, v28;
	v33 =	vld [tilespmem:s6+$0xB0];
	_ =	sdelay $0x4  }
0x274: {  	[tilespmem:v34+s28+$0x0] =	vst.idx.msk $0xffff, v33  }
0x275: {  	v34 =	vor.u32 s8, v29;
	v33 =	vld [tilespmem:s6+$0xC0];
	_ =	sdelay $0x4  }
0x276: {  	[tilespmem:v34+s28+$0x0] =	vst.idx.msk $0xffff, v33  }
0x277: {  	v34 =	vor.u32 s8, v30;
	v33 =	vld [tilespmem:s6+$0xD0];
	_ =	sdelay $0x4  }
0x278: {  	[tilespmem:v34+s28+$0x0] =	vst.idx.msk $0xffff, v33  }
0x279: {  	v34 =	vor.u32 s8, v31;
	v33 =	vld [tilespmem:s6+$0xE0];
	_ =	sdelay $0x4  }
0x27a: {  	[tilespmem:v34+s28+$0x0] =	vst.idx.msk $0xffff, v33  }
0x27b: {  	v34 =	vor.u32 s8, v32;
	v33 =	vld [tilespmem:s6+$0xF0]  }
.Ltmp9:
0x27c: {  	(pc) =	sbr.rel @p0 .LBB2_20-.Ltmp9, $2  }
0x27d: {  	_ =	sdelay $0x2  }
0x27e: {  	s8 =	sshll.u32 s13, $0x9;
	s13 =	sadd.s32 $0x1, s13;
	s6 =	sadd.s32 $0x200, s6;
	[tilespmem:v34+s28+$0x0] =	vst.idx.msk $0xffff, v33  }
0x27f: {  	v33 =	vld [tilespmem:s6+$0xFFFFFF00];
	v34 =	vor.u32 s8, v0;
	_ =	sdelay $0x4  }
0x280: {  	[tilespmem:v34+s28+$0x0] =	vst.idx.msk $0xffff, v33  }
0x281: {  	v61 =	vor.u32 s8, v2;
	v33 =	vld [tilespmem:s6+$0xFFFFFF10];
	_ =	sdelay $0x4  }
0x282: {  	[tilespmem:v61+s28+$0x0] =	vst.idx.msk $0xffff, v33  }
0x283: {  	v62 =	vor.u32 s8, v3;
	v33 =	vld [tilespmem:s6+$0xFFFFFF20];
	_ =	sdelay $0x4  }
0x284: {  	[tilespmem:v62+s28+$0x0] =	vst.idx.msk $0xffff, v33  }
0x285: {  	v63 =	vor.u32 s8, v4;
	v33 =	vld [tilespmem:s6+$0xFFFFFF30];
	_ =	sdelay $0x4  }
0x286: {  	[tilespmem:v63+s28+$0x0] =	vst.idx.msk $0xffff, v33  }
0x287: {  	v36 =	vor.u32 s8, v5;
	v33 =	vld [tilespmem:s6+$0xFFFFFF40];
	_ =	sdelay $0x4  }
0x288: {  	[tilespmem:v36+s28+$0x0] =	vst.idx.msk $0xffff, v33  }
0x289: {  	v37 =	vor.u32 s8, v6;
	v33 =	vld [tilespmem:s6+$0xFFFFFF50];
	_ =	sdelay $0x4  }
0x28a: {  	[tilespmem:v37+s28+$0x0] =	vst.idx.msk $0xffff, v33  }
0x28b: {  	v38 =	vor.u32 s8, v7;
	v33 =	vld [tilespmem:s6+$0xFFFFFF60];
	_ =	sdelay $0x4  }
0x28c: {  	[tilespmem:v38+s28+$0x0] =	vst.idx.msk $0xffff, v33  }
0x28d: {  	v39 =	vor.u32 s8, v8;
	v33 =	vld [tilespmem:s6+$0xFFFFFF70];
	_ =	sdelay $0x4  }
0x28e: {  	[tilespmem:v39+s28+$0x0] =	vst.idx.msk $0xffff, v33  }
0x28f: {  	v40 =	vor.u32 s8, v9;
	v33 =	vld [tilespmem:s6+$0xFFFFFF80];
	_ =	sdelay $0x4  }
0x290: {  	[tilespmem:v40+s28+$0x0] =	vst.idx.msk $0xffff, v33  }
0x291: {  	v41 =	vor.u32 s8, v10;
	v33 =	vld [tilespmem:s6+$0xFFFFFF90];
	_ =	sdelay $0x4  }
0x292: {  	[tilespmem:v41+s28+$0x0] =	vst.idx.msk $0xffff, v33  }
0x293: {  	v42 =	vor.u32 s8, v11;
	v33 =	vld [tilespmem:s6+$0xFFFFFFA0];
	_ =	sdelay $0x4  }
0x294: {  	[tilespmem:v42+s28+$0x0] =	vst.idx.msk $0xffff, v33  }
0x295: {  	v43 =	vor.u32 s8, v12;
	v33 =	vld [tilespmem:s6+$0xFFFFFFB0];
	_ =	sdelay $0x4  }
0x296: {  	[tilespmem:v43+s28+$0x0] =	vst.idx.msk $0xffff, v33  }
0x297: {  	v44 =	vor.u32 s8, v13;
	v33 =	vld [tilespmem:s6+$0xFFFFFFC0];
	_ =	sdelay $0x4  }
0x298: {  	[tilespmem:v44+s28+$0x0] =	vst.idx.msk $0xffff, v33  }
0x299: {  	v45 =	vor.u32 s8, v14;
	v33 =	vld [tilespmem:s6+$0xFFFFFFD0];
	_ =	sdelay $0x4  }
0x29a: {  	[tilespmem:v45+s28+$0x0] =	vst.idx.msk $0xffff, v33  }
0x29b: {  	v46 =	vor.u32 s8, v15;
	v33 =	vld [tilespmem:s6+$0xFFFFFFE0];
	_ =	sdelay $0x4  }
0x29c: {  	[tilespmem:v46+s28+$0x0] =	vst.idx.msk $0xffff, v33  }
0x29d: {  	v47 =	vor.u32 s8, v16;
	v33 =	vld [tilespmem:s6+$0xFFFFFFF0];
	_ =	sdelay $0x4  }
0x29e: {  	[tilespmem:v47+s28+$0x0] =	vst.idx.msk $0xffff, v33  }
0x29f: {  	v48 =	vor.u32 s8, v17;
	v33 =	vld [tilespmem:s6+$0x0];
	_ =	sdelay $0x4  }
0x2a0: {  	[tilespmem:v48+s28+$0x0] =	vst.idx.msk $0xffff, v33  }
0x2a1: {  	v49 =	vor.u32 s8, v18;
	v33 =	vld [tilespmem:s6+$0x10];
	_ =	sdelay $0x4  }
0x2a2: {  	[tilespmem:v49+s28+$0x0] =	vst.idx.msk $0xffff, v33  }
0x2a3: {  	v50 =	vor.u32 s8, v19;
	v33 =	vld [tilespmem:s6+$0x20];
	_ =	sdelay $0x4  }
0x2a4: {  	[tilespmem:v50+s28+$0x0] =	vst.idx.msk $0xffff, v33  }
0x2a5: {  	v51 =	vor.u32 s8, v20;
	v33 =	vld [tilespmem:s6+$0x30];
	_ =	sdelay $0x4  }
0x2a6: {  	[tilespmem:v51+s28+$0x0] =	vst.idx.msk $0xffff, v33  }
0x2a7: {  	v52 =	vor.u32 s8, v21;
	v33 =	vld [tilespmem:s6+$0x40];
	_ =	sdelay $0x4  }
0x2a8: {  	[tilespmem:v52+s28+$0x0] =	vst.idx.msk $0xffff, v33  }
0x2a9: {  	v53 =	vor.u32 s8, v22;
	v33 =	vld [tilespmem:s6+$0x50];
	_ =	sdelay $0x4  }
0x2aa: {  	[tilespmem:v53+s28+$0x0] =	vst.idx.msk $0xffff, v33  }
0x2ab: {  	v54 =	vor.u32 s8, v23;
	v33 =	vld [tilespmem:s6+$0x60];
	_ =	sdelay $0x4  }
0x2ac: {  	[tilespmem:v54+s28+$0x0] =	vst.idx.msk $0xffff, v33  }
0x2ad: {  	v55 =	vor.u32 s8, v24;
	v33 =	vld [tilespmem:s6+$0x70];
	_ =	sdelay $0x4  }
0x2ae: {  	[tilespmem:v55+s28+$0x0] =	vst.idx.msk $0xffff, v33  }
0x2af: {  	v56 =	vor.u32 s8, v25;
	v33 =	vld [tilespmem:s6+$0x80];
	_ =	sdelay $0x4  }
0x2b0: {  	[tilespmem:v56+s28+$0x0] =	vst.idx.msk $0xffff, v33  }
0x2b1: {  	v57 =	vor.u32 s8, v26;
	v33 =	vld [tilespmem:s6+$0x90];
	_ =	sdelay $0x4  }
0x2b2: {  	[tilespmem:v57+s28+$0x0] =	vst.idx.msk $0xffff, v33  }
0x2b3: {  	v58 =	vor.u32 s8, v27;
	v33 =	vld [tilespmem:s6+$0xA0];
	_ =	sdelay $0x4  }
0x2b4: {  	[tilespmem:v58+s28+$0x0] =	vst.idx.msk $0xffff, v33  }
0x2b5: {  	v59 =	vor.u32 s8, v28;
	v33 =	vld [tilespmem:s6+$0xB0];
	_ =	sdelay $0x4  }
0x2b6: {  	[tilespmem:v59+s28+$0x0] =	vst.idx.msk $0xffff, v33  }
0x2b7: {  	v60 =	vor.u32 s8, v29;
	v33 =	vld [tilespmem:s6+$0xC0];
	_ =	sdelay $0x4  }
0x2b8: {  	[tilespmem:v60+s28+$0x0] =	vst.idx.msk $0xffff, v33  }
0x2b9: {  	v61 =	vor.u32 s8, v30;
	v33 =	vld [tilespmem:s6+$0xD0];
	_ =	sdelay $0x4  }
0x2ba: {  	[tilespmem:v61+s28+$0x0] =	vst.idx.msk $0xffff, v33  }
0x2bb: {  	v62 =	vor.u32 s8, v31;
	v33 =	vld [tilespmem:s6+$0xE0];
	_ =	sdelay $0x4  }
0x2bc: {  	[tilespmem:v62+s28+$0x0] =	vst.idx.msk $0xffff, v33  }
0x2bd: {  	v63 =	vor.u32 s8, v32;
	v33 =	vld [tilespmem:s6+$0xF0];
	_ =	sdelay $0x4  }
0x2be: {  	s25 =	rddreg [dreg:$0x5];
	[tilespmem:v63+s28+$0x0] =	vst.idx.msk $0xffff, v33  }
0x2bf: {  	[hbm4b:s25+s29] =	stream.strided.scatter [tilespmem:s28], [sflag:$0x4], $0x6400, s30, s29, $0x38;
	[tilespmem:$0x1A3E0] =	vst v63  }
0x2c0: {  	_ =	swait.ge [sflag:s31], $0x6400  }
0x2c1: {  	[sflag:s31] =	ssyncset.done $0x0  }
0x2c2: {  	[sflag:s31] =	ssyncadd.s32 $0xFFFF9C00  }
0x2c3: {  	_ =	swait.ge [sflag:s1], $0x6400  }
0x2c4: {  	s13 =	simm.s32 $0x1;
	[sflag:s1] =	ssyncset.done $0x0  }
0x2c5: {  	s8 =	simm.s32 $0x0;
	s6 =	simm.s32 $0x78E0;
	[sflag:s1] =	ssyncadd.s32 $0xFFFF9C00  }
.LBB2_22:
0x2c6: {  	p0 =	sne.s32 s13, $0x31;
	v33 =	vld [tilespmem:s6+$0xFFFFFF00];
	v34 =	vor.u32 s8, v0;
	_ =	sdelay $0x4  }
0x2c7: {  	[tilespmem:v34+s28+$0x0] =	vst.idx.msk $0xffff, v33  }
0x2c8: {  	v34 =	vor.u32 s8, v2;
	v33 =	vld [tilespmem:s6+$0xFFFFFF10];
	_ =	sdelay $0x4  }
0x2c9: {  	[tilespmem:v34+s28+$0x0] =	vst.idx.msk $0xffff, v33  }
0x2ca: {  	v34 =	vor.u32 s8, v3;
	v33 =	vld [tilespmem:s6+$0xFFFFFF20];
	_ =	sdelay $0x4  }
0x2cb: {  	[tilespmem:v34+s28+$0x0] =	vst.idx.msk $0xffff, v33  }
0x2cc: {  	v34 =	vor.u32 s8, v4;
	v33 =	vld [tilespmem:s6+$0xFFFFFF30];
	_ =	sdelay $0x4  }
0x2cd: {  	[tilespmem:v34+s28+$0x0] =	vst.idx.msk $0xffff, v33  }
0x2ce: {  	v34 =	vor.u32 s8, v5;
	v33 =	vld [tilespmem:s6+$0xFFFFFF40];
	_ =	sdelay $0x4  }
0x2cf: {  	[tilespmem:v34+s28+$0x0] =	vst.idx.msk $0xffff, v33  }
0x2d0: {  	v34 =	vor.u32 s8, v6;
	v33 =	vld [tilespmem:s6+$0xFFFFFF50];
	_ =	sdelay $0x4  }
0x2d1: {  	[tilespmem:v34+s28+$0x0] =	vst.idx.msk $0xffff, v33  }
0x2d2: {  	v34 =	vor.u32 s8, v7;
	v33 =	vld [tilespmem:s6+$0xFFFFFF60];
	_ =	sdelay $0x4  }
0x2d3: {  	[tilespmem:v34+s28+$0x0] =	vst.idx.msk $0xffff, v33  }
0x2d4: {  	v34 =	vor.u32 s8, v8;
	v33 =	vld [tilespmem:s6+$0xFFFFFF70];
	_ =	sdelay $0x4  }
0x2d5: {  	[tilespmem:v34+s28+$0x0] =	vst.idx.msk $0xffff, v33  }
0x2d6: {  	v34 =	vor.u32 s8, v9;
	v33 =	vld [tilespmem:s6+$0xFFFFFF80];
	_ =	sdelay $0x4  }
0x2d7: {  	[tilespmem:v34+s28+$0x0] =	vst.idx.msk $0xffff, v33  }
0x2d8: {  	v34 =	vor.u32 s8, v10;
	v33 =	vld [tilespmem:s6+$0xFFFFFF90];
	_ =	sdelay $0x4  }
0x2d9: {  	[tilespmem:v34+s28+$0x0] =	vst.idx.msk $0xffff, v33  }
0x2da: {  	v34 =	vor.u32 s8, v11;
	v33 =	vld [tilespmem:s6+$0xFFFFFFA0];
	_ =	sdelay $0x4  }
0x2db: {  	[tilespmem:v34+s28+$0x0] =	vst.idx.msk $0xffff, v33  }
0x2dc: {  	v34 =	vor.u32 s8, v12;
	v33 =	vld [tilespmem:s6+$0xFFFFFFB0];
	_ =	sdelay $0x4  }
0x2dd: {  	[tilespmem:v34+s28+$0x0] =	vst.idx.msk $0xffff, v33  }
0x2de: {  	v34 =	vor.u32 s8, v13;
	v33 =	vld [tilespmem:s6+$0xFFFFFFC0];
	_ =	sdelay $0x4  }
0x2df: {  	[tilespmem:v34+s28+$0x0] =	vst.idx.msk $0xffff, v33  }
0x2e0: {  	v34 =	vor.u32 s8, v14;
	v33 =	vld [tilespmem:s6+$0xFFFFFFD0];
	_ =	sdelay $0x4  }
0x2e1: {  	[tilespmem:v34+s28+$0x0] =	vst.idx.msk $0xffff, v33  }
0x2e2: {  	v34 =	vor.u32 s8, v15;
	v33 =	vld [tilespmem:s6+$0xFFFFFFE0];
	_ =	sdelay $0x4  }
0x2e3: {  	[tilespmem:v34+s28+$0x0] =	vst.idx.msk $0xffff, v33  }
0x2e4: {  	v34 =	vor.u32 s8, v16;
	v33 =	vld [tilespmem:s6+$0xFFFFFFF0];
	_ =	sdelay $0x4  }
0x2e5: {  	[tilespmem:v34+s28+$0x0] =	vst.idx.msk $0xffff, v33  }
0x2e6: {  	v34 =	vor.u32 s8, v17;
	v33 =	vld [tilespmem:s6+$0x0];
	_ =	sdelay $0x4  }
0x2e7: {  	[tilespmem:v34+s28+$0x0] =	vst.idx.msk $0xffff, v33  }
0x2e8: {  	v34 =	vor.u32 s8, v18;
	v33 =	vld [tilespmem:s6+$0x10];
	_ =	sdelay $0x4  }
0x2e9: {  	[tilespmem:v34+s28+$0x0] =	vst.idx.msk $0xffff, v33  }
0x2ea: {  	v34 =	vor.u32 s8, v19;
	v33 =	vld [tilespmem:s6+$0x20];
	_ =	sdelay $0x4  }
0x2eb: {  	[tilespmem:v34+s28+$0x0] =	vst.idx.msk $0xffff, v33  }
0x2ec: {  	v34 =	vor.u32 s8, v20;
	v33 =	vld [tilespmem:s6+$0x30];
	_ =	sdelay $0x4  }
0x2ed: {  	[tilespmem:v34+s28+$0x0] =	vst.idx.msk $0xffff, v33  }
0x2ee: {  	v34 =	vor.u32 s8, v21;
	v33 =	vld [tilespmem:s6+$0x40];
	_ =	sdelay $0x4  }
0x2ef: {  	[tilespmem:v34+s28+$0x0] =	vst.idx.msk $0xffff, v33  }
0x2f0: {  	v34 =	vor.u32 s8, v22;
	v33 =	vld [tilespmem:s6+$0x50];
	_ =	sdelay $0x4  }
0x2f1: {  	[tilespmem:v34+s28+$0x0] =	vst.idx.msk $0xffff, v33  }
0x2f2: {  	v34 =	vor.u32 s8, v23;
	v33 =	vld [tilespmem:s6+$0x60];
	_ =	sdelay $0x4  }
0x2f3: {  	[tilespmem:v34+s28+$0x0] =	vst.idx.msk $0xffff, v33  }
0x2f4: {  	v34 =	vor.u32 s8, v24;
	v33 =	vld [tilespmem:s6+$0x70];
	_ =	sdelay $0x4  }
0x2f5: {  	[tilespmem:v34+s28+$0x0] =	vst.idx.msk $0xffff, v33  }
0x2f6: {  	v34 =	vor.u32 s8, v25;
	v33 =	vld [tilespmem:s6+$0x80];
	_ =	sdelay $0x4  }
0x2f7: {  	[tilespmem:v34+s28+$0x0] =	vst.idx.msk $0xffff, v33  }
0x2f8: {  	v34 =	vor.u32 s8, v26;
	v33 =	vld [tilespmem:s6+$0x90];
	_ =	sdelay $0x4  }
0x2f9: {  	[tilespmem:v34+s28+$0x0] =	vst.idx.msk $0xffff, v33  }
0x2fa: {  	v34 =	vor.u32 s8, v27;
	v33 =	vld [tilespmem:s6+$0xA0];
	_ =	sdelay $0x4  }
0x2fb: {  	[tilespmem:v34+s28+$0x0] =	vst.idx.msk $0xffff, v33  }
0x2fc: {  	v34 =	vor.u32 s8, v28;
	v33 =	vld [tilespmem:s6+$0xB0];
	_ =	sdelay $0x4  }
0x2fd: {  	[tilespmem:v34+s28+$0x0] =	vst.idx.msk $0xffff, v33  }
0x2fe: {  	v34 =	vor.u32 s8, v29;
	v33 =	vld [tilespmem:s6+$0xC0];
	_ =	sdelay $0x4  }
0x2ff: {  	[tilespmem:v34+s28+$0x0] =	vst.idx.msk $0xffff, v33  }
0x300: {  	v34 =	vor.u32 s8, v30;
	v33 =	vld [tilespmem:s6+$0xD0];
	_ =	sdelay $0x4  }
0x301: {  	[tilespmem:v34+s28+$0x0] =	vst.idx.msk $0xffff, v33  }
0x302: {  	v34 =	vor.u32 s8, v31;
	v33 =	vld [tilespmem:s6+$0xE0];
	_ =	sdelay $0x4  }
0x303: {  	[tilespmem:v34+s28+$0x0] =	vst.idx.msk $0xffff, v33  }
0x304: {  	v34 =	vor.u32 s8, v32;
	v33 =	vld [tilespmem:s6+$0xF0]  }
.Ltmp10:
0x305: {  	(pc) =	sbr.rel @p0 .LBB2_22-.Ltmp10, $2  }
0x306: {  	_ =	sdelay $0x2  }
0x307: {  	s8 =	sshll.u32 s13, $0x9;
	s13 =	sadd.s32 $0x1, s13;
	s6 =	sadd.s32 $0x200, s6;
	[tilespmem:v34+s28+$0x0] =	vst.idx.msk $0xffff, v33  }
0x308: {  	v33 =	vld [tilespmem:s6+$0xFFFFFF00];
	v34 =	vor.u32 s8, v0;
	_ =	sdelay $0x4  }
0x309: {  	[tilespmem:v34+s28+$0x0] =	vst.idx.msk $0xffff, v33  }
0x30a: {  	v61 =	vor.u32 s8, v2;
	v33 =	vld [tilespmem:s6+$0xFFFFFF10];
	_ =	sdelay $0x4  }
0x30b: {  	[tilespmem:v61+s28+$0x0] =	vst.idx.msk $0xffff, v33  }
0x30c: {  	v62 =	vor.u32 s8, v3;
	v33 =	vld [tilespmem:s6+$0xFFFFFF20];
	_ =	sdelay $0x4  }
0x30d: {  	[tilespmem:v62+s28+$0x0] =	vst.idx.msk $0xffff, v33  }
0x30e: {  	v63 =	vor.u32 s8, v4;
	v33 =	vld [tilespmem:s6+$0xFFFFFF30];
	_ =	sdelay $0x4  }
0x30f: {  	[tilespmem:v63+s28+$0x0] =	vst.idx.msk $0xffff, v33  }
0x310: {  	v36 =	vor.u32 s8, v5;
	v33 =	vld [tilespmem:s6+$0xFFFFFF40];
	_ =	sdelay $0x4  }
0x311: {  	[tilespmem:v36+s28+$0x0] =	vst.idx.msk $0xffff, v33  }
0x312: {  	v37 =	vor.u32 s8, v6;
	v33 =	vld [tilespmem:s6+$0xFFFFFF50];
	_ =	sdelay $0x4  }
0x313: {  	[tilespmem:v37+s28+$0x0] =	vst.idx.msk $0xffff, v33  }
0x314: {  	v38 =	vor.u32 s8, v7;
	v33 =	vld [tilespmem:s6+$0xFFFFFF60];
	_ =	sdelay $0x4  }
0x315: {  	[tilespmem:v38+s28+$0x0] =	vst.idx.msk $0xffff, v33  }
0x316: {  	v39 =	vor.u32 s8, v8;
	v33 =	vld [tilespmem:s6+$0xFFFFFF70];
	_ =	sdelay $0x4  }
0x317: {  	[tilespmem:v39+s28+$0x0] =	vst.idx.msk $0xffff, v33  }
0x318: {  	v40 =	vor.u32 s8, v9;
	v33 =	vld [tilespmem:s6+$0xFFFFFF80];
	_ =	sdelay $0x4  }
0x319: {  	[tilespmem:v40+s28+$0x0] =	vst.idx.msk $0xffff, v33  }
0x31a: {  	v41 =	vor.u32 s8, v10;
	v33 =	vld [tilespmem:s6+$0xFFFFFF90];
	_ =	sdelay $0x4  }
0x31b: {  	[tilespmem:v41+s28+$0x0] =	vst.idx.msk $0xffff, v33  }
0x31c: {  	v42 =	vor.u32 s8, v11;
	v33 =	vld [tilespmem:s6+$0xFFFFFFA0];
	_ =	sdelay $0x4  }
0x31d: {  	[tilespmem:v42+s28+$0x0] =	vst.idx.msk $0xffff, v33  }
0x31e: {  	v43 =	vor.u32 s8, v12;
	v33 =	vld [tilespmem:s6+$0xFFFFFFB0];
	_ =	sdelay $0x4  }
0x31f: {  	[tilespmem:v43+s28+$0x0] =	vst.idx.msk $0xffff, v33  }
0x320: {  	v44 =	vor.u32 s8, v13;
	v33 =	vld [tilespmem:s6+$0xFFFFFFC0];
	_ =	sdelay $0x4  }
0x321: {  	[tilespmem:v44+s28+$0x0] =	vst.idx.msk $0xffff, v33  }
0x322: {  	v45 =	vor.u32 s8, v14;
	v33 =	vld [tilespmem:s6+$0xFFFFFFD0];
	_ =	sdelay $0x4  }
0x323: {  	[tilespmem:v45+s28+$0x0] =	vst.idx.msk $0xffff, v33  }
0x324: {  	v46 =	vor.u32 s8, v15;
	v33 =	vld [tilespmem:s6+$0xFFFFFFE0];
	_ =	sdelay $0x4  }
0x325: {  	[tilespmem:v46+s28+$0x0] =	vst.idx.msk $0xffff, v33  }
0x326: {  	v47 =	vor.u32 s8, v16;
	v33 =	vld [tilespmem:s6+$0xFFFFFFF0];
	_ =	sdelay $0x4  }
0x327: {  	[tilespmem:v47+s28+$0x0] =	vst.idx.msk $0xffff, v33  }
0x328: {  	v48 =	vor.u32 s8, v17;
	v33 =	vld [tilespmem:s6+$0x0];
	_ =	sdelay $0x4  }
0x329: {  	[tilespmem:v48+s28+$0x0] =	vst.idx.msk $0xffff, v33  }
0x32a: {  	v49 =	vor.u32 s8, v18;
	v33 =	vld [tilespmem:s6+$0x10];
	_ =	sdelay $0x4  }
0x32b: {  	[tilespmem:v49+s28+$0x0] =	vst.idx.msk $0xffff, v33  }
0x32c: {  	v50 =	vor.u32 s8, v19;
	v33 =	vld [tilespmem:s6+$0x20];
	_ =	sdelay $0x4  }
0x32d: {  	[tilespmem:v50+s28+$0x0] =	vst.idx.msk $0xffff, v33  }
0x32e: {  	v51 =	vor.u32 s8, v20;
	v33 =	vld [tilespmem:s6+$0x30];
	_ =	sdelay $0x4  }
0x32f: {  	[tilespmem:v51+s28+$0x0] =	vst.idx.msk $0xffff, v33  }
0x330: {  	v52 =	vor.u32 s8, v21;
	v33 =	vld [tilespmem:s6+$0x40];
	_ =	sdelay $0x4  }
0x331: {  	[tilespmem:v52+s28+$0x0] =	vst.idx.msk $0xffff, v33  }
0x332: {  	v53 =	vor.u32 s8, v22;
	v33 =	vld [tilespmem:s6+$0x50];
	_ =	sdelay $0x4  }
0x333: {  	[tilespmem:v53+s28+$0x0] =	vst.idx.msk $0xffff, v33  }
0x334: {  	v54 =	vor.u32 s8, v23;
	v33 =	vld [tilespmem:s6+$0x60];
	_ =	sdelay $0x4  }
0x335: {  	[tilespmem:v54+s28+$0x0] =	vst.idx.msk $0xffff, v33  }
0x336: {  	v55 =	vor.u32 s8, v24;
	v33 =	vld [tilespmem:s6+$0x70];
	_ =	sdelay $0x4  }
0x337: {  	[tilespmem:v55+s28+$0x0] =	vst.idx.msk $0xffff, v33  }
0x338: {  	v56 =	vor.u32 s8, v25;
	v33 =	vld [tilespmem:s6+$0x80];
	_ =	sdelay $0x4  }
0x339: {  	[tilespmem:v56+s28+$0x0] =	vst.idx.msk $0xffff, v33  }
0x33a: {  	v57 =	vor.u32 s8, v26;
	v33 =	vld [tilespmem:s6+$0x90];
	_ =	sdelay $0x4  }
0x33b: {  	[tilespmem:v57+s28+$0x0] =	vst.idx.msk $0xffff, v33  }
0x33c: {  	v58 =	vor.u32 s8, v27;
	v33 =	vld [tilespmem:s6+$0xA0];
	_ =	sdelay $0x4  }
0x33d: {  	[tilespmem:v58+s28+$0x0] =	vst.idx.msk $0xffff, v33  }
0x33e: {  	v59 =	vor.u32 s8, v28;
	v33 =	vld [tilespmem:s6+$0xB0];
	_ =	sdelay $0x4  }
0x33f: {  	[tilespmem:v59+s28+$0x0] =	vst.idx.msk $0xffff, v33  }
0x340: {  	v60 =	vor.u32 s8, v29;
	v33 =	vld [tilespmem:s6+$0xC0];
	_ =	sdelay $0x4  }
0x341: {  	[tilespmem:v60+s28+$0x0] =	vst.idx.msk $0xffff, v33  }
0x342: {  	v61 =	vor.u32 s8, v30;
	v33 =	vld [tilespmem:s6+$0xD0];
	_ =	sdelay $0x4  }
0x343: {  	[tilespmem:v61+s28+$0x0] =	vst.idx.msk $0xffff, v33  }
0x344: {  	v62 =	vor.u32 s8, v31;
	v33 =	vld [tilespmem:s6+$0xE0];
	_ =	sdelay $0x4  }
0x345: {  	[tilespmem:v62+s28+$0x0] =	vst.idx.msk $0xffff, v33  }
0x346: {  	v63 =	vor.u32 s8, v32;
	v33 =	vld [tilespmem:s6+$0xF0];
	_ =	sdelay $0x4  }
0x347: {  	s15 =	rddreg [dreg:$0x6];
	[tilespmem:v63+s28+$0x0] =	vst.idx.msk $0xffff, v33  }
0x348: {  	[hbm4b:s15+s29] =	stream.strided.scatter [tilespmem:s28], [sflag:$0x4], $0x6400, s30, s29, $0x38;
	[tilespmem:$0x1A3E0] =	vst v63  }
0x349: {  	_ =	swait.ge [sflag:s1], $0x6400  }
0x34a: {  	s24 =	rddreg [dreg:$0x8]  }
0x34b: {  	s25 =	rddreg [dreg:$0x7];
	s8 =	sadd.s32 $0x1, s24  }
0x34c: {  	p0 =	sne.s32 s8, s25  }
.Ltmp11:
0x34d: {  	_ = 	snop;
	(pc) =	sbr.rel @p0 .LBB2_1-.Ltmp11, $3  }
0x34e: {  	_ =	sdelay $0x1  }
0x34f: {  	[sflag:s1] =	ssyncset.done $0x0  }
0x350: {  	[sflag:s1] =	ssyncadd.s32 $0xFFFF9C00  }
0x351: {  	_ =	sfence.sel $0x180000  }
0x352: {  	[bflag:$0x0] =	sbarrier.arrive $0xFFFF  }
0x353: {  	_ =	strace $0x90000047  }
0x354: {  	s0 =	stileid.u32;
	[bflag:$0x2] =	sbarrier.arrive $0xFFFF  }
0x355: {  	p0 =	sne.s32 s0, $0x0;
	s0 =	rddreg [dreg:$0x2]  }
0x356: {  	s0 =	sadd.s32 @!p0 $0x100000, s0  }
0x357: {  	[sflag:s0] =	ssyncadd.tile.s32 @!p0 $0x1;
	_ =	shalt  }
.Lfunc_end2:
_tile_overlayer_lowered:
.L_overlay_start_2:
0x358: {  	(tag) =	ssettag $0x2  }
0x359: {  	s0 =	rddreg [dreg:$0x0];
	s2 =	stileid.u32  }
0x35a: {  	s1 =	rddreg [dreg:$0x1];
	p0 =	sne.s32 s2, $0x0  }
0x35b: {  	s3 =	rddreg [dreg:$0x2];
	[bflag:$0x3] =	sbarrier.arrive $0xFFFF;
	s2 =	simm.s32 @!p0 $0x1C05  }
0x35c: {  	[timem:s3], [sflag:s2] =	dma.local @!p0 [hbm:s0], s1  }
0x35d: {  	s0 =	simm.s32 @!p0 $0x5  }
0x35e: {  	_ =	swait.ge @!p0 [sflag:s0], s1  }
0x35f: {  	s1 =	ssub.s32 @!p0 $0x0, s1;
	[sflag:s0] =	ssyncset.done @!p0 $0x0  }
0x360: {  	[sflag:s0] =	ssyncadd.s32 @!p0 s1  }
0x361: {  	[bflag:$0x3] =	sbarrier.arrive $0xFFFF  }
0x362: {  	_ =	shalt  }

</sc_bundles>
